<compile_context>
chip_gen: v7x
topology: tpu7x:2x2x1
jax: 0.10.2.dev20260603
libtpu: 0.0.44.dev20260713+nightly
codegen_flags: <defaults>
</compile_context>

<pallas_src>
import functools

import jax
import jax.numpy as jnp
from jax import lax
from jax.experimental import pallas as pl
from jax.experimental.pallas import tpu as pltpu
from jax.experimental.pallas import tpu_sc as plsc

_K_BY_HEAD = (10, 20, 40, 500)
_ROWS_PER_BLOCK = 256
_PROBES_PER_CHECK = 4
_MAX_CHECKS = 18
_SC_SLABS = 2


def _monotone_i32(b):
    return jnp.where(b >= 0, b, b ^ jnp.int32(0x7FFFFFFF))


def _unmap_f32(m):
    b = jnp.where(m >= 0, m, m ^ jnp.int32(0x7FFFFFFF))
    return jax.lax.bitcast_convert_type(b, jnp.float32)


def _topk_softmax_block(k_ref, x_ref, o_ref, lo_ref, hi_ref, clo_ref, chi_ref,
                        xt_ref):
    x = x_ref[0]
    k = k_ref[pl.program_id(0)]
    R, N = x.shape
    xt_ref[...] = x.T
    xt = xt_ref[...]

    xmin = jnp.min(xt, axis=0, keepdims=True)
    xmax = jnp.max(xt, axis=0, keepdims=True)
    lo_ref[...] = _monotone_i32(jax.lax.bitcast_convert_type(xmin, jnp.int32))
    hi_ref[...] = _monotone_i32(jax.lax.bitcast_convert_type(xmax, jnp.int32))
    clo_ref[...] = jnp.full((1, R), N, jnp.int32)
    chi_ref[...] = jnp.zeros((1, R), jnp.int32)

    def probe(u, state):
        lo, hi, clo, chi = state
        frozen = (chi == k) | (lo >= hi)
        lo_f = lo.astype(jnp.float32)
        hi_f = hi.astype(jnp.float32)
        frac = (clo - k).astype(jnp.float32) / jnp.maximum(
            (clo - chi).astype(jnp.float32), 1.0
        )
        mid_i = jnp.clip(
            (lo_f + (hi_f - lo_f) * frac).astype(jnp.int32), lo + 1, hi
        )
        mid_b = (lo >> 1) + (hi >> 1) + (lo & hi & 1) + ((lo ^ hi) & 1)
        mid = jnp.where(u % 2 == 0, mid_i, mid_b)
        mid = jnp.where(frozen, lo, mid)

        cnt = jnp.sum((xt >= _unmap_f32(mid)).astype(jnp.int32), axis=0,
                      keepdims=True)
        gt = cnt > k
        lo = jnp.where(frozen | ~gt, lo, mid)
        clo = jnp.where(frozen | ~gt, clo, cnt)
        hi = jnp.where(frozen | gt, hi, mid - 1)
        chi = jnp.where(frozen | gt, chi, cnt)
        return lo, hi, clo, chi

    def cond(c):
        return c < _MAX_CHECKS

    def body(c):
        state = (lo_ref[...], hi_ref[...], clo_ref[...], chi_ref[...])
        state = jax.lax.fori_loop(
            0, _PROBES_PER_CHECK,
            lambda u, s: probe(c * _PROBES_PER_CHECK + u, s),
            state, unroll=True,
        )
        lo, hi, clo, chi = state
        lo_ref[...] = lo
        hi_ref[...] = hi
        clo_ref[...] = clo
        chi_ref[...] = chi
        ndone = jnp.sum(((chi == k) | (lo >= hi)).astype(jnp.int32))
        return jnp.where(ndone < R, c + 1, _MAX_CHECKS + 1)

    jax.lax.while_loop(cond, body, jnp.int32(0))

    lo = lo_ref[...]
    hi = hi_ref[...]
    clo = clo_ref[...]
    chi = chi_ref[...]
    band_lo = _unmap_f32(lo)
    band_hi = _unmap_f32(hi + 1)
    definite = xt >= band_hi
    band = (xt >= band_lo) & jnp.logical_not(definite)
    j = k - chi
    bc = clo - chi

    keep = definite | (band & (bc == j))
    e = jnp.where(keep, jnp.exp(xt - xmax), 0.0)
    s = jnp.sum(e, axis=0, keepdims=True)
    o_ref[0] = (e / s).T

    @pl.when(jnp.any(bc > j))
    def _tie_fixup():
        C = 128
        nc = N // C
        bandr = (x >= band_lo.T) & (x < band_hi.T)
        b3 = bandr.astype(jnp.bfloat16).reshape(R, nc, C)
        i0 = jax.lax.broadcasted_iota(jnp.int32, (C, C), 0)
        i1 = jax.lax.broadcasted_iota(jnp.int32, (C, C), 1)
        tri = (i0 <= i1).astype(jnp.bfloat16)
        pc = jax.lax.dot_general(
            b3, tri, (((2,), (0,)), ((), ())),
            preferred_element_type=jnp.float32,
        )
        tot = pc[:, :, C - 1]
        s0 = jax.lax.broadcasted_iota(jnp.int32, (nc, nc), 0)
        s1 = jax.lax.broadcasted_iota(jnp.int32, (nc, nc), 1)
        stri = (s0 < s1).astype(jnp.float32)
        off = jax.lax.dot_general(
            tot, stri, (((1,), (0,)), ((), ())),
            preferred_element_type=jnp.float32,
        )
        prefix = (pc + off[:, :, None]).reshape(R, N)
        keep2 = (x >= band_hi.T) | (bandr & (prefix <= (k - chi.T).astype(jnp.float32)))
        e2 = jnp.where(keep2, jnp.exp(x - xmax.T), 0.0)
        s2 = jnp.sum(e2, axis=-1, keepdims=True)
        o_ref[0] = e2 / s2


def _make_sc_kernel(Q, N, first_slab, rows_per_slab):
    info = plsc.get_sparse_core_info()
    NW = info.num_cores * info.num_subcores
    gpw = Q // 16 // NW
    nch = N // 16

    mesh = plsc.VectorSubcoreMesh(core_axis_name="c", subcore_axis_name="s")

    @functools.partial(
        pl.kernel,
        mesh=mesh,
        compiler_params=pltpu.CompilerParams(use_tc_tiling_on_sc=False),
        out_type=jax.ShapeDtypeStruct((N, Q), jnp.float32),
        scratch_types=[
            pltpu.VMEM((N, 16), jnp.float32),
            pltpu.VMEM((N, 16), jnp.float32),
        ],
    )
    def sc_fn(xT_hbm, oT_hbm, in_v, out_v):
        wid = lax.axis_index("s") * info.num_cores + lax.axis_index("c")

        def grp_body(g, carry):
            r0 = (wid * gpw + g) * 16
            slab = first_slab + r0 // rows_per_slab
            h = slab % 4
            k = jnp.where(
                h == 0, 10, jnp.where(h == 1, 20, jnp.where(h == 2, 40, 500))
            ).astype(jnp.int32)
            pltpu.sync_copy(xT_hbm.at[:, pl.ds(r0, 16)], in_v)

            def probe(i, st):
                lo, hi = st
                mid = (lo >> 1) + (hi >> 1) + (lo & hi & 1) + ((lo ^ hi) & 1)
                t_f = _unmap_f32(mid)

                def cnt_chunk(c, acc):
                    for u in range(16):
                        v = in_v[c * 16 + u]
                        acc = acc + jnp.where(v >= t_f, 1, 0)
                    return acc

                cnt = lax.fori_loop(
                    0, nch, cnt_chunk, jnp.zeros((16,), jnp.int32)
                )
                ge = cnt >= k
                lo = jnp.where(ge, mid, lo)
                hi = jnp.where(ge, hi, mid - 1)
                return lo, hi

            lo0 = jnp.full((16,), -2139095041, jnp.int32)
            hi0 = jnp.full((16,), 2139095040, jnp.int32)
            lo, hi = lax.fori_loop(0, 32, probe, (lo0, hi0))
            t_f = _unmap_f32(lo)

            def e_chunk(c, acc):
                for u in range(16):
                    v = in_v[c * 16 + u]
                    e = jnp.where(v >= t_f, jnp.exp(v), 0.0)
                    out_v[c * 16 + u] = e
                    acc = acc + e
                return acc

            acc = lax.fori_loop(0, nch, e_chunk, jnp.zeros((16,), jnp.float32))
            rs = 1.0 / acc

            def s_chunk(c, cc):
                for u in range(16):
                    out_v[c * 16 + u] = out_v[c * 16 + u] * rs
                return cc

            lax.fori_loop(0, nch, s_chunk, jnp.int32(0))
            pltpu.sync_copy(out_v, oT_hbm.at[:, pl.ds(r0, 16)])
            return carry

        lax.fori_loop(0, gpw, grp_body, jnp.int32(0))

    return sc_fn


@jax.jit
def kernel(attention):
    B, H, M, N = attention.shape
    S = B * H
    x = attention.reshape(S, M, N)
    G = _SC_SLABS if (M == 2048 and N == 2048 and S == 16) else 0
    S_tc = S - G
    ks = jnp.tile(
        jnp.array([min(k, N) for k in _K_BY_HEAD], dtype=jnp.int32), B
    )[:S_tc]
    R = min(_ROWS_PER_BLOCK, M)
    nb = M // R

    grid_spec = pltpu.PrefetchScalarGridSpec(
        num_scalar_prefetch=1,
        grid=(S_tc, nb),
        in_specs=[
            pl.BlockSpec((1, R, N), lambda s, j, k_ref: (s, j, 0)),
        ],
        out_specs=pl.BlockSpec((1, R, N), lambda s, j, k_ref: (s, j, 0)),
        scratch_shapes=[
            pltpu.VMEM((1, R), jnp.int32),
            pltpu.VMEM((1, R), jnp.int32),
            pltpu.VMEM((1, R), jnp.int32),
            pltpu.VMEM((1, R), jnp.int32),
            pltpu.VMEM((N, R), jnp.float32),
        ],
    )
    if G > 0:
        sc_fn = _make_sc_kernel(G * M, N, S_tc, M)
        xT = x[S_tc:].reshape(G * M, N).T
        outT_sc = sc_fn(xT)
    out_tc = pl.pallas_call(
        _topk_softmax_block,
        grid_spec=grid_spec,
        out_shape=jax.ShapeDtypeStruct((S_tc, M, N), jnp.float32),
        compiler_params=pltpu.CompilerParams(
            dimension_semantics=("parallel", "parallel"),
        ),
    )(ks, x[:S_tc])
    if G == 0:
        return out_tc.reshape(B, H, M, N)
    out_sc = outT_sc.T.reshape(G, M, N)
    out = jnp.concatenate([out_tc, out_sc], axis=0)
    return out.reshape(B, H, M, N)

# --- scband reference (transcript-rebuilt; emitter-appended) ---
"""Pipeline reference for scband-ada-gcn-79963701117631 (READ-ONLY COPY).

The authoritative reference and input builder live on the scoring server;
editing this copy changes nothing except your own understanding.
"""

import jax, jax.numpy as jnp
import numpy as np

K_LIST = [10, 20, 40, 500]
MARKOFF = -1e20


def setup_inputs(seed: int = 0) -> dict:
    key = jax.random.key(seed)
    attention = jax.random.normal(key, (4, 4, 2048, 2048), dtype=jnp.float32)
    return {"attention": attention}


def _build_knn_neighbourhood(att, topk, markoff_value):
    # att: [B, N, N]; keep top-k per row, fill the rest with markoff_value
    topk = min(topk, att.shape[-1])
    knn_val, knn_ind = jax.lax.top_k(att, topk)  # [B, N, k]
    base = jnp.full(att.shape, markoff_value, dtype=att.dtype)
    b = jnp.arange(att.shape[0])[:, None, None]
    r = jnp.arange(att.shape[1])[None, :, None]
    return base.at[b, r, knn_ind].set(knn_val)


def reference(attention):
    # Faithful port of sample.forward: per-head kNN masking with head-specific K,
    # then softmax over the last dim.
    outs = []
    for h in range(attention.shape[1]):
        adj = _build_knn_neighbourhood(attention[:, h, :, :], K_LIST[h], MARKOFF)
        outs.append(jax.nn.softmax(adj, axis=-1)[:, None, :, :])
    return jnp.concatenate(outs, axis=1)

if __name__ == "__main__":
    import jax
    _d = setup_inputs()
    print(jax.jit(kernel)(*tuple(_d.values())))

</pallas_src>

<mosaic_0001>
#map = affine_map<(d0, d1) -> (0, 0)>
module attributes {stable_mosaic.version = 14 : i64} {
  func.func @sc_fn(%arg0: i32, %arg1: i32, %arg2: memref<2048x4096xf32, #tpu.memory_space<hbm>>, %arg3: memref<2048x4096xf32, #tpu.memory_space<hbm>>, %arg4: memref<2048x16xf32, #tpu.memory_space<vmem>>, %arg5: memref<2048x16xf32, #tpu.memory_space<vmem>>) attributes {dimension_semantics = [#tpu.dimension_semantics<core_parallel>, #tpu.dimension_semantics<subcore_parallel>], iteration_bounds = array<i64: 2, 16>, scalar_prefetch = 0 : i64, scratch_operands = 2 : i64, tpu.core_type = #tpu.core_type<sc_vector_subcore>, window_params = [{transform_indices = #map}, {transform_indices = #map}]} {
    %mul3A = arith.constant 2 : i32
    %mul3A_0 = arith.muli %arg1, %mul3A : i32
    %add3A = arith.addi %mul3A_0, %arg0 : i32
    %scan3A = arith.constant 0 : i32
    %scan3A_1 = arith.constant 0 : i32
    %scan3A_2 = arith.constant 8 : i32
    %scan3A_3 = arith.addi %scan3A_1, %scan3A_2 : i32
    %scan3A_4 = arith.constant 1 : i32
    scf.for %scan3A_6 = %scan3A_1 to %scan3A_3 step %scan3A_4  : i32 {
      %mul3A_7 = arith.constant 8 : i32
      %mul3A_8 = arith.muli %add3A, %mul3A_7 : i32
      %add3A_9 = arith.addi %mul3A_8, %scan3A_6 : i32
      %mul3A_10 = arith.constant 16 : i32
      %mul3A_11 = arith.muli %add3A_9, %mul3A_10 : i32
      %jit3A = arith.constant 2048 : i32
      %div3A = arith.divsi %mul3A_11, %jit3A : i32
      %sign3A = arith.constant 0 : i32
      %sign3A_12 = arith.cmpi sgt, %mul3A_11, %sign3A : i32
      %sign3A_13 = arith.extui %sign3A_12 : i1 to i32
      %sign3A_14 = arith.constant 0 : i32
      %sign3A_15 = arith.cmpi slt, %mul3A_11, %sign3A_14 : i32
      %sign3A_16 = arith.extui %sign3A_15 : i1 to i32
      %sign3A_17 = arith.subi %sign3A_13, %sign3A_16 : i32
      %sign3A_18 = arith.constant 0 : i32
      %sign3A_19 = arith.cmpi sgt, %jit3A, %sign3A_18 : i32
      %sign3A_20 = arith.extui %sign3A_19 : i1 to i32
      %sign3A_21 = arith.constant 0 : i32
      %sign3A_22 = arith.cmpi slt, %jit3A, %sign3A_21 : i32
      %sign3A_23 = arith.extui %sign3A_22 : i1 to i32
      %sign3A_24 = arith.subi %sign3A_20, %sign3A_23 : i32
      %ne3A = arith.cmpi ne, %sign3A_17, %sign3A_24 : i32
      %rem3A = arith.remsi %mul3A_11, %jit3A : i32
      %ne3A_25 = arith.constant 0 : i32
      %ne3A_26 = arith.cmpi ne, %rem3A, %ne3A_25 : i32
      %and3A = arith.andi %ne3A, %ne3A_26 : i1
      %sub3A = arith.constant 1 : i32
      %sub3A_27 = arith.subi %div3A, %sub3A : i32
      %select_n3A = arith.select %and3A, %sub3A_27, %div3A : i32
      %add3A_28 = arith.constant 14 : i32
      %add3A_29 = arith.addi %add3A_28, %select_n3A : i32
      %jit3A_30 = arith.constant 4 : i32
      %eq3A = arith.constant 0 : i32
      %eq3A_31 = arith.cmpi eq, %jit3A_30, %eq3A : i32
      %jit3A_32 = arith.constant 1 : i32
      %select_n3A_33 = arith.select %eq3A_31, %jit3A_32, %jit3A_30 : i32
      %rem3A_34 = arith.remsi %add3A_29, %select_n3A_33 : i32
      %ne3A_35 = arith.constant 0 : i32
      %ne3A_36 = arith.cmpi ne, %rem3A_34, %ne3A_35 : i32
      %lt3A = arith.constant 0 : i32
      %lt3A_37 = arith.cmpi slt, %rem3A_34, %lt3A : i32
      %lt3A_38 = arith.constant 0 : i32
      %lt3A_39 = arith.cmpi slt, %select_n3A_33, %lt3A_38 : i32
      %ne3A_40 = arith.xori %lt3A_37, %lt3A_39 : i1
      %and3A_41 = arith.andi %ne3A_40, %ne3A_36 : i1
      %add3A_42 = arith.addi %rem3A_34, %select_n3A_33 : i32
      %select_n3A_43 = arith.select %and3A_41, %add3A_42, %rem3A_34 : i32
      %eq3A_44 = arith.constant 0 : i32
      %eq3A_45 = arith.cmpi eq, %select_n3A_43, %eq3A_44 : i32
      %eq3A_46 = arith.constant 1 : i32
      %eq3A_47 = arith.cmpi eq, %select_n3A_43, %eq3A_46 : i32
      %eq3A_48 = arith.constant 2 : i32
      %eq3A_49 = arith.cmpi eq, %select_n3A_43, %eq3A_48 : i32
      %jit3A_50 = arith.constant 40 : i32
      %jit3A_51 = arith.constant 500 : i32
      %select_n3A_52 = arith.select %eq3A_49, %jit3A_50, %jit3A_51 : i32
      %jit3A_53 = arith.constant 20 : i32
      %select_n3A_54 = arith.select %eq3A_47, %jit3A_53, %select_n3A_52 : i32
      %jit3A_55 = arith.constant 10 : i32
      %select_n3A_56 = arith.select %eq3A_45, %jit3A_55, %select_n3A_54 : i32
      "tpu.region"() ({
        %run_scoped3A = tpu.sem_alloc : memref<!tpu.dma_semaphore, #tpu.memory_space<semaphore_mem>>
        %dma_start3A = arith.constant 0 : i32
        %dma_start3A_88 = tpu.memref_slice %arg2[%dma_start3A, %mul3A_11] : memref<2048x4096xf32, #tpu.memory_space<hbm>> -> memref<2048x16xf32, #tpu.memory_space<hbm>>
        %dma_start3A_89 = arith.constant 0 : i32
        %dma_start3A_90 = tpu.memref_slice %arg2[%dma_start3A_89, %mul3A_11] : memref<2048x4096xf32, #tpu.memory_space<hbm>> -> memref<2048x16xf32, #tpu.memory_space<hbm>>
        tpu.enqueue_dma source(%dma_start3A_90 : memref<2048x16xf32, #tpu.memory_space<hbm>>) target(%arg4 : memref<2048x16xf32, #tpu.memory_space<vmem>>) target_semaphore(%run_scoped3A : memref<!tpu.dma_semaphore, #tpu.memory_space<semaphore_mem>>)
        %dma_wait3A = arith.constant 0 : i32
        %dma_wait3A_91 = tpu.memref_slice %arg2[%dma_wait3A, %mul3A_11] : memref<2048x4096xf32, #tpu.memory_space<hbm>> -> memref<2048x16xf32, #tpu.memory_space<hbm>>
        %dma_wait3A_92 = arith.constant 0 : i32
        %dma_wait3A_93 = tpu.memref_slice %arg2[%dma_wait3A_92, %mul3A_11] : memref<2048x4096xf32, #tpu.memory_space<hbm>> -> memref<2048x16xf32, #tpu.memory_space<hbm>>
        tpu.wait_dma2 semaphore(%run_scoped3A : memref<!tpu.dma_semaphore, #tpu.memory_space<semaphore_mem>>) src(%dma_wait3A_93 : memref<2048x16xf32, #tpu.memory_space<hbm>>) dst(%arg4 : memref<2048x16xf32, #tpu.memory_space<vmem>>)
        tpu.yield
      }) : () -> ()
      %broadcast_in_dim3A = arith.constant -2139095041 : i32
      %broadcast_in_dim3A_57 = vector.broadcast %broadcast_in_dim3A : i32 to vector<16xi32>
      %broadcast_in_dim3A_58 = arith.constant 2139095040 : i32
      %broadcast_in_dim3A_59 = vector.broadcast %broadcast_in_dim3A_58 : i32 to vector<16xi32>
      %scan3A_60 = arith.constant 0 : i32
      %scan3A_61 = arith.constant 32 : i32
      %scan3A_62 = arith.addi %scan3A_60, %scan3A_61 : i32
      %scan3A_63 = arith.constant 1 : i32
      %scan3A_64:2 = scf.for %scan3A_88 = %scan3A_60 to %scan3A_62 step %scan3A_63 iter_args(%scan3A_89 = %broadcast_in_dim3A_57, %scan3A_90 = %broadcast_in_dim3A_59) -> (vector<16xi32>, vector<16xi32>)  : i32 {
        %shift_right_arithmetic3A = arith.constant 1 : i32
        %shift_right_arithmetic3A_91 = vector.broadcast %shift_right_arithmetic3A : i32 to vector<16xi32>
        %shift_right_arithmetic3A_92 = arith.shrsi %scan3A_89, %shift_right_arithmetic3A_91 : vector<16xi32>
        %shift_right_arithmetic3A_93 = arith.constant 1 : i32
        %shift_right_arithmetic3A_94 = vector.broadcast %shift_right_arithmetic3A_93 : i32 to vector<16xi32>
        %shift_right_arithmetic3A_95 = arith.shrsi %scan3A_90, %shift_right_arithmetic3A_94 : vector<16xi32>
        %add3A_96 = arith.addi %shift_right_arithmetic3A_92, %shift_right_arithmetic3A_95 : vector<16xi32>
        %and3A_97 = arith.andi %scan3A_89, %scan3A_90 : vector<16xi32>
        %and3A_98 = arith.constant 1 : i32
        %and3A_99 = vector.broadcast %and3A_98 : i32 to vector<16xi32>
        %and3A_100 = arith.andi %and3A_97, %and3A_99 : vector<16xi32>
        %add3A_101 = arith.addi %add3A_96, %and3A_100 : vector<16xi32>
        %xor3A_102 = arith.xori %scan3A_89, %scan3A_90 : vector<16xi32>
        %and3A_103 = arith.constant 1 : i32
        %and3A_104 = vector.broadcast %and3A_103 : i32 to vector<16xi32>
        %and3A_105 = arith.andi %xor3A_102, %and3A_104 : vector<16xi32>
        %add3A_106 = arith.addi %add3A_101, %and3A_105 : vector<16xi32>
        %ge3A_107 = arith.constant 0 : i32
        %ge3A_108 = vector.broadcast %ge3A_107 : i32 to vector<16xi32>
        %ge3A_109 = arith.cmpi sge, %add3A_106, %ge3A_108 : vector<16xi32>
        %xor3A_110 = arith.constant 2147483647 : i32
        %xor3A_111 = vector.broadcast %xor3A_110 : i32 to vector<16xi32>
        %xor3A_112 = arith.xori %add3A_106, %xor3A_111 : vector<16xi32>
        %select_n3A_113 = arith.select %ge3A_109, %add3A_106, %xor3A_112 : vector<16xi1>, vector<16xi32>
        %bitcast_convert_type3A_114 = tpu.bitcast %select_n3A_113 : vector<16xi32> -> vector<16xf32>
        %broadcast_in_dim3A_115 = arith.constant 0 : i32
        %broadcast_in_dim3A_116 = vector.broadcast %broadcast_in_dim3A_115 : i32 to vector<16xi32>
        %scan3A_117 = arith.constant 0 : i32
        %scan3A_118 = arith.constant 128 : i32
        %scan3A_119 = arith.addi %scan3A_117, %scan3A_118 : i32
        %scan3A_120 = arith.constant 1 : i32
        %scan3A_121 = scf.for %scan3A_130 = %scan3A_117 to %scan3A_119 step %scan3A_120 iter_args(%scan3A_131 = %broadcast_in_dim3A_116) -> (vector<16xi32>)  : i32 {
          %mul3A_132 = arith.constant 16 : i32
          %mul3A_133 = arith.muli %scan3A_130, %mul3A_132 : i32
          %add3A_134 = arith.constant 0 : i32
          %add3A_135 = arith.addi %mul3A_133, %add3A_134 : i32
          %get3A = arith.index_cast %add3A_135 : i32 to index
          %get3A_136 = arith.constant 0 : index
          %get3A_137 = tpu.vector_load %arg4[%get3A, %get3A_136] {strides = array<i32>} : memref<2048x16xf32, #tpu.memory_space<vmem>>, vector<1x16xf32>,
          %get3A_138 = vector.shape_cast %get3A_137 : vector<1x16xf32> to vector<16xf32>
          %ge3A_139 = arith.cmpf oge, %get3A_138, %bitcast_convert_type3A_114 : vector<16xf32>
          %jit3A_140 = arith.constant 1 : i32
          %jit3A_141 = arith.constant 0 : i32
          %broadcast_in_dim3A_142 = vector.broadcast %jit3A_140 : i32 to vector<16xi32>
          %broadcast_in_dim3A_143 = vector.broadcast %jit3A_141 : i32 to vector<16xi32>
          %select_n3A_144 = arith.select %ge3A_139, %broadcast_in_dim3A_142, %broadcast_in_dim3A_143 : vector<16xi1>, vector<16xi32>
          %add3A_145 = arith.addi %scan3A_131, %select_n3A_144 : vector<16xi32>
          %mul3A_146 = arith.constant 16 : i32
          %mul3A_147 = arith.muli %scan3A_130, %mul3A_146 : i32
          %add3A_148 = arith.constant 1 : i32
          %add3A_149 = arith.addi %mul3A_147, %add3A_148 : i32
          %get3A_150 = arith.index_cast %add3A_149 : i32 to index
          %get3A_151 = arith.constant 0 : index
          %get3A_152 = tpu.vector_load %arg4[%get3A_150, %get3A_151] {strides = array<i32>} : memref<2048x16xf32, #tpu.memory_space<vmem>>, vector<1x16xf32>,
          %get3A_153 = vector.shape_cast %get3A_152 : vector<1x16xf32> to vector<16xf32>
          %ge3A_154 = arith.cmpf oge, %get3A_153, %bitcast_convert_type3A_114 : vector<16xf32>
          %jit3A_155 = arith.constant 1 : i32
          %jit3A_156 = arith.constant 0 : i32
          %broadcast_in_dim3A_157 = vector.broadcast %jit3A_155 : i32 to vector<16xi32>
          %broadcast_in_dim3A_158 = vector.broadcast %jit3A_156 : i32 to vector<16xi32>
          %select_n3A_159 = arith.select %ge3A_154, %broadcast_in_dim3A_157, %broadcast_in_dim3A_158 : vector<16xi1>, vector<16xi32>
          %add3A_160 = arith.addi %add3A_145, %select_n3A_159 : vector<16xi32>
          %mul3A_161 = arith.constant 16 : i32
          %mul3A_162 = arith.muli %scan3A_130, %mul3A_161 : i32
          %add3A_163 = arith.constant 2 : i32
          %add3A_164 = arith.addi %mul3A_162, %add3A_163 : i32
          %get3A_165 = arith.index_cast %add3A_164 : i32 to index
          %get3A_166 = arith.constant 0 : index
          %get3A_167 = tpu.vector_load %arg4[%get3A_165, %get3A_166] {strides = array<i32>} : memref<2048x16xf32, #tpu.memory_space<vmem>>, vector<1x16xf32>,
          %get3A_168 = vector.shape_cast %get3A_167 : vector<1x16xf32> to vector<16xf32>
          %ge3A_169 = arith.cmpf oge, %get3A_168, %bitcast_convert_type3A_114 : vector<16xf32>
          %jit3A_170 = arith.constant 1 : i32
          %jit3A_171 = arith.constant 0 : i32
          %broadcast_in_dim3A_172 = vector.broadcast %jit3A_170 : i32 to vector<16xi32>
          %broadcast_in_dim3A_173 = vector.broadcast %jit3A_171 : i32 to vector<16xi32>
          %select_n3A_174 = arith.select %ge3A_169, %broadcast_in_dim3A_172, %broadcast_in_dim3A_173 : vector<16xi1>, vector<16xi32>
          %add3A_175 = arith.addi %add3A_160, %select_n3A_174 : vector<16xi32>
          %mul3A_176 = arith.constant 16 : i32
          %mul3A_177 = arith.muli %scan3A_130, %mul3A_176 : i32
          %add3A_178 = arith.constant 3 : i32
          %add3A_179 = arith.addi %mul3A_177, %add3A_178 : i32
          %get3A_180 = arith.index_cast %add3A_179 : i32 to index
          %get3A_181 = arith.constant 0 : index
          %get3A_182 = tpu.vector_load %arg4[%get3A_180, %get3A_181] {strides = array<i32>} : memref<2048x16xf32, #tpu.memory_space<vmem>>, vector<1x16xf32>,
          %get3A_183 = vector.shape_cast %get3A_182 : vector<1x16xf32> to vector<16xf32>
          %ge3A_184 = arith.cmpf oge, %get3A_183, %bitcast_convert_type3A_114 : vector<16xf32>
          %jit3A_185 = arith.constant 1 : i32
          %jit3A_186 = arith.constant 0 : i32
          %broadcast_in_dim3A_187 = vector.broadcast %jit3A_185 : i32 to vector<16xi32>
          %broadcast_in_dim3A_188 = vector.broadcast %jit3A_186 : i32 to vector<16xi32>
          %select_n3A_189 = arith.select %ge3A_184, %broadcast_in_dim3A_187, %broadcast_in_dim3A_188 : vector<16xi1>, vector<16xi32>
          %add3A_190 = arith.addi %add3A_175, %select_n3A_189 : vector<16xi32>
          %mul3A_191 = arith.constant 16 : i32
          %mul3A_192 = arith.muli %scan3A_130, %mul3A_191 : i32
          %add3A_193 = arith.constant 4 : i32
          %add3A_194 = arith.addi %mul3A_192, %add3A_193 : i32
          %get3A_195 = arith.index_cast %add3A_194 : i32 to index
          %get3A_196 = arith.constant 0 : index
          %get3A_197 = tpu.vector_load %arg4[%get3A_195, %get3A_196] {strides = array<i32>} : memref<2048x16xf32, #tpu.memory_space<vmem>>, vector<1x16xf32>,
          %get3A_198 = vector.shape_cast %get3A_197 : vector<1x16xf32> to vector<16xf32>
          %ge3A_199 = arith.cmpf oge, %get3A_198, %bitcast_convert_type3A_114 : vector<16xf32>
          %jit3A_200 = arith.constant 1 : i32
          %jit3A_201 = arith.constant 0 : i32
          %broadcast_in_dim3A_202 = vector.broadcast %jit3A_200 : i32 to vector<16xi32>
          %broadcast_in_dim3A_203 = vector.broadcast %jit3A_201 : i32 to vector<16xi32>
          %select_n3A_204 = arith.select %ge3A_199, %broadcast_in_dim3A_202, %broadcast_in_dim3A_203 : vector<16xi1>, vector<16xi32>
          %add3A_205 = arith.addi %add3A_190, %select_n3A_204 : vector<16xi32>
          %mul3A_206 = arith.constant 16 : i32
          %mul3A_207 = arith.muli %scan3A_130, %mul3A_206 : i32
          %add3A_208 = arith.constant 5 : i32
          %add3A_209 = arith.addi %mul3A_207, %add3A_208 : i32
          %get3A_210 = arith.index_cast %add3A_209 : i32 to index
          %get3A_211 = arith.constant 0 : index
          %get3A_212 = tpu.vector_load %arg4[%get3A_210, %get3A_211] {strides = array<i32>} : memref<2048x16xf32, #tpu.memory_space<vmem>>, vector<1x16xf32>,
          %get3A_213 = vector.shape_cast %get3A_212 : vector<1x16xf32> to vector<16xf32>
          %ge3A_214 = arith.cmpf oge, %get3A_213, %bitcast_convert_type3A_114 : vector<16xf32>
          %jit3A_215 = arith.constant 1 : i32
          %jit3A_216 = arith.constant 0 : i32
          %broadcast_in_dim3A_217 = vector.broadcast %jit3A_215 : i32 to vector<16xi32>
          %broadcast_in_dim3A_218 = vector.broadcast %jit3A_216 : i32 to vector<16xi32>
          %select_n3A_219 = arith.select %ge3A_214, %broadcast_in_dim3A_217, %broadcast_in_dim3A_218 : vector<16xi1>, vector<16xi32>
          %add3A_220 = arith.addi %add3A_205, %select_n3A_219 : vector<16xi32>
          %mul3A_221 = arith.constant 16 : i32
          %mul3A_222 = arith.muli %scan3A_130, %mul3A_221 : i32
          %add3A_223 = arith.constant 6 : i32
          %add3A_224 = arith.addi %mul3A_222, %add3A_223 : i32
          %get3A_225 = arith.index_cast %add3A_224 : i32 to index
          %get3A_226 = arith.constant 0 : index
          %get3A_227 = tpu.vector_load %arg4[%get3A_225, %get3A_226] {strides = array<i32>} : memref<2048x16xf32, #tpu.memory_space<vmem>>, vector<1x16xf32>,
          %get3A_228 = vector.shape_cast %get3A_227 : vector<1x16xf32> to vector<16xf32>
          %ge3A_229 = arith.cmpf oge, %get3A_228, %bitcast_convert_type3A_114 : vector<16xf32>
          %jit3A_230 = arith.constant 1 : i32
          %jit3A_231 = arith.constant 0 : i32
          %broadcast_in_dim3A_232 = vector.broadcast %jit3A_230 : i32 to vector<16xi32>
          %broadcast_in_dim3A_233 = vector.broadcast %jit3A_231 : i32 to vector<16xi32>
          %select_n3A_234 = arith.select %ge3A_229, %broadcast_in_dim3A_232, %broadcast_in_dim3A_233 : vector<16xi1>, vector<16xi32>
          %add3A_235 = arith.addi %add3A_220, %select_n3A_234 : vector<16xi32>
          %mul3A_236 = arith.constant 16 : i32
          %mul3A_237 = arith.muli %scan3A_130, %mul3A_236 : i32
          %add3A_238 = arith.constant 7 : i32
          %add3A_239 = arith.addi %mul3A_237, %add3A_238 : i32
          %get3A_240 = arith.index_cast %add3A_239 : i32 to index
          %get3A_241 = arith.constant 0 : index
          %get3A_242 = tpu.vector_load %arg4[%get3A_240, %get3A_241] {strides = array<i32>} : memref<2048x16xf32, #tpu.memory_space<vmem>>, vector<1x16xf32>,
          %get3A_243 = vector.shape_cast %get3A_242 : vector<1x16xf32> to vector<16xf32>
          %ge3A_244 = arith.cmpf oge, %get3A_243, %bitcast_convert_type3A_114 : vector<16xf32>
          %jit3A_245 = arith.constant 1 : i32
          %jit3A_246 = arith.constant 0 : i32
          %broadcast_in_dim3A_247 = vector.broadcast %jit3A_245 : i32 to vector<16xi32>
          %broadcast_in_dim3A_248 = vector.broadcast %jit3A_246 : i32 to vector<16xi32>
          %select_n3A_249 = arith.select %ge3A_244, %broadcast_in_dim3A_247, %broadcast_in_dim3A_248 : vector<16xi1>, vector<16xi32>
          %add3A_250 = arith.addi %add3A_235, %select_n3A_249 : vector<16xi32>
          %mul3A_251 = arith.constant 16 : i32
          %mul3A_252 = arith.muli %scan3A_130, %mul3A_251 : i32
          %add3A_253 = arith.constant 8 : i32
          %add3A_254 = arith.addi %mul3A_252, %add3A_253 : i32
          %get3A_255 = arith.index_cast %add3A_254 : i32 to index
          %get3A_256 = arith.constant 0 : index
          %get3A_257 = tpu.vector_load %arg4[%get3A_255, %get3A_256] {strides = array<i32>} : memref<2048x16xf32, #tpu.memory_space<vmem>>, vector<1x16xf32>,
          %get3A_258 = vector.shape_cast %get3A_257 : vector<1x16xf32> to vector<16xf32>
          %ge3A_259 = arith.cmpf oge, %get3A_258, %bitcast_convert_type3A_114 : vector<16xf32>
          %jit3A_260 = arith.constant 1 : i32
          %jit3A_261 = arith.constant 0 : i32
          %broadcast_in_dim3A_262 = vector.broadcast %jit3A_260 : i32 to vector<16xi32>
          %broadcast_in_dim3A_263 = vector.broadcast %jit3A_261 : i32 to vector<16xi32>
          %select_n3A_264 = arith.select %ge3A_259, %broadcast_in_dim3A_262, %broadcast_in_dim3A_263 : vector<16xi1>, vector<16xi32>
          %add3A_265 = arith.addi %add3A_250, %select_n3A_264 : vector<16xi32>
          %mul3A_266 = arith.constant 16 : i32
          %mul3A_267 = arith.muli %scan3A_130, %mul3A_266 : i32
          %add3A_268 = arith.constant 9 : i32
          %add3A_269 = arith.addi %mul3A_267, %add3A_268 : i32
          %get3A_270 = arith.index_cast %add3A_269 : i32 to index
          %get3A_271 = arith.constant 0 : index
          %get3A_272 = tpu.vector_load %arg4[%get3A_270, %get3A_271] {strides = array<i32>} : memref<2048x16xf32, #tpu.memory_space<vmem>>, vector<1x16xf32>,
          %get3A_273 = vector.shape_cast %get3A_272 : vector<1x16xf32> to vector<16xf32>
          %ge3A_274 = arith.cmpf oge, %get3A_273, %bitcast_convert_type3A_114 : vector<16xf32>
          %jit3A_275 = arith.constant 1 : i32
          %jit3A_276 = arith.constant 0 : i32
          %broadcast_in_dim3A_277 = vector.broadcast %jit3A_275 : i32 to vector<16xi32>
          %broadcast_in_dim3A_278 = vector.broadcast %jit3A_276 : i32 to vector<16xi32>
          %select_n3A_279 = arith.select %ge3A_274, %broadcast_in_dim3A_277, %broadcast_in_dim3A_278 : vector<16xi1>, vector<16xi32>
          %add3A_280 = arith.addi %add3A_265, %select_n3A_279 : vector<16xi32>
          %mul3A_281 = arith.constant 16 : i32
          %mul3A_282 = arith.muli %scan3A_130, %mul3A_281 : i32
          %add3A_283 = arith.constant 10 : i32
          %add3A_284 = arith.addi %mul3A_282, %add3A_283 : i32
          %get3A_285 = arith.index_cast %add3A_284 : i32 to index
          %get3A_286 = arith.constant 0 : index
          %get3A_287 = tpu.vector_load %arg4[%get3A_285, %get3A_286] {strides = array<i32>} : memref<2048x16xf32, #tpu.memory_space<vmem>>, vector<1x16xf32>,
          %get3A_288 = vector.shape_cast %get3A_287 : vector<1x16xf32> to vector<16xf32>
          %ge3A_289 = arith.cmpf oge, %get3A_288, %bitcast_convert_type3A_114 : vector<16xf32>
          %jit3A_290 = arith.constant 1 : i32
          %jit3A_291 = arith.constant 0 : i32
          %broadcast_in_dim3A_292 = vector.broadcast %jit3A_290 : i32 to vector<16xi32>
          %broadcast_in_dim3A_293 = vector.broadcast %jit3A_291 : i32 to vector<16xi32>
          %select_n3A_294 = arith.select %ge3A_289, %broadcast_in_dim3A_292, %broadcast_in_dim3A_293 : vector<16xi1>, vector<16xi32>
          %add3A_295 = arith.addi %add3A_280, %select_n3A_294 : vector<16xi32>
          %mul3A_296 = arith.constant 16 : i32
          %mul3A_297 = arith.muli %scan3A_130, %mul3A_296 : i32
          %add3A_298 = arith.constant 11 : i32
          %add3A_299 = arith.addi %mul3A_297, %add3A_298 : i32
          %get3A_300 = arith.index_cast %add3A_299 : i32 to index
          %get3A_301 = arith.constant 0 : index
          %get3A_302 = tpu.vector_load %arg4[%get3A_300, %get3A_301] {strides = array<i32>} : memref<2048x16xf32, #tpu.memory_space<vmem>>, vector<1x16xf32>,
          %get3A_303 = vector.shape_cast %get3A_302 : vector<1x16xf32> to vector<16xf32>
          %ge3A_304 = arith.cmpf oge, %get3A_303, %bitcast_convert_type3A_114 : vector<16xf32>
          %jit3A_305 = arith.constant 1 : i32
          %jit3A_306 = arith.constant 0 : i32
          %broadcast_in_dim3A_307 = vector.broadcast %jit3A_305 : i32 to vector<16xi32>
          %broadcast_in_dim3A_308 = vector.broadcast %jit3A_306 : i32 to vector<16xi32>
          %select_n3A_309 = arith.select %ge3A_304, %broadcast_in_dim3A_307, %broadcast_in_dim3A_308 : vector<16xi1>, vector<16xi32>
          %add3A_310 = arith.addi %add3A_295, %select_n3A_309 : vector<16xi32>
          %mul3A_311 = arith.constant 16 : i32
          %mul3A_312 = arith.muli %scan3A_130, %mul3A_311 : i32
          %add3A_313 = arith.constant 12 : i32
          %add3A_314 = arith.addi %mul3A_312, %add3A_313 : i32
          %get3A_315 = arith.index_cast %add3A_314 : i32 to index
          %get3A_316 = arith.constant 0 : index
          %get3A_317 = tpu.vector_load %arg4[%get3A_315, %get3A_316] {strides = array<i32>} : memref<2048x16xf32, #tpu.memory_space<vmem>>, vector<1x16xf32>,
          %get3A_318 = vector.shape_cast %get3A_317 : vector<1x16xf32> to vector<16xf32>
          %ge3A_319 = arith.cmpf oge, %get3A_318, %bitcast_convert_type3A_114 : vector<16xf32>
          %jit3A_320 = arith.constant 1 : i32
          %jit3A_321 = arith.constant 0 : i32
          %broadcast_in_dim3A_322 = vector.broadcast %jit3A_320 : i32 to vector<16xi32>
          %broadcast_in_dim3A_323 = vector.broadcast %jit3A_321 : i32 to vector<16xi32>
          %select_n3A_324 = arith.select %ge3A_319, %broadcast_in_dim3A_322, %broadcast_in_dim3A_323 : vector<16xi1>, vector<16xi32>
          %add3A_325 = arith.addi %add3A_310, %select_n3A_324 : vector<16xi32>
          %mul3A_326 = arith.constant 16 : i32
          %mul3A_327 = arith.muli %scan3A_130, %mul3A_326 : i32
          %add3A_328 = arith.constant 13 : i32
          %add3A_329 = arith.addi %mul3A_327, %add3A_328 : i32
          %get3A_330 = arith.index_cast %add3A_329 : i32 to index
          %get3A_331 = arith.constant 0 : index
          %get3A_332 = tpu.vector_load %arg4[%get3A_330, %get3A_331] {strides = array<i32>} : memref<2048x16xf32, #tpu.memory_space<vmem>>, vector<1x16xf32>,
          %get3A_333 = vector.shape_cast %get3A_332 : vector<1x16xf32> to vector<16xf32>
          %ge3A_334 = arith.cmpf oge, %get3A_333, %bitcast_convert_type3A_114 : vector<16xf32>
          %jit3A_335 = arith.constant 1 : i32
          %jit3A_336 = arith.constant 0 : i32
          %broadcast_in_dim3A_337 = vector.broadcast %jit3A_335 : i32 to vector<16xi32>
          %broadcast_in_dim3A_338 = vector.broadcast %jit3A_336 : i32 to vector<16xi32>
          %select_n3A_339 = arith.select %ge3A_334, %broadcast_in_dim3A_337, %broadcast_in_dim3A_338 : vector<16xi1>, vector<16xi32>
          %add3A_340 = arith.addi %add3A_325, %select_n3A_339 : vector<16xi32>
          %mul3A_341 = arith.constant 16 : i32
          %mul3A_342 = arith.muli %scan3A_130, %mul3A_341 : i32
          %add3A_343 = arith.constant 14 : i32
          %add3A_344 = arith.addi %mul3A_342, %add3A_343 : i32
          %get3A_345 = arith.index_cast %add3A_344 : i32 to index
          %get3A_346 = arith.constant 0 : index
          %get3A_347 = tpu.vector_load %arg4[%get3A_345, %get3A_346] {strides = array<i32>} : memref<2048x16xf32, #tpu.memory_space<vmem>>, vector<1x16xf32>,
          %get3A_348 = vector.shape_cast %get3A_347 : vector<1x16xf32> to vector<16xf32>
          %ge3A_349 = arith.cmpf oge, %get3A_348, %bitcast_convert_type3A_114 : vector<16xf32>
          %jit3A_350 = arith.constant 1 : i32
          %jit3A_351 = arith.constant 0 : i32
          %broadcast_in_dim3A_352 = vector.broadcast %jit3A_350 : i32 to vector<16xi32>
          %broadcast_in_dim3A_353 = vector.broadcast %jit3A_351 : i32 to vector<16xi32>
          %select_n3A_354 = arith.select %ge3A_349, %broadcast_in_dim3A_352, %broadcast_in_dim3A_353 : vector<16xi1>, vector<16xi32>
          %add3A_355 = arith.addi %add3A_340, %select_n3A_354 : vector<16xi32>
          %mul3A_356 = arith.constant 16 : i32
          %mul3A_357 = arith.muli %scan3A_130, %mul3A_356 : i32
          %add3A_358 = arith.constant 15 : i32
          %add3A_359 = arith.addi %mul3A_357, %add3A_358 : i32
          %get3A_360 = arith.index_cast %add3A_359 : i32 to index
          %get3A_361 = arith.constant 0 : index
          %get3A_362 = tpu.vector_load %arg4[%get3A_360, %get3A_361] {strides = array<i32>} : memref<2048x16xf32, #tpu.memory_space<vmem>>, vector<1x16xf32>,
          %get3A_363 = vector.shape_cast %get3A_362 : vector<1x16xf32> to vector<16xf32>
          %ge3A_364 = arith.cmpf oge, %get3A_363, %bitcast_convert_type3A_114 : vector<16xf32>
          %jit3A_365 = arith.constant 1 : i32
          %jit3A_366 = arith.constant 0 : i32
          %broadcast_in_dim3A_367 = vector.broadcast %jit3A_365 : i32 to vector<16xi32>
          %broadcast_in_dim3A_368 = vector.broadcast %jit3A_366 : i32 to vector<16xi32>
          %select_n3A_369 = arith.select %ge3A_364, %broadcast_in_dim3A_367, %broadcast_in_dim3A_368 : vector<16xi1>, vector<16xi32>
          %add3A_370 = arith.addi %add3A_355, %select_n3A_369 : vector<16xi32>
          scf.yield %add3A_370 : vector<16xi32>
        }
        %scan3A_122 = arith.constant 128 : i32
        %ge3A_123 = vector.broadcast %select_n3A_56 : i32 to vector<16xi32>
        %ge3A_124 = arith.cmpi sge, %scan3A_121, %ge3A_123 : vector<16xi32>
        %select_n3A_125 = arith.select %ge3A_124, %add3A_106, %scan3A_89 : vector<16xi1>, vector<16xi32>
        %sub3A_126 = arith.constant 1 : i32
        %sub3A_127 = vector.broadcast %sub3A_126 : i32 to vector<16xi32>
        %sub3A_128 = arith.subi %add3A_106, %sub3A_127 : vector<16xi32>
        %select_n3A_129 = arith.select %ge3A_124, %scan3A_90, %sub3A_128 : vector<16xi1>, vector<16xi32>
        scf.yield %select_n3A_125, %select_n3A_129 : vector<16xi32>, vector<16xi32>
      }
      %scan3A_65 = arith.constant 32 : i32
      %ge3A = arith.constant 0 : i32
      %ge3A_66 = vector.broadcast %ge3A : i32 to vector<16xi32>
      %ge3A_67 = arith.cmpi sge, %scan3A_64#0, %ge3A_66 : vector<16xi32>
      %xor3A = arith.constant 2147483647 : i32
      %xor3A_68 = vector.broadcast %xor3A : i32 to vector<16xi32>
      %xor3A_69 = arith.xori %scan3A_64#0, %xor3A_68 : vector<16xi32>
      %select_n3A_70 = arith.select %ge3A_67, %scan3A_64#0, %xor3A_69 : vector<16xi1>, vector<16xi32>
      %bitcast_convert_type3A = tpu.bitcast %select_n3A_70 : vector<16xi32> -> vector<16xf32>
      %broadcast_in_dim3A_71 = arith.constant 0.000000e+00 : f32
      %broadcast_in_dim3A_72 = vector.broadcast %broadcast_in_dim3A_71 : f32 to vector<16xf32>
      %scan3A_73 = arith.constant 0 : i32
      %scan3A_74 = arith.constant 128 : i32
      %scan3A_75 = arith.addi %scan3A_73, %scan3A_74 : i32
      %scan3A_76 = arith.constant 1 : i32
      %scan3A_77 = scf.for %scan3A_88 = %scan3A_73 to %scan3A_75 step %scan3A_76 iter_args(%scan3A_89 = %broadcast_in_dim3A_72) -> (vector<16xf32>)  : i32 {
        %mul3A_90 = arith.constant 16 : i32
        %mul3A_91 = arith.muli %scan3A_88, %mul3A_90 : i32
        %add3A_92 = arith.constant 0 : i32
        %add3A_93 = arith.addi %mul3A_91, %add3A_92 : i32
        %get3A = arith.index_cast %add3A_93 : i32 to index
        %get3A_94 = arith.constant 0 : index
        %get3A_95 = tpu.vector_load %arg4[%get3A, %get3A_94] {strides = array<i32>} : memref<2048x16xf32, #tpu.memory_space<vmem>>, vector<1x16xf32>,
        %get3A_96 = vector.shape_cast %get3A_95 : vector<1x16xf32> to vector<16xf32>
        %ge3A_97 = arith.cmpf oge, %get3A_96, %bitcast_convert_type3A : vector<16xf32>
        %exp3A = math.exp %get3A_96 : vector<16xf32>
        %jit3A_98 = arith.constant 0.000000e+00 : f32
        %broadcast_in_dim3A_99 = vector.broadcast %jit3A_98 : f32 to vector<16xf32>
        %select_n3A_100 = arith.select %ge3A_97, %exp3A, %broadcast_in_dim3A_99 : vector<16xi1>, vector<16xf32>
        %mul3A_101 = arith.constant 16 : i32
        %mul3A_102 = arith.muli %scan3A_88, %mul3A_101 : i32
        %add3A_103 = arith.constant 0 : i32
        %add3A_104 = arith.addi %mul3A_102, %add3A_103 : i32
        %swap3A = arith.index_cast %add3A_104 : i32 to index
        %swap3A_105 = arith.constant 0 : index
        %swap3A_106 = tpu.vector_load %arg5[%swap3A, %swap3A_105] {strides = array<i32>} : memref<2048x16xf32, #tpu.memory_space<vmem>>, vector<1x16xf32>,
        %swap3A_107 = vector.shape_cast %swap3A_106 : vector<1x16xf32> to vector<16xf32>
        %swap3A_108 = vector.shape_cast %select_n3A_100 : vector<16xf32> to vector<1x16xf32>
        tpu.vector_store %arg5[%swap3A, %swap3A_105], %swap3A_108 {strides = array<i32>} : memref<2048x16xf32, #tpu.memory_space<vmem>>, vector<1x16xf32>,
        %add3A_109 = arith.addf %scan3A_89, %select_n3A_100 : vector<16xf32>
        %mul3A_110 = arith.constant 16 : i32
        %mul3A_111 = arith.muli %scan3A_88, %mul3A_110 : i32
        %add3A_112 = arith.constant 1 : i32
        %add3A_113 = arith.addi %mul3A_111, %add3A_112 : i32
        %get3A_114 = arith.index_cast %add3A_113 : i32 to index
        %get3A_115 = arith.constant 0 : index
        %get3A_116 = tpu.vector_load %arg4[%get3A_114, %get3A_115] {strides = array<i32>} : memref<2048x16xf32, #tpu.memory_space<vmem>>, vector<1x16xf32>,
        %get3A_117 = vector.shape_cast %get3A_116 : vector<1x16xf32> to vector<16xf32>
        %ge3A_118 = arith.cmpf oge, %get3A_117, %bitcast_convert_type3A : vector<16xf32>
        %exp3A_119 = math.exp %get3A_117 : vector<16xf32>
        %jit3A_120 = arith.constant 0.000000e+00 : f32
        %broadcast_in_dim3A_121 = vector.broadcast %jit3A_120 : f32 to vector<16xf32>
        %select_n3A_122 = arith.select %ge3A_118, %exp3A_119, %broadcast_in_dim3A_121 : vector<16xi1>, vector<16xf32>
        %mul3A_123 = arith.constant 16 : i32
        %mul3A_124 = arith.muli %scan3A_88, %mul3A_123 : i32
        %add3A_125 = arith.constant 1 : i32
        %add3A_126 = arith.addi %mul3A_124, %add3A_125 : i32
        %swap3A_127 = arith.index_cast %add3A_126 : i32 to index
        %swap3A_128 = arith.constant 0 : index
        %swap3A_129 = tpu.vector_load %arg5[%swap3A_127, %swap3A_128] {strides = array<i32>} : memref<2048x16xf32, #tpu.memory_space<vmem>>, vector<1x16xf32>,
        %swap3A_130 = vector.shape_cast %swap3A_129 : vector<1x16xf32> to vector<16xf32>
        %swap3A_131 = vector.shape_cast %select_n3A_122 : vector<16xf32> to vector<1x16xf32>
        tpu.vector_store %arg5[%swap3A_127, %swap3A_128], %swap3A_131 {strides = array<i32>} : memref<2048x16xf32, #tpu.memory_space<vmem>>, vector<1x16xf32>,
        %add3A_132 = arith.addf %add3A_109, %select_n3A_122 : vector<16xf32>
        %mul3A_133 = arith.constant 16 : i32
        %mul3A_134 = arith.muli %scan3A_88, %mul3A_133 : i32
        %add3A_135 = arith.constant 2 : i32
        %add3A_136 = arith.addi %mul3A_134, %add3A_135 : i32
        %get3A_137 = arith.index_cast %add3A_136 : i32 to index
        %get3A_138 = arith.constant 0 : index
        %get3A_139 = tpu.vector_load %arg4[%get3A_137, %get3A_138] {strides = array<i32>} : memref<2048x16xf32, #tpu.memory_space<vmem>>, vector<1x16xf32>,
        %get3A_140 = vector.shape_cast %get3A_139 : vector<1x16xf32> to vector<16xf32>
        %ge3A_141 = arith.cmpf oge, %get3A_140, %bitcast_convert_type3A : vector<16xf32>
        %exp3A_142 = math.exp %get3A_140 : vector<16xf32>
        %jit3A_143 = arith.constant 0.000000e+00 : f32
        %broadcast_in_dim3A_144 = vector.broadcast %jit3A_143 : f32 to vector<16xf32>
        %select_n3A_145 = arith.select %ge3A_141, %exp3A_142, %broadcast_in_dim3A_144 : vector<16xi1>, vector<16xf32>
        %mul3A_146 = arith.constant 16 : i32
        %mul3A_147 = arith.muli %scan3A_88, %mul3A_146 : i32
        %add3A_148 = arith.constant 2 : i32
        %add3A_149 = arith.addi %mul3A_147, %add3A_148 : i32
        %swap3A_150 = arith.index_cast %add3A_149 : i32 to index
        %swap3A_151 = arith.constant 0 : index
        %swap3A_152 = tpu.vector_load %arg5[%swap3A_150, %swap3A_151] {strides = array<i32>} : memref<2048x16xf32, #tpu.memory_space<vmem>>, vector<1x16xf32>,
        %swap3A_153 = vector.shape_cast %swap3A_152 : vector<1x16xf32> to vector<16xf32>
        %swap3A_154 = vector.shape_cast %select_n3A_145 : vector<16xf32> to vector<1x16xf32>
        tpu.vector_store %arg5[%swap3A_150, %swap3A_151], %swap3A_154 {strides = array<i32>} : memref<2048x16xf32, #tpu.memory_space<vmem>>, vector<1x16xf32>,
        %add3A_155 = arith.addf %add3A_132, %select_n3A_145 : vector<16xf32>
        %mul3A_156 = arith.constant 16 : i32
        %mul3A_157 = arith.muli %scan3A_88, %mul3A_156 : i32
        %add3A_158 = arith.constant 3 : i32
        %add3A_159 = arith.addi %mul3A_157, %add3A_158 : i32
        %get3A_160 = arith.index_cast %add3A_159 : i32 to index
        %get3A_161 = arith.constant 0 : index
        %get3A_162 = tpu.vector_load %arg4[%get3A_160, %get3A_161] {strides = array<i32>} : memref<2048x16xf32, #tpu.memory_space<vmem>>, vector<1x16xf32>,
        %get3A_163 = vector.shape_cast %get3A_162 : vector<1x16xf32> to vector<16xf32>
        %ge3A_164 = arith.cmpf oge, %get3A_163, %bitcast_convert_type3A : vector<16xf32>
        %exp3A_165 = math.exp %get3A_163 : vector<16xf32>
        %jit3A_166 = arith.constant 0.000000e+00 : f32
        %broadcast_in_dim3A_167 = vector.broadcast %jit3A_166 : f32 to vector<16xf32>
        %select_n3A_168 = arith.select %ge3A_164, %exp3A_165, %broadcast_in_dim3A_167 : vector<16xi1>, vector<16xf32>
        %mul3A_169 = arith.constant 16 : i32
        %mul3A_170 = arith.muli %scan3A_88, %mul3A_169 : i32
        %add3A_171 = arith.constant 3 : i32
        %add3A_172 = arith.addi %mul3A_170, %add3A_171 : i32
        %swap3A_173 = arith.index_cast %add3A_172 : i32 to index
        %swap3A_174 = arith.constant 0 : index
        %swap3A_175 = tpu.vector_load %arg5[%swap3A_173, %swap3A_174] {strides = array<i32>} : memref<2048x16xf32, #tpu.memory_space<vmem>>, vector<1x16xf32>,
        %swap3A_176 = vector.shape_cast %swap3A_175 : vector<1x16xf32> to vector<16xf32>
        %swap3A_177 = vector.shape_cast %select_n3A_168 : vector<16xf32> to vector<1x16xf32>
        tpu.vector_store %arg5[%swap3A_173, %swap3A_174], %swap3A_177 {strides = array<i32>} : memref<2048x16xf32, #tpu.memory_space<vmem>>, vector<1x16xf32>,
        %add3A_178 = arith.addf %add3A_155, %select_n3A_168 : vector<16xf32>
        %mul3A_179 = arith.constant 16 : i32
        %mul3A_180 = arith.muli %scan3A_88, %mul3A_179 : i32
        %add3A_181 = arith.constant 4 : i32
        %add3A_182 = arith.addi %mul3A_180, %add3A_181 : i32
        %get3A_183 = arith.index_cast %add3A_182 : i32 to index
        %get3A_184 = arith.constant 0 : index
        %get3A_185 = tpu.vector_load %arg4[%get3A_183, %get3A_184] {strides = array<i32>} : memref<2048x16xf32, #tpu.memory_space<vmem>>, vector<1x16xf32>,
        %get3A_186 = vector.shape_cast %get3A_185 : vector<1x16xf32> to vector<16xf32>
        %ge3A_187 = arith.cmpf oge, %get3A_186, %bitcast_convert_type3A : vector<16xf32>
        %exp3A_188 = math.exp %get3A_186 : vector<16xf32>
        %jit3A_189 = arith.constant 0.000000e+00 : f32
        %broadcast_in_dim3A_190 = vector.broadcast %jit3A_189 : f32 to vector<16xf32>
        %select_n3A_191 = arith.select %ge3A_187, %exp3A_188, %broadcast_in_dim3A_190 : vector<16xi1>, vector<16xf32>
        %mul3A_192 = arith.constant 16 : i32
        %mul3A_193 = arith.muli %scan3A_88, %mul3A_192 : i32
        %add3A_194 = arith.constant 4 : i32
        %add3A_195 = arith.addi %mul3A_193, %add3A_194 : i32
        %swap3A_196 = arith.index_cast %add3A_195 : i32 to index
        %swap3A_197 = arith.constant 0 : index
        %swap3A_198 = tpu.vector_load %arg5[%swap3A_196, %swap3A_197] {strides = array<i32>} : memref<2048x16xf32, #tpu.memory_space<vmem>>, vector<1x16xf32>,
        %swap3A_199 = vector.shape_cast %swap3A_198 : vector<1x16xf32> to vector<16xf32>
        %swap3A_200 = vector.shape_cast %select_n3A_191 : vector<16xf32> to vector<1x16xf32>
        tpu.vector_store %arg5[%swap3A_196, %swap3A_197], %swap3A_200 {strides = array<i32>} : memref<2048x16xf32, #tpu.memory_space<vmem>>, vector<1x16xf32>,
        %add3A_201 = arith.addf %add3A_178, %select_n3A_191 : vector<16xf32>
        %mul3A_202 = arith.constant 16 : i32
        %mul3A_203 = arith.muli %scan3A_88, %mul3A_202 : i32
        %add3A_204 = arith.constant 5 : i32
        %add3A_205 = arith.addi %mul3A_203, %add3A_204 : i32
        %get3A_206 = arith.index_cast %add3A_205 : i32 to index
        %get3A_207 = arith.constant 0 : index
        %get3A_208 = tpu.vector_load %arg4[%get3A_206, %get3A_207] {strides = array<i32>} : memref<2048x16xf32, #tpu.memory_space<vmem>>, vector<1x16xf32>,
        %get3A_209 = vector.shape_cast %get3A_208 : vector<1x16xf32> to vector<16xf32>
        %ge3A_210 = arith.cmpf oge, %get3A_209, %bitcast_convert_type3A : vector<16xf32>
        %exp3A_211 = math.exp %get3A_209 : vector<16xf32>
        %jit3A_212 = arith.constant 0.000000e+00 : f32
        %broadcast_in_dim3A_213 = vector.broadcast %jit3A_212 : f32 to vector<16xf32>
        %select_n3A_214 = arith.select %ge3A_210, %exp3A_211, %broadcast_in_dim3A_213 : vector<16xi1>, vector<16xf32>
        %mul3A_215 = arith.constant 16 : i32
        %mul3A_216 = arith.muli %scan3A_88, %mul3A_215 : i32
        %add3A_217 = arith.constant 5 : i32
        %add3A_218 = arith.addi %mul3A_216, %add3A_217 : i32
        %swap3A_219 = arith.index_cast %add3A_218 : i32 to index
        %swap3A_220 = arith.constant 0 : index
        %swap3A_221 = tpu.vector_load %arg5[%swap3A_219, %swap3A_220] {strides = array<i32>} : memref<2048x16xf32, #tpu.memory_space<vmem>>, vector<1x16xf32>,
        %swap3A_222 = vector.shape_cast %swap3A_221 : vector<1x16xf32> to vector<16xf32>
        %swap3A_223 = vector.shape_cast %select_n3A_214 : vector<16xf32> to vector<1x16xf32>
        tpu.vector_store %arg5[%swap3A_219, %swap3A_220], %swap3A_223 {strides = array<i32>} : memref<2048x16xf32, #tpu.memory_space<vmem>>, vector<1x16xf32>,
        %add3A_224 = arith.addf %add3A_201, %select_n3A_214 : vector<16xf32>
        %mul3A_225 = arith.constant 16 : i32
        %mul3A_226 = arith.muli %scan3A_88, %mul3A_225 : i32
        %add3A_227 = arith.constant 6 : i32
        %add3A_228 = arith.addi %mul3A_226, %add3A_227 : i32
        %get3A_229 = arith.index_cast %add3A_228 : i32 to index
        %get3A_230 = arith.constant 0 : index
        %get3A_231 = tpu.vector_load %arg4[%get3A_229, %get3A_230] {strides = array<i32>} : memref<2048x16xf32, #tpu.memory_space<vmem>>, vector<1x16xf32>,
        %get3A_232 = vector.shape_cast %get3A_231 : vector<1x16xf32> to vector<16xf32>
        %ge3A_233 = arith.cmpf oge, %get3A_232, %bitcast_convert_type3A : vector<16xf32>
        %exp3A_234 = math.exp %get3A_232 : vector<16xf32>
        %jit3A_235 = arith.constant 0.000000e+00 : f32
        %broadcast_in_dim3A_236 = vector.broadcast %jit3A_235 : f32 to vector<16xf32>
        %select_n3A_237 = arith.select %ge3A_233, %exp3A_234, %broadcast_in_dim3A_236 : vector<16xi1>, vector<16xf32>
        %mul3A_238 = arith.constant 16 : i32
        %mul3A_239 = arith.muli %scan3A_88, %mul3A_238 : i32
        %add3A_240 = arith.constant 6 : i32
        %add3A_241 = arith.addi %mul3A_239, %add3A_240 : i32
        %swap3A_242 = arith.index_cast %add3A_241 : i32 to index
        %swap3A_243 = arith.constant 0 : index
        %swap3A_244 = tpu.vector_load %arg5[%swap3A_242, %swap3A_243] {strides = array<i32>} : memref<2048x16xf32, #tpu.memory_space<vmem>>, vector<1x16xf32>,
        %swap3A_245 = vector.shape_cast %swap3A_244 : vector<1x16xf32> to vector<16xf32>
        %swap3A_246 = vector.shape_cast %select_n3A_237 : vector<16xf32> to vector<1x16xf32>
        tpu.vector_store %arg5[%swap3A_242, %swap3A_243], %swap3A_246 {strides = array<i32>} : memref<2048x16xf32, #tpu.memory_space<vmem>>, vector<1x16xf32>,
        %add3A_247 = arith.addf %add3A_224, %select_n3A_237 : vector<16xf32>
        %mul3A_248 = arith.constant 16 : i32
        %mul3A_249 = arith.muli %scan3A_88, %mul3A_248 : i32
        %add3A_250 = arith.constant 7 : i32
        %add3A_251 = arith.addi %mul3A_249, %add3A_250 : i32
        %get3A_252 = arith.index_cast %add3A_251 : i32 to index
        %get3A_253 = arith.constant 0 : index
        %get3A_254 = tpu.vector_load %arg4[%get3A_252, %get3A_253] {strides = array<i32>} : memref<2048x16xf32, #tpu.memory_space<vmem>>, vector<1x16xf32>,
        %get3A_255 = vector.shape_cast %get3A_254 : vector<1x16xf32> to vector<16xf32>
        %ge3A_256 = arith.cmpf oge, %get3A_255, %bitcast_convert_type3A : vector<16xf32>
        %exp3A_257 = math.exp %get3A_255 : vector<16xf32>
        %jit3A_258 = arith.constant 0.000000e+00 : f32
        %broadcast_in_dim3A_259 = vector.broadcast %jit3A_258 : f32 to vector<16xf32>
        %select_n3A_260 = arith.select %ge3A_256, %exp3A_257, %broadcast_in_dim3A_259 : vector<16xi1>, vector<16xf32>
        %mul3A_261 = arith.constant 16 : i32
        %mul3A_262 = arith.muli %scan3A_88, %mul3A_261 : i32
        %add3A_263 = arith.constant 7 : i32
        %add3A_264 = arith.addi %mul3A_262, %add3A_263 : i32
        %swap3A_265 = arith.index_cast %add3A_264 : i32 to index
        %swap3A_266 = arith.constant 0 : index
        %swap3A_267 = tpu.vector_load %arg5[%swap3A_265, %swap3A_266] {strides = array<i32>} : memref<2048x16xf32, #tpu.memory_space<vmem>>, vector<1x16xf32>,
        %swap3A_268 = vector.shape_cast %swap3A_267 : vector<1x16xf32> to vector<16xf32>
        %swap3A_269 = vector.shape_cast %select_n3A_260 : vector<16xf32> to vector<1x16xf32>
        tpu.vector_store %arg5[%swap3A_265, %swap3A_266], %swap3A_269 {strides = array<i32>} : memref<2048x16xf32, #tpu.memory_space<vmem>>, vector<1x16xf32>,
        %add3A_270 = arith.addf %add3A_247, %select_n3A_260 : vector<16xf32>
        %mul3A_271 = arith.constant 16 : i32
        %mul3A_272 = arith.muli %scan3A_88, %mul3A_271 : i32
        %add3A_273 = arith.constant 8 : i32
        %add3A_274 = arith.addi %mul3A_272, %add3A_273 : i32
        %get3A_275 = arith.index_cast %add3A_274 : i32 to index
        %get3A_276 = arith.constant 0 : index
        %get3A_277 = tpu.vector_load %arg4[%get3A_275, %get3A_276] {strides = array<i32>} : memref<2048x16xf32, #tpu.memory_space<vmem>>, vector<1x16xf32>,
        %get3A_278 = vector.shape_cast %get3A_277 : vector<1x16xf32> to vector<16xf32>
        %ge3A_279 = arith.cmpf oge, %get3A_278, %bitcast_convert_type3A : vector<16xf32>
        %exp3A_280 = math.exp %get3A_278 : vector<16xf32>
        %jit3A_281 = arith.constant 0.000000e+00 : f32
        %broadcast_in_dim3A_282 = vector.broadcast %jit3A_281 : f32 to vector<16xf32>
        %select_n3A_283 = arith.select %ge3A_279, %exp3A_280, %broadcast_in_dim3A_282 : vector<16xi1>, vector<16xf32>
        %mul3A_284 = arith.constant 16 : i32
        %mul3A_285 = arith.muli %scan3A_88, %mul3A_284 : i32
        %add3A_286 = arith.constant 8 : i32
        %add3A_287 = arith.addi %mul3A_285, %add3A_286 : i32
        %swap3A_288 = arith.index_cast %add3A_287 : i32 to index
        %swap3A_289 = arith.constant 0 : index
        %swap3A_290 = tpu.vector_load %arg5[%swap3A_288, %swap3A_289] {strides = array<i32>} : memref<2048x16xf32, #tpu.memory_space<vmem>>, vector<1x16xf32>,
        %swap3A_291 = vector.shape_cast %swap3A_290 : vector<1x16xf32> to vector<16xf32>
        %swap3A_292 = vector.shape_cast %select_n3A_283 : vector<16xf32> to vector<1x16xf32>
        tpu.vector_store %arg5[%swap3A_288, %swap3A_289], %swap3A_292 {strides = array<i32>} : memref<2048x16xf32, #tpu.memory_space<vmem>>, vector<1x16xf32>,
        %add3A_293 = arith.addf %add3A_270, %select_n3A_283 : vector<16xf32>
        %mul3A_294 = arith.constant 16 : i32
        %mul3A_295 = arith.muli %scan3A_88, %mul3A_294 : i32
        %add3A_296 = arith.constant 9 : i32
        %add3A_297 = arith.addi %mul3A_295, %add3A_296 : i32
        %get3A_298 = arith.index_cast %add3A_297 : i32 to index
        %get3A_299 = arith.constant 0 : index
        %get3A_300 = tpu.vector_load %arg4[%get3A_298, %get3A_299] {strides = array<i32>} : memref<2048x16xf32, #tpu.memory_space<vmem>>, vector<1x16xf32>,
        %get3A_301 = vector.shape_cast %get3A_300 : vector<1x16xf32> to vector<16xf32>
        %ge3A_302 = arith.cmpf oge, %get3A_301, %bitcast_convert_type3A : vector<16xf32>
        %exp3A_303 = math.exp %get3A_301 : vector<16xf32>
        %jit3A_304 = arith.constant 0.000000e+00 : f32
        %broadcast_in_dim3A_305 = vector.broadcast %jit3A_304 : f32 to vector<16xf32>
        %select_n3A_306 = arith.select %ge3A_302, %exp3A_303, %broadcast_in_dim3A_305 : vector<16xi1>, vector<16xf32>
        %mul3A_307 = arith.constant 16 : i32
        %mul3A_308 = arith.muli %scan3A_88, %mul3A_307 : i32
        %add3A_309 = arith.constant 9 : i32
        %add3A_310 = arith.addi %mul3A_308, %add3A_309 : i32
        %swap3A_311 = arith.index_cast %add3A_310 : i32 to index
        %swap3A_312 = arith.constant 0 : index
        %swap3A_313 = tpu.vector_load %arg5[%swap3A_311, %swap3A_312] {strides = array<i32>} : memref<2048x16xf32, #tpu.memory_space<vmem>>, vector<1x16xf32>,
        %swap3A_314 = vector.shape_cast %swap3A_313 : vector<1x16xf32> to vector<16xf32>
        %swap3A_315 = vector.shape_cast %select_n3A_306 : vector<16xf32> to vector<1x16xf32>
        tpu.vector_store %arg5[%swap3A_311, %swap3A_312], %swap3A_315 {strides = array<i32>} : memref<2048x16xf32, #tpu.memory_space<vmem>>, vector<1x16xf32>,
        %add3A_316 = arith.addf %add3A_293, %select_n3A_306 : vector<16xf32>
        %mul3A_317 = arith.constant 16 : i32
        %mul3A_318 = arith.muli %scan3A_88, %mul3A_317 : i32
        %add3A_319 = arith.constant 10 : i32
        %add3A_320 = arith.addi %mul3A_318, %add3A_319 : i32
        %get3A_321 = arith.index_cast %add3A_320 : i32 to index
        %get3A_322 = arith.constant 0 : index
        %get3A_323 = tpu.vector_load %arg4[%get3A_321, %get3A_322] {strides = array<i32>} : memref<2048x16xf32, #tpu.memory_space<vmem>>, vector<1x16xf32>,
        %get3A_324 = vector.shape_cast %get3A_323 : vector<1x16xf32> to vector<16xf32>
        %ge3A_325 = arith.cmpf oge, %get3A_324, %bitcast_convert_type3A : vector<16xf32>
        %exp3A_326 = math.exp %get3A_324 : vector<16xf32>
        %jit3A_327 = arith.constant 0.000000e+00 : f32
        %broadcast_in_dim3A_328 = vector.broadcast %jit3A_327 : f32 to vector<16xf32>
        %select_n3A_329 = arith.select %ge3A_325, %exp3A_326, %broadcast_in_dim3A_328 : vector<16xi1>, vector<16xf32>
        %mul3A_330 = arith.constant 16 : i32
        %mul3A_331 = arith.muli %scan3A_88, %mul3A_330 : i32
        %add3A_332 = arith.constant 10 : i32
        %add3A_333 = arith.addi %mul3A_331, %add3A_332 : i32
        %swap3A_334 = arith.index_cast %add3A_333 : i32 to index
        %swap3A_335 = arith.constant 0 : index
        %swap3A_336 = tpu.vector_load %arg5[%swap3A_334, %swap3A_335] {strides = array<i32>} : memref<2048x16xf32, #tpu.memory_space<vmem>>, vector<1x16xf32>,
        %swap3A_337 = vector.shape_cast %swap3A_336 : vector<1x16xf32> to vector<16xf32>
        %swap3A_338 = vector.shape_cast %select_n3A_329 : vector<16xf32> to vector<1x16xf32>
        tpu.vector_store %arg5[%swap3A_334, %swap3A_335], %swap3A_338 {strides = array<i32>} : memref<2048x16xf32, #tpu.memory_space<vmem>>, vector<1x16xf32>,
        %add3A_339 = arith.addf %add3A_316, %select_n3A_329 : vector<16xf32>
        %mul3A_340 = arith.constant 16 : i32
        %mul3A_341 = arith.muli %scan3A_88, %mul3A_340 : i32
        %add3A_342 = arith.constant 11 : i32
        %add3A_343 = arith.addi %mul3A_341, %add3A_342 : i32
        %get3A_344 = arith.index_cast %add3A_343 : i32 to index
        %get3A_345 = arith.constant 0 : index
        %get3A_346 = tpu.vector_load %arg4[%get3A_344, %get3A_345] {strides = array<i32>} : memref<2048x16xf32, #tpu.memory_space<vmem>>, vector<1x16xf32>,
        %get3A_347 = vector.shape_cast %get3A_346 : vector<1x16xf32> to vector<16xf32>
        %ge3A_348 = arith.cmpf oge, %get3A_347, %bitcast_convert_type3A : vector<16xf32>
        %exp3A_349 = math.exp %get3A_347 : vector<16xf32>
        %jit3A_350 = arith.constant 0.000000e+00 : f32
        %broadcast_in_dim3A_351 = vector.broadcast %jit3A_350 : f32 to vector<16xf32>
        %select_n3A_352 = arith.select %ge3A_348, %exp3A_349, %broadcast_in_dim3A_351 : vector<16xi1>, vector<16xf32>
        %mul3A_353 = arith.constant 16 : i32
        %mul3A_354 = arith.muli %scan3A_88, %mul3A_353 : i32
        %add3A_355 = arith.constant 11 : i32
        %add3A_356 = arith.addi %mul3A_354, %add3A_355 : i32
        %swap3A_357 = arith.index_cast %add3A_356 : i32 to index
        %swap3A_358 = arith.constant 0 : index
        %swap3A_359 = tpu.vector_load %arg5[%swap3A_357, %swap3A_358] {strides = array<i32>} : memref<2048x16xf32, #tpu.memory_space<vmem>>, vector<1x16xf32>,
        %swap3A_360 = vector.shape_cast %swap3A_359 : vector<1x16xf32> to vector<16xf32>
        %swap3A_361 = vector.shape_cast %select_n3A_352 : vector<16xf32> to vector<1x16xf32>
        tpu.vector_store %arg5[%swap3A_357, %swap3A_358], %swap3A_361 {strides = array<i32>} : memref<2048x16xf32, #tpu.memory_space<vmem>>, vector<1x16xf32>,
        %add3A_362 = arith.addf %add3A_339, %select_n3A_352 : vector<16xf32>
        %mul3A_363 = arith.constant 16 : i32
        %mul3A_364 = arith.muli %scan3A_88, %mul3A_363 : i32
        %add3A_365 = arith.constant 12 : i32
        %add3A_366 = arith.addi %mul3A_364, %add3A_365 : i32
        %get3A_367 = arith.index_cast %add3A_366 : i32 to index
        %get3A_368 = arith.constant 0 : index
        %get3A_369 = tpu.vector_load %arg4[%get3A_367, %get3A_368] {strides = array<i32>} : memref<2048x16xf32, #tpu.memory_space<vmem>>, vector<1x16xf32>,
        %get3A_370 = vector.shape_cast %get3A_369 : vector<1x16xf32> to vector<16xf32>
        %ge3A_371 = arith.cmpf oge, %get3A_370, %bitcast_convert_type3A : vector<16xf32>
        %exp3A_372 = math.exp %get3A_370 : vector<16xf32>
        %jit3A_373 = arith.constant 0.000000e+00 : f32
        %broadcast_in_dim3A_374 = vector.broadcast %jit3A_373 : f32 to vector<16xf32>
        %select_n3A_375 = arith.select %ge3A_371, %exp3A_372, %broadcast_in_dim3A_374 : vector<16xi1>, vector<16xf32>
        %mul3A_376 = arith.constant 16 : i32
        %mul3A_377 = arith.muli %scan3A_88, %mul3A_376 : i32
        %add3A_378 = arith.constant 12 : i32
        %add3A_379 = arith.addi %mul3A_377, %add3A_378 : i32
        %swap3A_380 = arith.index_cast %add3A_379 : i32 to index
        %swap3A_381 = arith.constant 0 : index
        %swap3A_382 = tpu.vector_load %arg5[%swap3A_380, %swap3A_381] {strides = array<i32>} : memref<2048x16xf32, #tpu.memory_space<vmem>>, vector<1x16xf32>,
        %swap3A_383 = vector.shape_cast %swap3A_382 : vector<1x16xf32> to vector<16xf32>
        %swap3A_384 = vector.shape_cast %select_n3A_375 : vector<16xf32> to vector<1x16xf32>
        tpu.vector_store %arg5[%swap3A_380, %swap3A_381], %swap3A_384 {strides = array<i32>} : memref<2048x16xf32, #tpu.memory_space<vmem>>, vector<1x16xf32>,
        %add3A_385 = arith.addf %add3A_362, %select_n3A_375 : vector<16xf32>
        %mul3A_386 = arith.constant 16 : i32
        %mul3A_387 = arith.muli %scan3A_88, %mul3A_386 : i32
        %add3A_388 = arith.constant 13 : i32
        %add3A_389 = arith.addi %mul3A_387, %add3A_388 : i32
        %get3A_390 = arith.index_cast %add3A_389 : i32 to index
        %get3A_391 = arith.constant 0 : index
        %get3A_392 = tpu.vector_load %arg4[%get3A_390, %get3A_391] {strides = array<i32>} : memref<2048x16xf32, #tpu.memory_space<vmem>>, vector<1x16xf32>,
        %get3A_393 = vector.shape_cast %get3A_392 : vector<1x16xf32> to vector<16xf32>
        %ge3A_394 = arith.cmpf oge, %get3A_393, %bitcast_convert_type3A : vector<16xf32>
        %exp3A_395 = math.exp %get3A_393 : vector<16xf32>
        %jit3A_396 = arith.constant 0.000000e+00 : f32
        %broadcast_in_dim3A_397 = vector.broadcast %jit3A_396 : f32 to vector<16xf32>
        %select_n3A_398 = arith.select %ge3A_394, %exp3A_395, %broadcast_in_dim3A_397 : vector<16xi1>, vector<16xf32>
        %mul3A_399 = arith.constant 16 : i32
        %mul3A_400 = arith.muli %scan3A_88, %mul3A_399 : i32
        %add3A_401 = arith.constant 13 : i32
        %add3A_402 = arith.addi %mul3A_400, %add3A_401 : i32
        %swap3A_403 = arith.index_cast %add3A_402 : i32 to index
        %swap3A_404 = arith.constant 0 : index
        %swap3A_405 = tpu.vector_load %arg5[%swap3A_403, %swap3A_404] {strides = array<i32>} : memref<2048x16xf32, #tpu.memory_space<vmem>>, vector<1x16xf32>,
        %swap3A_406 = vector.shape_cast %swap3A_405 : vector<1x16xf32> to vector<16xf32>
        %swap3A_407 = vector.shape_cast %select_n3A_398 : vector<16xf32> to vector<1x16xf32>
        tpu.vector_store %arg5[%swap3A_403, %swap3A_404], %swap3A_407 {strides = array<i32>} : memref<2048x16xf32, #tpu.memory_space<vmem>>, vector<1x16xf32>,
        %add3A_408 = arith.addf %add3A_385, %select_n3A_398 : vector<16xf32>
        %mul3A_409 = arith.constant 16 : i32
        %mul3A_410 = arith.muli %scan3A_88, %mul3A_409 : i32
        %add3A_411 = arith.constant 14 : i32
        %add3A_412 = arith.addi %mul3A_410, %add3A_411 : i32
        %get3A_413 = arith.index_cast %add3A_412 : i32 to index
        %get3A_414 = arith.constant 0 : index
        %get3A_415 = tpu.vector_load %arg4[%get3A_413, %get3A_414] {strides = array<i32>} : memref<2048x16xf32, #tpu.memory_space<vmem>>, vector<1x16xf32>,
        %get3A_416 = vector.shape_cast %get3A_415 : vector<1x16xf32> to vector<16xf32>
        %ge3A_417 = arith.cmpf oge, %get3A_416, %bitcast_convert_type3A : vector<16xf32>
        %exp3A_418 = math.exp %get3A_416 : vector<16xf32>
        %jit3A_419 = arith.constant 0.000000e+00 : f32
        %broadcast_in_dim3A_420 = vector.broadcast %jit3A_419 : f32 to vector<16xf32>
        %select_n3A_421 = arith.select %ge3A_417, %exp3A_418, %broadcast_in_dim3A_420 : vector<16xi1>, vector<16xf32>
        %mul3A_422 = arith.constant 16 : i32
        %mul3A_423 = arith.muli %scan3A_88, %mul3A_422 : i32
        %add3A_424 = arith.constant 14 : i32
        %add3A_425 = arith.addi %mul3A_423, %add3A_424 : i32
        %swap3A_426 = arith.index_cast %add3A_425 : i32 to index
        %swap3A_427 = arith.constant 0 : index
        %swap3A_428 = tpu.vector_load %arg5[%swap3A_426, %swap3A_427] {strides = array<i32>} : memref<2048x16xf32, #tpu.memory_space<vmem>>, vector<1x16xf32>,
        %swap3A_429 = vector.shape_cast %swap3A_428 : vector<1x16xf32> to vector<16xf32>
        %swap3A_430 = vector.shape_cast %select_n3A_421 : vector<16xf32> to vector<1x16xf32>
        tpu.vector_store %arg5[%swap3A_426, %swap3A_427], %swap3A_430 {strides = array<i32>} : memref<2048x16xf32, #tpu.memory_space<vmem>>, vector<1x16xf32>,
        %add3A_431 = arith.addf %add3A_408, %select_n3A_421 : vector<16xf32>
        %mul3A_432 = arith.constant 16 : i32
        %mul3A_433 = arith.muli %scan3A_88, %mul3A_432 : i32
        %add3A_434 = arith.constant 15 : i32
        %add3A_435 = arith.addi %mul3A_433, %add3A_434 : i32
        %get3A_436 = arith.index_cast %add3A_435 : i32 to index
        %get3A_437 = arith.constant 0 : index
        %get3A_438 = tpu.vector_load %arg4[%get3A_436, %get3A_437] {strides = array<i32>} : memref<2048x16xf32, #tpu.memory_space<vmem>>, vector<1x16xf32>,
        %get3A_439 = vector.shape_cast %get3A_438 : vector<1x16xf32> to vector<16xf32>
        %ge3A_440 = arith.cmpf oge, %get3A_439, %bitcast_convert_type3A : vector<16xf32>
        %exp3A_441 = math.exp %get3A_439 : vector<16xf32>
        %jit3A_442 = arith.constant 0.000000e+00 : f32
        %broadcast_in_dim3A_443 = vector.broadcast %jit3A_442 : f32 to vector<16xf32>
        %select_n3A_444 = arith.select %ge3A_440, %exp3A_441, %broadcast_in_dim3A_443 : vector<16xi1>, vector<16xf32>
        %mul3A_445 = arith.constant 16 : i32
        %mul3A_446 = arith.muli %scan3A_88, %mul3A_445 : i32
        %add3A_447 = arith.constant 15 : i32
        %add3A_448 = arith.addi %mul3A_446, %add3A_447 : i32
        %swap3A_449 = arith.index_cast %add3A_448 : i32 to index
        %swap3A_450 = arith.constant 0 : index
        %swap3A_451 = tpu.vector_load %arg5[%swap3A_449, %swap3A_450] {strides = array<i32>} : memref<2048x16xf32, #tpu.memory_space<vmem>>, vector<1x16xf32>,
        %swap3A_452 = vector.shape_cast %swap3A_451 : vector<1x16xf32> to vector<16xf32>
        %swap3A_453 = vector.shape_cast %select_n3A_444 : vector<16xf32> to vector<1x16xf32>
        tpu.vector_store %arg5[%swap3A_449, %swap3A_450], %swap3A_453 {strides = array<i32>} : memref<2048x16xf32, #tpu.memory_space<vmem>>, vector<1x16xf32>,
        %add3A_454 = arith.addf %add3A_431, %select_n3A_444 : vector<16xf32>
        scf.yield %add3A_454 : vector<16xf32>
      }
      %scan3A_78 = arith.constant 128 : i32
      %div3A_79 = arith.constant 1.000000e+00 : f32
      %div3A_80 = vector.broadcast %div3A_79 : f32 to vector<16xf32>
      %div3A_81 = arith.divf %div3A_80, %scan3A_77 : vector<16xf32>
      %scan3A_82 = arith.constant 0 : i32
      %scan3A_83 = arith.constant 0 : i32
      %scan3A_84 = arith.constant 128 : i32
      %scan3A_85 = arith.addi %scan3A_83, %scan3A_84 : i32
      %scan3A_86 = arith.constant 1 : i32
      scf.for %scan3A_88 = %scan3A_83 to %scan3A_85 step %scan3A_86  : i32 {
        %mul3A_89 = arith.constant 16 : i32
        %mul3A_90 = arith.muli %scan3A_88, %mul3A_89 : i32
        %add3A_91 = arith.constant 0 : i32
        %add3A_92 = arith.addi %mul3A_90, %add3A_91 : i32
        %get3A = arith.index_cast %add3A_92 : i32 to index
        %get3A_93 = arith.constant 0 : index
        %get3A_94 = tpu.vector_load %arg5[%get3A, %get3A_93] {strides = array<i32>} : memref<2048x16xf32, #tpu.memory_space<vmem>>, vector<1x16xf32>,
        %get3A_95 = vector.shape_cast %get3A_94 : vector<1x16xf32> to vector<16xf32>
        %mul3A_96 = arith.mulf %get3A_95, %div3A_81 : vector<16xf32>
        %mul3A_97 = arith.constant 16 : i32
        %mul3A_98 = arith.muli %scan3A_88, %mul3A_97 : i32
        %add3A_99 = arith.constant 0 : i32
        %add3A_100 = arith.addi %mul3A_98, %add3A_99 : i32
        %swap3A = arith.index_cast %add3A_100 : i32 to index
        %swap3A_101 = arith.constant 0 : index
        %swap3A_102 = tpu.vector_load %arg5[%swap3A, %swap3A_101] {strides = array<i32>} : memref<2048x16xf32, #tpu.memory_space<vmem>>, vector<1x16xf32>,
        %swap3A_103 = vector.shape_cast %swap3A_102 : vector<1x16xf32> to vector<16xf32>
        %swap3A_104 = vector.shape_cast %mul3A_96 : vector<16xf32> to vector<1x16xf32>
        tpu.vector_store %arg5[%swap3A, %swap3A_101], %swap3A_104 {strides = array<i32>} : memref<2048x16xf32, #tpu.memory_space<vmem>>, vector<1x16xf32>,
        %mul3A_105 = arith.constant 16 : i32
        %mul3A_106 = arith.muli %scan3A_88, %mul3A_105 : i32
        %add3A_107 = arith.constant 1 : i32
        %add3A_108 = arith.addi %mul3A_106, %add3A_107 : i32
        %get3A_109 = arith.index_cast %add3A_108 : i32 to index
        %get3A_110 = arith.constant 0 : index
        %get3A_111 = tpu.vector_load %arg5[%get3A_109, %get3A_110] {strides = array<i32>} : memref<2048x16xf32, #tpu.memory_space<vmem>>, vector<1x16xf32>,
        %get3A_112 = vector.shape_cast %get3A_111 : vector<1x16xf32> to vector<16xf32>
        %mul3A_113 = arith.mulf %get3A_112, %div3A_81 : vector<16xf32>
        %mul3A_114 = arith.constant 16 : i32
        %mul3A_115 = arith.muli %scan3A_88, %mul3A_114 : i32
        %add3A_116 = arith.constant 1 : i32
        %add3A_117 = arith.addi %mul3A_115, %add3A_116 : i32
        %swap3A_118 = arith.index_cast %add3A_117 : i32 to index
        %swap3A_119 = arith.constant 0 : index
        %swap3A_120 = tpu.vector_load %arg5[%swap3A_118, %swap3A_119] {strides = array<i32>} : memref<2048x16xf32, #tpu.memory_space<vmem>>, vector<1x16xf32>,
        %swap3A_121 = vector.shape_cast %swap3A_120 : vector<1x16xf32> to vector<16xf32>
        %swap3A_122 = vector.shape_cast %mul3A_113 : vector<16xf32> to vector<1x16xf32>
        tpu.vector_store %arg5[%swap3A_118, %swap3A_119], %swap3A_122 {strides = array<i32>} : memref<2048x16xf32, #tpu.memory_space<vmem>>, vector<1x16xf32>,
        %mul3A_123 = arith.constant 16 : i32
        %mul3A_124 = arith.muli %scan3A_88, %mul3A_123 : i32
        %add3A_125 = arith.constant 2 : i32
        %add3A_126 = arith.addi %mul3A_124, %add3A_125 : i32
        %get3A_127 = arith.index_cast %add3A_126 : i32 to index
        %get3A_128 = arith.constant 0 : index
        %get3A_129 = tpu.vector_load %arg5[%get3A_127, %get3A_128] {strides = array<i32>} : memref<2048x16xf32, #tpu.memory_space<vmem>>, vector<1x16xf32>,
        %get3A_130 = vector.shape_cast %get3A_129 : vector<1x16xf32> to vector<16xf32>
        %mul3A_131 = arith.mulf %get3A_130, %div3A_81 : vector<16xf32>
        %mul3A_132 = arith.constant 16 : i32
        %mul3A_133 = arith.muli %scan3A_88, %mul3A_132 : i32
        %add3A_134 = arith.constant 2 : i32
        %add3A_135 = arith.addi %mul3A_133, %add3A_134 : i32
        %swap3A_136 = arith.index_cast %add3A_135 : i32 to index
        %swap3A_137 = arith.constant 0 : index
        %swap3A_138 = tpu.vector_load %arg5[%swap3A_136, %swap3A_137] {strides = array<i32>} : memref<2048x16xf32, #tpu.memory_space<vmem>>, vector<1x16xf32>,
        %swap3A_139 = vector.shape_cast %swap3A_138 : vector<1x16xf32> to vector<16xf32>
        %swap3A_140 = vector.shape_cast %mul3A_131 : vector<16xf32> to vector<1x16xf32>
        tpu.vector_store %arg5[%swap3A_136, %swap3A_137], %swap3A_140 {strides = array<i32>} : memref<2048x16xf32, #tpu.memory_space<vmem>>, vector<1x16xf32>,
        %mul3A_141 = arith.constant 16 : i32
        %mul3A_142 = arith.muli %scan3A_88, %mul3A_141 : i32
        %add3A_143 = arith.constant 3 : i32
        %add3A_144 = arith.addi %mul3A_142, %add3A_143 : i32
        %get3A_145 = arith.index_cast %add3A_144 : i32 to index
        %get3A_146 = arith.constant 0 : index
        %get3A_147 = tpu.vector_load %arg5[%get3A_145, %get3A_146] {strides = array<i32>} : memref<2048x16xf32, #tpu.memory_space<vmem>>, vector<1x16xf32>,
        %get3A_148 = vector.shape_cast %get3A_147 : vector<1x16xf32> to vector<16xf32>
        %mul3A_149 = arith.mulf %get3A_148, %div3A_81 : vector<16xf32>
        %mul3A_150 = arith.constant 16 : i32
        %mul3A_151 = arith.muli %scan3A_88, %mul3A_150 : i32
        %add3A_152 = arith.constant 3 : i32
        %add3A_153 = arith.addi %mul3A_151, %add3A_152 : i32
        %swap3A_154 = arith.index_cast %add3A_153 : i32 to index
        %swap3A_155 = arith.constant 0 : index
        %swap3A_156 = tpu.vector_load %arg5[%swap3A_154, %swap3A_155] {strides = array<i32>} : memref<2048x16xf32, #tpu.memory_space<vmem>>, vector<1x16xf32>,
        %swap3A_157 = vector.shape_cast %swap3A_156 : vector<1x16xf32> to vector<16xf32>
        %swap3A_158 = vector.shape_cast %mul3A_149 : vector<16xf32> to vector<1x16xf32>
        tpu.vector_store %arg5[%swap3A_154, %swap3A_155], %swap3A_158 {strides = array<i32>} : memref<2048x16xf32, #tpu.memory_space<vmem>>, vector<1x16xf32>,
        %mul3A_159 = arith.constant 16 : i32
        %mul3A_160 = arith.muli %scan3A_88, %mul3A_159 : i32
        %add3A_161 = arith.constant 4 : i32
        %add3A_162 = arith.addi %mul3A_160, %add3A_161 : i32
        %get3A_163 = arith.index_cast %add3A_162 : i32 to index
        %get3A_164 = arith.constant 0 : index
        %get3A_165 = tpu.vector_load %arg5[%get3A_163, %get3A_164] {strides = array<i32>} : memref<2048x16xf32, #tpu.memory_space<vmem>>, vector<1x16xf32>,
        %get3A_166 = vector.shape_cast %get3A_165 : vector<1x16xf32> to vector<16xf32>
        %mul3A_167 = arith.mulf %get3A_166, %div3A_81 : vector<16xf32>
        %mul3A_168 = arith.constant 16 : i32
        %mul3A_169 = arith.muli %scan3A_88, %mul3A_168 : i32
        %add3A_170 = arith.constant 4 : i32
        %add3A_171 = arith.addi %mul3A_169, %add3A_170 : i32
        %swap3A_172 = arith.index_cast %add3A_171 : i32 to index
        %swap3A_173 = arith.constant 0 : index
        %swap3A_174 = tpu.vector_load %arg5[%swap3A_172, %swap3A_173] {strides = array<i32>} : memref<2048x16xf32, #tpu.memory_space<vmem>>, vector<1x16xf32>,
        %swap3A_175 = vector.shape_cast %swap3A_174 : vector<1x16xf32> to vector<16xf32>
        %swap3A_176 = vector.shape_cast %mul3A_167 : vector<16xf32> to vector<1x16xf32>
        tpu.vector_store %arg5[%swap3A_172, %swap3A_173], %swap3A_176 {strides = array<i32>} : memref<2048x16xf32, #tpu.memory_space<vmem>>, vector<1x16xf32>,
        %mul3A_177 = arith.constant 16 : i32
        %mul3A_178 = arith.muli %scan3A_88, %mul3A_177 : i32
        %add3A_179 = arith.constant 5 : i32
        %add3A_180 = arith.addi %mul3A_178, %add3A_179 : i32
        %get3A_181 = arith.index_cast %add3A_180 : i32 to index
        %get3A_182 = arith.constant 0 : index
        %get3A_183 = tpu.vector_load %arg5[%get3A_181, %get3A_182] {strides = array<i32>} : memref<2048x16xf32, #tpu.memory_space<vmem>>, vector<1x16xf32>,
        %get3A_184 = vector.shape_cast %get3A_183 : vector<1x16xf32> to vector<16xf32>
        %mul3A_185 = arith.mulf %get3A_184, %div3A_81 : vector<16xf32>
        %mul3A_186 = arith.constant 16 : i32
        %mul3A_187 = arith.muli %scan3A_88, %mul3A_186 : i32
        %add3A_188 = arith.constant 5 : i32
        %add3A_189 = arith.addi %mul3A_187, %add3A_188 : i32
        %swap3A_190 = arith.index_cast %add3A_189 : i32 to index
        %swap3A_191 = arith.constant 0 : index
        %swap3A_192 = tpu.vector_load %arg5[%swap3A_190, %swap3A_191] {strides = array<i32>} : memref<2048x16xf32, #tpu.memory_space<vmem>>, vector<1x16xf32>,
        %swap3A_193 = vector.shape_cast %swap3A_192 : vector<1x16xf32> to vector<16xf32>
        %swap3A_194 = vector.shape_cast %mul3A_185 : vector<16xf32> to vector<1x16xf32>
        tpu.vector_store %arg5[%swap3A_190, %swap3A_191], %swap3A_194 {strides = array<i32>} : memref<2048x16xf32, #tpu.memory_space<vmem>>, vector<1x16xf32>,
        %mul3A_195 = arith.constant 16 : i32
        %mul3A_196 = arith.muli %scan3A_88, %mul3A_195 : i32
        %add3A_197 = arith.constant 6 : i32
        %add3A_198 = arith.addi %mul3A_196, %add3A_197 : i32
        %get3A_199 = arith.index_cast %add3A_198 : i32 to index
        %get3A_200 = arith.constant 0 : index
        %get3A_201 = tpu.vector_load %arg5[%get3A_199, %get3A_200] {strides = array<i32>} : memref<2048x16xf32, #tpu.memory_space<vmem>>, vector<1x16xf32>,
        %get3A_202 = vector.shape_cast %get3A_201 : vector<1x16xf32> to vector<16xf32>
        %mul3A_203 = arith.mulf %get3A_202, %div3A_81 : vector<16xf32>
        %mul3A_204 = arith.constant 16 : i32
        %mul3A_205 = arith.muli %scan3A_88, %mul3A_204 : i32
        %add3A_206 = arith.constant 6 : i32
        %add3A_207 = arith.addi %mul3A_205, %add3A_206 : i32
        %swap3A_208 = arith.index_cast %add3A_207 : i32 to index
        %swap3A_209 = arith.constant 0 : index
        %swap3A_210 = tpu.vector_load %arg5[%swap3A_208, %swap3A_209] {strides = array<i32>} : memref<2048x16xf32, #tpu.memory_space<vmem>>, vector<1x16xf32>,
        %swap3A_211 = vector.shape_cast %swap3A_210 : vector<1x16xf32> to vector<16xf32>
        %swap3A_212 = vector.shape_cast %mul3A_203 : vector<16xf32> to vector<1x16xf32>
        tpu.vector_store %arg5[%swap3A_208, %swap3A_209], %swap3A_212 {strides = array<i32>} : memref<2048x16xf32, #tpu.memory_space<vmem>>, vector<1x16xf32>,
        %mul3A_213 = arith.constant 16 : i32
        %mul3A_214 = arith.muli %scan3A_88, %mul3A_213 : i32
        %add3A_215 = arith.constant 7 : i32
        %add3A_216 = arith.addi %mul3A_214, %add3A_215 : i32
        %get3A_217 = arith.index_cast %add3A_216 : i32 to index
        %get3A_218 = arith.constant 0 : index
        %get3A_219 = tpu.vector_load %arg5[%get3A_217, %get3A_218] {strides = array<i32>} : memref<2048x16xf32, #tpu.memory_space<vmem>>, vector<1x16xf32>,
        %get3A_220 = vector.shape_cast %get3A_219 : vector<1x16xf32> to vector<16xf32>
        %mul3A_221 = arith.mulf %get3A_220, %div3A_81 : vector<16xf32>
        %mul3A_222 = arith.constant 16 : i32
        %mul3A_223 = arith.muli %scan3A_88, %mul3A_222 : i32
        %add3A_224 = arith.constant 7 : i32
        %add3A_225 = arith.addi %mul3A_223, %add3A_224 : i32
        %swap3A_226 = arith.index_cast %add3A_225 : i32 to index
        %swap3A_227 = arith.constant 0 : index
        %swap3A_228 = tpu.vector_load %arg5[%swap3A_226, %swap3A_227] {strides = array<i32>} : memref<2048x16xf32, #tpu.memory_space<vmem>>, vector<1x16xf32>,
        %swap3A_229 = vector.shape_cast %swap3A_228 : vector<1x16xf32> to vector<16xf32>
        %swap3A_230 = vector.shape_cast %mul3A_221 : vector<16xf32> to vector<1x16xf32>
        tpu.vector_store %arg5[%swap3A_226, %swap3A_227], %swap3A_230 {strides = array<i32>} : memref<2048x16xf32, #tpu.memory_space<vmem>>, vector<1x16xf32>,
        %mul3A_231 = arith.constant 16 : i32
        %mul3A_232 = arith.muli %scan3A_88, %mul3A_231 : i32
        %add3A_233 = arith.constant 8 : i32
        %add3A_234 = arith.addi %mul3A_232, %add3A_233 : i32
        %get3A_235 = arith.index_cast %add3A_234 : i32 to index
        %get3A_236 = arith.constant 0 : index
        %get3A_237 = tpu.vector_load %arg5[%get3A_235, %get3A_236] {strides = array<i32>} : memref<2048x16xf32, #tpu.memory_space<vmem>>, vector<1x16xf32>,
        %get3A_238 = vector.shape_cast %get3A_237 : vector<1x16xf32> to vector<16xf32>
        %mul3A_239 = arith.mulf %get3A_238, %div3A_81 : vector<16xf32>
        %mul3A_240 = arith.constant 16 : i32
        %mul3A_241 = arith.muli %scan3A_88, %mul3A_240 : i32
        %add3A_242 = arith.constant 8 : i32
        %add3A_243 = arith.addi %mul3A_241, %add3A_242 : i32
        %swap3A_244 = arith.index_cast %add3A_243 : i32 to index
        %swap3A_245 = arith.constant 0 : index
        %swap3A_246 = tpu.vector_load %arg5[%swap3A_244, %swap3A_245] {strides = array<i32>} : memref<2048x16xf32, #tpu.memory_space<vmem>>, vector<1x16xf32>,
        %swap3A_247 = vector.shape_cast %swap3A_246 : vector<1x16xf32> to vector<16xf32>
        %swap3A_248 = vector.shape_cast %mul3A_239 : vector<16xf32> to vector<1x16xf32>
        tpu.vector_store %arg5[%swap3A_244, %swap3A_245], %swap3A_248 {strides = array<i32>} : memref<2048x16xf32, #tpu.memory_space<vmem>>, vector<1x16xf32>,
        %mul3A_249 = arith.constant 16 : i32
        %mul3A_250 = arith.muli %scan3A_88, %mul3A_249 : i32
        %add3A_251 = arith.constant 9 : i32
        %add3A_252 = arith.addi %mul3A_250, %add3A_251 : i32
        %get3A_253 = arith.index_cast %add3A_252 : i32 to index
        %get3A_254 = arith.constant 0 : index
        %get3A_255 = tpu.vector_load %arg5[%get3A_253, %get3A_254] {strides = array<i32>} : memref<2048x16xf32, #tpu.memory_space<vmem>>, vector<1x16xf32>,
        %get3A_256 = vector.shape_cast %get3A_255 : vector<1x16xf32> to vector<16xf32>
        %mul3A_257 = arith.mulf %get3A_256, %div3A_81 : vector<16xf32>
        %mul3A_258 = arith.constant 16 : i32
        %mul3A_259 = arith.muli %scan3A_88, %mul3A_258 : i32
        %add3A_260 = arith.constant 9 : i32
        %add3A_261 = arith.addi %mul3A_259, %add3A_260 : i32
        %swap3A_262 = arith.index_cast %add3A_261 : i32 to index
        %swap3A_263 = arith.constant 0 : index
        %swap3A_264 = tpu.vector_load %arg5[%swap3A_262, %swap3A_263] {strides = array<i32>} : memref<2048x16xf32, #tpu.memory_space<vmem>>, vector<1x16xf32>,
        %swap3A_265 = vector.shape_cast %swap3A_264 : vector<1x16xf32> to vector<16xf32>
        %swap3A_266 = vector.shape_cast %mul3A_257 : vector<16xf32> to vector<1x16xf32>
        tpu.vector_store %arg5[%swap3A_262, %swap3A_263], %swap3A_266 {strides = array<i32>} : memref<2048x16xf32, #tpu.memory_space<vmem>>, vector<1x16xf32>,
        %mul3A_267 = arith.constant 16 : i32
        %mul3A_268 = arith.muli %scan3A_88, %mul3A_267 : i32
        %add3A_269 = arith.constant 10 : i32
        %add3A_270 = arith.addi %mul3A_268, %add3A_269 : i32
        %get3A_271 = arith.index_cast %add3A_270 : i32 to index
        %get3A_272 = arith.constant 0 : index
        %get3A_273 = tpu.vector_load %arg5[%get3A_271, %get3A_272] {strides = array<i32>} : memref<2048x16xf32, #tpu.memory_space<vmem>>, vector<1x16xf32>,
        %get3A_274 = vector.shape_cast %get3A_273 : vector<1x16xf32> to vector<16xf32>
        %mul3A_275 = arith.mulf %get3A_274, %div3A_81 : vector<16xf32>
        %mul3A_276 = arith.constant 16 : i32
        %mul3A_277 = arith.muli %scan3A_88, %mul3A_276 : i32
        %add3A_278 = arith.constant 10 : i32
        %add3A_279 = arith.addi %mul3A_277, %add3A_278 : i32
        %swap3A_280 = arith.index_cast %add3A_279 : i32 to index
        %swap3A_281 = arith.constant 0 : index
        %swap3A_282 = tpu.vector_load %arg5[%swap3A_280, %swap3A_281] {strides = array<i32>} : memref<2048x16xf32, #tpu.memory_space<vmem>>, vector<1x16xf32>,
        %swap3A_283 = vector.shape_cast %swap3A_282 : vector<1x16xf32> to vector<16xf32>
        %swap3A_284 = vector.shape_cast %mul3A_275 : vector<16xf32> to vector<1x16xf32>
        tpu.vector_store %arg5[%swap3A_280, %swap3A_281], %swap3A_284 {strides = array<i32>} : memref<2048x16xf32, #tpu.memory_space<vmem>>, vector<1x16xf32>,
        %mul3A_285 = arith.constant 16 : i32
        %mul3A_286 = arith.muli %scan3A_88, %mul3A_285 : i32
        %add3A_287 = arith.constant 11 : i32
        %add3A_288 = arith.addi %mul3A_286, %add3A_287 : i32
        %get3A_289 = arith.index_cast %add3A_288 : i32 to index
        %get3A_290 = arith.constant 0 : index
        %get3A_291 = tpu.vector_load %arg5[%get3A_289, %get3A_290] {strides = array<i32>} : memref<2048x16xf32, #tpu.memory_space<vmem>>, vector<1x16xf32>,
        %get3A_292 = vector.shape_cast %get3A_291 : vector<1x16xf32> to vector<16xf32>
        %mul3A_293 = arith.mulf %get3A_292, %div3A_81 : vector<16xf32>
        %mul3A_294 = arith.constant 16 : i32
        %mul3A_295 = arith.muli %scan3A_88, %mul3A_294 : i32
        %add3A_296 = arith.constant 11 : i32
        %add3A_297 = arith.addi %mul3A_295, %add3A_296 : i32
        %swap3A_298 = arith.index_cast %add3A_297 : i32 to index
        %swap3A_299 = arith.constant 0 : index
        %swap3A_300 = tpu.vector_load %arg5[%swap3A_298, %swap3A_299] {strides = array<i32>} : memref<2048x16xf32, #tpu.memory_space<vmem>>, vector<1x16xf32>,
        %swap3A_301 = vector.shape_cast %swap3A_300 : vector<1x16xf32> to vector<16xf32>
        %swap3A_302 = vector.shape_cast %mul3A_293 : vector<16xf32> to vector<1x16xf32>
        tpu.vector_store %arg5[%swap3A_298, %swap3A_299], %swap3A_302 {strides = array<i32>} : memref<2048x16xf32, #tpu.memory_space<vmem>>, vector<1x16xf32>,
        %mul3A_303 = arith.constant 16 : i32
        %mul3A_304 = arith.muli %scan3A_88, %mul3A_303 : i32
        %add3A_305 = arith.constant 12 : i32
        %add3A_306 = arith.addi %mul3A_304, %add3A_305 : i32
        %get3A_307 = arith.index_cast %add3A_306 : i32 to index
        %get3A_308 = arith.constant 0 : index
        %get3A_309 = tpu.vector_load %arg5[%get3A_307, %get3A_308] {strides = array<i32>} : memref<2048x16xf32, #tpu.memory_space<vmem>>, vector<1x16xf32>,
        %get3A_310 = vector.shape_cast %get3A_309 : vector<1x16xf32> to vector<16xf32>
        %mul3A_311 = arith.mulf %get3A_310, %div3A_81 : vector<16xf32>
        %mul3A_312 = arith.constant 16 : i32
        %mul3A_313 = arith.muli %scan3A_88, %mul3A_312 : i32
        %add3A_314 = arith.constant 12 : i32
        %add3A_315 = arith.addi %mul3A_313, %add3A_314 : i32
        %swap3A_316 = arith.index_cast %add3A_315 : i32 to index
        %swap3A_317 = arith.constant 0 : index
        %swap3A_318 = tpu.vector_load %arg5[%swap3A_316, %swap3A_317] {strides = array<i32>} : memref<2048x16xf32, #tpu.memory_space<vmem>>, vector<1x16xf32>,
        %swap3A_319 = vector.shape_cast %swap3A_318 : vector<1x16xf32> to vector<16xf32>
        %swap3A_320 = vector.shape_cast %mul3A_311 : vector<16xf32> to vector<1x16xf32>
        tpu.vector_store %arg5[%swap3A_316, %swap3A_317], %swap3A_320 {strides = array<i32>} : memref<2048x16xf32, #tpu.memory_space<vmem>>, vector<1x16xf32>,
        %mul3A_321 = arith.constant 16 : i32
        %mul3A_322 = arith.muli %scan3A_88, %mul3A_321 : i32
        %add3A_323 = arith.constant 13 : i32
        %add3A_324 = arith.addi %mul3A_322, %add3A_323 : i32
        %get3A_325 = arith.index_cast %add3A_324 : i32 to index
        %get3A_326 = arith.constant 0 : index
        %get3A_327 = tpu.vector_load %arg5[%get3A_325, %get3A_326] {strides = array<i32>} : memref<2048x16xf32, #tpu.memory_space<vmem>>, vector<1x16xf32>,
        %get3A_328 = vector.shape_cast %get3A_327 : vector<1x16xf32> to vector<16xf32>
        %mul3A_329 = arith.mulf %get3A_328, %div3A_81 : vector<16xf32>
        %mul3A_330 = arith.constant 16 : i32
        %mul3A_331 = arith.muli %scan3A_88, %mul3A_330 : i32
        %add3A_332 = arith.constant 13 : i32
        %add3A_333 = arith.addi %mul3A_331, %add3A_332 : i32
        %swap3A_334 = arith.index_cast %add3A_333 : i32 to index
        %swap3A_335 = arith.constant 0 : index
        %swap3A_336 = tpu.vector_load %arg5[%swap3A_334, %swap3A_335] {strides = array<i32>} : memref<2048x16xf32, #tpu.memory_space<vmem>>, vector<1x16xf32>,
        %swap3A_337 = vector.shape_cast %swap3A_336 : vector<1x16xf32> to vector<16xf32>
        %swap3A_338 = vector.shape_cast %mul3A_329 : vector<16xf32> to vector<1x16xf32>
        tpu.vector_store %arg5[%swap3A_334, %swap3A_335], %swap3A_338 {strides = array<i32>} : memref<2048x16xf32, #tpu.memory_space<vmem>>, vector<1x16xf32>,
        %mul3A_339 = arith.constant 16 : i32
        %mul3A_340 = arith.muli %scan3A_88, %mul3A_339 : i32
        %add3A_341 = arith.constant 14 : i32
        %add3A_342 = arith.addi %mul3A_340, %add3A_341 : i32
        %get3A_343 = arith.index_cast %add3A_342 : i32 to index
        %get3A_344 = arith.constant 0 : index
        %get3A_345 = tpu.vector_load %arg5[%get3A_343, %get3A_344] {strides = array<i32>} : memref<2048x16xf32, #tpu.memory_space<vmem>>, vector<1x16xf32>,
        %get3A_346 = vector.shape_cast %get3A_345 : vector<1x16xf32> to vector<16xf32>
        %mul3A_347 = arith.mulf %get3A_346, %div3A_81 : vector<16xf32>
        %mul3A_348 = arith.constant 16 : i32
        %mul3A_349 = arith.muli %scan3A_88, %mul3A_348 : i32
        %add3A_350 = arith.constant 14 : i32
        %add3A_351 = arith.addi %mul3A_349, %add3A_350 : i32
        %swap3A_352 = arith.index_cast %add3A_351 : i32 to index
        %swap3A_353 = arith.constant 0 : index
        %swap3A_354 = tpu.vector_load %arg5[%swap3A_352, %swap3A_353] {strides = array<i32>} : memref<2048x16xf32, #tpu.memory_space<vmem>>, vector<1x16xf32>,
        %swap3A_355 = vector.shape_cast %swap3A_354 : vector<1x16xf32> to vector<16xf32>
        %swap3A_356 = vector.shape_cast %mul3A_347 : vector<16xf32> to vector<1x16xf32>
        tpu.vector_store %arg5[%swap3A_352, %swap3A_353], %swap3A_356 {strides = array<i32>} : memref<2048x16xf32, #tpu.memory_space<vmem>>, vector<1x16xf32>,
        %mul3A_357 = arith.constant 16 : i32
        %mul3A_358 = arith.muli %scan3A_88, %mul3A_357 : i32
        %add3A_359 = arith.constant 15 : i32
        %add3A_360 = arith.addi %mul3A_358, %add3A_359 : i32
        %get3A_361 = arith.index_cast %add3A_360 : i32 to index
        %get3A_362 = arith.constant 0 : index
        %get3A_363 = tpu.vector_load %arg5[%get3A_361, %get3A_362] {strides = array<i32>} : memref<2048x16xf32, #tpu.memory_space<vmem>>, vector<1x16xf32>,
        %get3A_364 = vector.shape_cast %get3A_363 : vector<1x16xf32> to vector<16xf32>
        %mul3A_365 = arith.mulf %get3A_364, %div3A_81 : vector<16xf32>
        %mul3A_366 = arith.constant 16 : i32
        %mul3A_367 = arith.muli %scan3A_88, %mul3A_366 : i32
        %add3A_368 = arith.constant 15 : i32
        %add3A_369 = arith.addi %mul3A_367, %add3A_368 : i32
        %swap3A_370 = arith.index_cast %add3A_369 : i32 to index
        %swap3A_371 = arith.constant 0 : index
        %swap3A_372 = tpu.vector_load %arg5[%swap3A_370, %swap3A_371] {strides = array<i32>} : memref<2048x16xf32, #tpu.memory_space<vmem>>, vector<1x16xf32>,
        %swap3A_373 = vector.shape_cast %swap3A_372 : vector<1x16xf32> to vector<16xf32>
        %swap3A_374 = vector.shape_cast %mul3A_365 : vector<16xf32> to vector<1x16xf32>
        tpu.vector_store %arg5[%swap3A_370, %swap3A_371], %swap3A_374 {strides = array<i32>} : memref<2048x16xf32, #tpu.memory_space<vmem>>, vector<1x16xf32>,
      }
      %scan3A_87 = arith.constant 128 : i32
      "tpu.region"() ({
        %run_scoped3A = tpu.sem_alloc : memref<!tpu.dma_semaphore, #tpu.memory_space<semaphore_mem>>
        %dma_start3A = arith.constant 0 : i32
        %dma_start3A_88 = tpu.memref_slice %arg3[%dma_start3A, %mul3A_11] : memref<2048x4096xf32, #tpu.memory_space<hbm>> -> memref<2048x16xf32, #tpu.memory_space<hbm>>
        %dma_start3A_89 = arith.constant 0 : i32
        %dma_start3A_90 = tpu.memref_slice %arg3[%dma_start3A_89, %mul3A_11] : memref<2048x4096xf32, #tpu.memory_space<hbm>> -> memref<2048x16xf32, #tpu.memory_space<hbm>>
        tpu.enqueue_dma source(%arg5 : memref<2048x16xf32, #tpu.memory_space<vmem>>) target(%dma_start3A_90 : memref<2048x16xf32, #tpu.memory_space<hbm>>) target_semaphore(%run_scoped3A : memref<!tpu.dma_semaphore, #tpu.memory_space<semaphore_mem>>)
        %dma_wait3A = arith.constant 0 : i32
        %dma_wait3A_91 = tpu.memref_slice %arg3[%dma_wait3A, %mul3A_11] : memref<2048x4096xf32, #tpu.memory_space<hbm>> -> memref<2048x16xf32, #tpu.memory_space<hbm>>
        %dma_wait3A_92 = arith.constant 0 : i32
        %dma_wait3A_93 = tpu.memref_slice %arg3[%dma_wait3A_92, %mul3A_11] : memref<2048x4096xf32, #tpu.memory_space<hbm>> -> memref<2048x16xf32, #tpu.memory_space<hbm>>
        tpu.wait_dma2 semaphore(%run_scoped3A : memref<!tpu.dma_semaphore, #tpu.memory_space<semaphore_mem>>) src(%arg5 : memref<2048x16xf32, #tpu.memory_space<vmem>>) dst(%dma_wait3A_93 : memref<2048x16xf32, #tpu.memory_space<hbm>>)
        tpu.yield
      }) : () -> ()
    }
    %scan3A_5 = arith.constant 8 : i32
    return
  }
}

module attributes {stable_mosaic.version = 14 : i64} {
  func.func @_topk_softmax_block(%arg0: i32, %arg1: i32, %arg2: memref<14xi32, #tpu.memory_space<smem>>, %arg3: memref<1x256x2048xf32, #tpu.memory_space<vmem>>, %arg4: memref<1x256x2048xf32, #tpu.memory_space<vmem>>, %arg5: memref<1x256xi32, #tpu.memory_space<vmem>>, %arg6: memref<1x256xi32, #tpu.memory_space<vmem>>, %arg7: memref<1x256xi32, #tpu.memory_space<vmem>>, %arg8: memref<1x256xi32, #tpu.memory_space<vmem>>, %arg9: memref<2048x256xf32, #tpu.memory_space<vmem>>) attributes {dimension_semantics = [#tpu.dimension_semantics<parallel>, #tpu.dimension_semantics<parallel>], iteration_bounds = array<i64: 14, 8>, scalar_prefetch = 1 : i64, scratch_operands = 5 : i64, tpu.core_type = #tpu.core_type<tc>, window_params = [{transform_indices = @transform_0, window_bounds = array<i64: 1, 256, 2048>}, {transform_indices = @transform_1, window_bounds = array<i64: 1, 256, 2048>}]} {
    %get3A = arith.constant 0 : index
    %get3A_0 = arith.constant 0 : index
    %get3A_1 = arith.constant 0 : index
    %get3A_2 = vector.load %arg3[%get3A, %get3A_0, %get3A_1] : memref<1x256x2048xf32, #tpu.memory_space<vmem>>, vector<1x256x2048xf32>
    %get3A_3 = vector.shape_cast %get3A_2 : vector<1x256x2048xf32> to vector<256x2048xf32>
    %get3A_4 = arith.index_cast %arg0 : i32 to index
    %get3A_5 = memref.load %arg2[%get3A_4] : memref<14xi32, #tpu.memory_space<smem>>
    %transpose3A = tpu.transpose %get3A_3, [1, 0] : vector<256x2048xf32> -> vector<2048x256xf32>
    %swap3A = arith.constant 0 : index
    %swap3A_6 = arith.constant 0 : index
    %swap3A_7 = vector.load %arg9[%swap3A, %swap3A_6] : memref<2048x256xf32, #tpu.memory_space<vmem>>, vector<2048x256xf32>
    tpu.vector_store %arg9[%swap3A, %swap3A_6], %transpose3A {strides = array<i32>} : memref<2048x256xf32, #tpu.memory_space<vmem>>, vector<2048x256xf32>,
    %get3A_8 = arith.constant 0 : index
    %get3A_9 = arith.constant 0 : index
    %get3A_10 = vector.load %arg9[%get3A_8, %get3A_9] : memref<2048x256xf32, #tpu.memory_space<vmem>>, vector<2048x256xf32>
    %reduce_min3A = arith.constant dense<0x7F800000> : vector<256xf32>
    %reduce_min3A_11 = vector.multi_reduction <minimumf>, %get3A_10, %reduce_min3A [0] : vector<2048x256xf32> to vector<256xf32>
    %broadcast_in_dim3A = vector.shape_cast %reduce_min3A_11 : vector<256xf32> to vector<1x256xf32>
    %reduce_max3A = arith.constant dense<0xFF800000> : vector<256xf32>
    %reduce_max3A_12 = vector.multi_reduction <maximumf>, %get3A_10, %reduce_max3A [0] : vector<2048x256xf32> to vector<256xf32>
    %broadcast_in_dim3A_13 = vector.shape_cast %reduce_max3A_12 : vector<256xf32> to vector<1x256xf32>
    %bitcast_convert_type3A = tpu.bitcast %broadcast_in_dim3A : vector<1x256xf32> -> vector<1x256xi32>
    %ge3A = arith.constant 0 : i32
    %ge3A_14 = vector.broadcast %ge3A : i32 to vector<1x256xi32>
    %ge3A_15 = arith.cmpi sge, %bitcast_convert_type3A, %ge3A_14 : vector<1x256xi32>
    %xor3A = arith.constant 2147483647 : i32
    %xor3A_16 = vector.broadcast %xor3A : i32 to vector<1x256xi32>
    %xor3A_17 = arith.xori %bitcast_convert_type3A, %xor3A_16 : vector<1x256xi32>
    %select_n3A = arith.select %ge3A_15, %bitcast_convert_type3A, %xor3A_17 : vector<1x256xi1>, vector<1x256xi32>
    %swap3A_18 = arith.constant 0 : index
    %swap3A_19 = arith.constant 0 : index
    %swap3A_20 = vector.load %arg5[%swap3A_18, %swap3A_19] : memref<1x256xi32, #tpu.memory_space<vmem>>, vector<1x256xi32>
    tpu.vector_store %arg5[%swap3A_18, %swap3A_19], %select_n3A {strides = array<i32>} : memref<1x256xi32, #tpu.memory_space<vmem>>, vector<1x256xi32>,
    %bitcast_convert_type3A_21 = tpu.bitcast %broadcast_in_dim3A_13 : vector<1x256xf32> -> vector<1x256xi32>
    %ge3A_22 = arith.constant 0 : i32
    %ge3A_23 = vector.broadcast %ge3A_22 : i32 to vector<1x256xi32>
    %ge3A_24 = arith.cmpi sge, %bitcast_convert_type3A_21, %ge3A_23 : vector<1x256xi32>
    %xor3A_25 = arith.constant 2147483647 : i32
    %xor3A_26 = vector.broadcast %xor3A_25 : i32 to vector<1x256xi32>
    %xor3A_27 = arith.xori %bitcast_convert_type3A_21, %xor3A_26 : vector<1x256xi32>
    %select_n3A_28 = arith.select %ge3A_24, %bitcast_convert_type3A_21, %xor3A_27 : vector<1x256xi1>, vector<1x256xi32>
    %swap3A_29 = arith.constant 0 : index
    %swap3A_30 = arith.constant 0 : index
    %swap3A_31 = vector.load %arg6[%swap3A_29, %swap3A_30] : memref<1x256xi32, #tpu.memory_space<vmem>>, vector<1x256xi32>
    tpu.vector_store %arg6[%swap3A_29, %swap3A_30], %select_n3A_28 {strides = array<i32>} : memref<1x256xi32, #tpu.memory_space<vmem>>, vector<1x256xi32>,
    %broadcast_in_dim3A_32 = arith.constant 2048 : i32
    %broadcast_in_dim3A_33 = vector.broadcast %broadcast_in_dim3A_32 : i32 to vector<1x256xi32>
    %swap3A_34 = arith.constant 0 : index
    %swap3A_35 = arith.constant 0 : index
    %swap3A_36 = vector.load %arg7[%swap3A_34, %swap3A_35] : memref<1x256xi32, #tpu.memory_space<vmem>>, vector<1x256xi32>
    tpu.vector_store %arg7[%swap3A_34, %swap3A_35], %broadcast_in_dim3A_33 {strides = array<i32>} : memref<1x256xi32, #tpu.memory_space<vmem>>, vector<1x256xi32>,
    %broadcast_in_dim3A_37 = arith.constant 0 : i32
    %broadcast_in_dim3A_38 = vector.broadcast %broadcast_in_dim3A_37 : i32 to vector<1x256xi32>
    %swap3A_39 = arith.constant 0 : index
    %swap3A_40 = arith.constant 0 : index
    %swap3A_41 = vector.load %arg8[%swap3A_39, %swap3A_40] : memref<1x256xi32, #tpu.memory_space<vmem>>, vector<1x256xi32>
    tpu.vector_store %arg8[%swap3A_39, %swap3A_40], %broadcast_in_dim3A_38 {strides = array<i32>} : memref<1x256xi32, #tpu.memory_space<vmem>>, vector<1x256xi32>,
    %while3A = arith.constant 0 : i32
    %while3A_42 = scf.while (%while3A_108 = %while3A) : (i32) -> i32 {
      %lt3A = arith.constant 18 : i32
      %lt3A_109 = arith.cmpi slt, %while3A_108, %lt3A : i32
      scf.condition(%lt3A_109) %while3A_108 : i32
    } do {
    ^bb0(%while3A_108: i32):
      %get3A_109 = arith.constant 0 : index
      %get3A_110 = arith.constant 0 : index
      %get3A_111 = vector.load %arg5[%get3A_109, %get3A_110] : memref<1x256xi32, #tpu.memory_space<vmem>>, vector<1x256xi32>
      %get3A_112 = arith.constant 0 : index
      %get3A_113 = arith.constant 0 : index
      %get3A_114 = vector.load %arg6[%get3A_112, %get3A_113] : memref<1x256xi32, #tpu.memory_space<vmem>>, vector<1x256xi32>
      %get3A_115 = arith.constant 0 : index
      %get3A_116 = arith.constant 0 : index
      %get3A_117 = vector.load %arg7[%get3A_115, %get3A_116] : memref<1x256xi32, #tpu.memory_space<vmem>>, vector<1x256xi32>
      %get3A_118 = arith.constant 0 : index
      %get3A_119 = arith.constant 0 : index
      %get3A_120 = vector.load %arg8[%get3A_118, %get3A_119] : memref<1x256xi32, #tpu.memory_space<vmem>>, vector<1x256xi32>
      %scan3A = arith.constant 0 : i32
      %mul3A = arith.constant 4 : i32
      %mul3A_121 = arith.muli %while3A_108, %mul3A : i32
      %add3A_122 = arith.addi %mul3A_121, %scan3A : i32
      %eq3A_123 = vector.broadcast %get3A_5 : i32 to vector<1x256xi32>
      %eq3A_124 = arith.cmpi eq, %get3A_120, %eq3A_123 : vector<1x256xi32>
      %ge3A_125 = arith.cmpi sge, %get3A_111, %get3A_114 : vector<1x256xi32>
      %or3A_126 = arith.ori %eq3A_124, %ge3A_125 : vector<1x256xi1>
      %convert_element_type3A_127 = arith.sitofp %get3A_111 : vector<1x256xi32> to vector<1x256xf32>
      %convert_element_type3A_128 = arith.sitofp %get3A_114 : vector<1x256xi32> to vector<1x256xf32>
      %sub3A_129 = vector.broadcast %get3A_5 : i32 to vector<1x256xi32>
      %sub3A_130 = arith.subi %get3A_117, %sub3A_129 : vector<1x256xi32>
      %convert_element_type3A_131 = arith.sitofp %sub3A_130 : vector<1x256xi32> to vector<1x256xf32>
      %sub3A_132 = arith.subi %get3A_117, %get3A_120 : vector<1x256xi32>
      %convert_element_type3A_133 = arith.sitofp %sub3A_132 : vector<1x256xi32> to vector<1x256xf32>
      %max3A = arith.constant 1.000000e+00 : f32
      %max3A_134 = vector.broadcast %max3A : f32 to vector<1x256xf32>
      %max3A_135 = arith.maximumf %convert_element_type3A_133, %max3A_134 : vector<1x256xf32>
      %div3A_136 = arith.divf %convert_element_type3A_131, %max3A_135 : vector<1x256xf32>
      %sub3A_137 = arith.subf %convert_element_type3A_128, %convert_element_type3A_127 : vector<1x256xf32>
      %mul3A_138 = arith.mulf %sub3A_137, %div3A_136 : vector<1x256xf32>
      %add3A_139 = arith.addf %convert_element_type3A_127, %mul3A_138 : vector<1x256xf32>
      %convert_element_type3A_140 = arith.fptosi %add3A_139 : vector<1x256xf32> to vector<1x256xi32>
      %add3A_141 = arith.constant 1 : i32
      %add3A_142 = vector.broadcast %add3A_141 : i32 to vector<1x256xi32>
      %add3A_143 = arith.addi %get3A_111, %add3A_142 : vector<1x256xi32>
      %max3A_144 = arith.maxsi %add3A_143, %convert_element_type3A_140 : vector<1x256xi32>
      %min3A = arith.minsi %get3A_114, %max3A_144 : vector<1x256xi32>
      %shift_right_arithmetic3A = arith.constant 1 : i32
      %shift_right_arithmetic3A_145 = vector.broadcast %shift_right_arithmetic3A : i32 to vector<1x256xi32>
      %shift_right_arithmetic3A_146 = arith.shrsi %get3A_111, %shift_right_arithmetic3A_145 : vector<1x256xi32>
      %shift_right_arithmetic3A_147 = arith.constant 1 : i32
      %shift_right_arithmetic3A_148 = vector.broadcast %shift_right_arithmetic3A_147 : i32 to vector<1x256xi32>
      %shift_right_arithmetic3A_149 = arith.shrsi %get3A_114, %shift_right_arithmetic3A_148 : vector<1x256xi32>
      %add3A_150 = arith.addi %shift_right_arithmetic3A_146, %shift_right_arithmetic3A_149 : vector<1x256xi32>
      %and3A_151 = arith.andi %get3A_111, %get3A_114 : vector<1x256xi32>
      %and3A_152 = arith.constant 1 : i32
      %and3A_153 = vector.broadcast %and3A_152 : i32 to vector<1x256xi32>
      %and3A_154 = arith.andi %and3A_151, %and3A_153 : vector<1x256xi32>
      %add3A_155 = arith.addi %add3A_150, %and3A_154 : vector<1x256xi32>
      %xor3A_156 = arith.xori %get3A_111, %get3A_114 : vector<1x256xi32>
      %and3A_157 = arith.constant 1 : i32
      %and3A_158 = vector.broadcast %and3A_157 : i32 to vector<1x256xi32>
      %and3A_159 = arith.andi %xor3A_156, %and3A_158 : vector<1x256xi32>
      %add3A_160 = arith.addi %add3A_155, %and3A_159 : vector<1x256xi32>
      %jit3A_161 = arith.constant 2 : i32
      %eq3A_162 = arith.constant 0 : i32
      %eq3A_163 = arith.cmpi eq, %jit3A_161, %eq3A_162 : i32
      %jit3A_164 = arith.constant 1 : i32
      %select_n3A_165 = arith.select %eq3A_163, %jit3A_164, %jit3A_161 : i32
      %rem3A = arith.remsi %add3A_122, %select_n3A_165 : i32
      %ne3A = arith.constant 0 : i32
      %ne3A_166 = arith.cmpi ne, %rem3A, %ne3A : i32
      %lt3A = arith.constant 0 : i32
      %lt3A_167 = arith.cmpi slt, %rem3A, %lt3A : i32
      %lt3A_168 = arith.constant 0 : i32
      %lt3A_169 = arith.cmpi slt, %select_n3A_165, %lt3A_168 : i32
      %ne3A_170 = arith.xori %lt3A_167, %lt3A_169 : i1
      %and3A_171 = arith.andi %ne3A_170, %ne3A_166 : i1
      %add3A_172 = arith.addi %rem3A, %select_n3A_165 : i32
      %select_n3A_173 = arith.select %and3A_171, %add3A_172, %rem3A : i32
      %eq3A_174 = arith.constant 0 : i32
      %eq3A_175 = arith.cmpi eq, %select_n3A_173, %eq3A_174 : i32
      %select_n3A_176 = arith.select %eq3A_175, %min3A, %add3A_160 : vector<1x256xi32>
      %select_n3A_177 = arith.select %or3A_126, %get3A_111, %select_n3A_176 : vector<1x256xi1>, vector<1x256xi32>
      %ge3A_178 = arith.constant 0 : i32
      %ge3A_179 = vector.broadcast %ge3A_178 : i32 to vector<1x256xi32>
      %ge3A_180 = arith.cmpi sge, %select_n3A_177, %ge3A_179 : vector<1x256xi32>
      %xor3A_181 = arith.constant 2147483647 : i32
      %xor3A_182 = vector.broadcast %xor3A_181 : i32 to vector<1x256xi32>
      %xor3A_183 = arith.xori %select_n3A_177, %xor3A_182 : vector<1x256xi32>
      %select_n3A_184 = arith.select %ge3A_180, %select_n3A_177, %xor3A_183 : vector<1x256xi1>, vector<1x256xi32>
      %bitcast_convert_type3A_185 = tpu.bitcast %select_n3A_184 : vector<1x256xi32> -> vector<1x256xf32>
      %ge3A_186 = vector.broadcast %bitcast_convert_type3A_185 : vector<1x256xf32> to vector<2048x256xf32>
      %ge3A_187 = arith.cmpf oge, %get3A_10, %ge3A_186 : vector<2048x256xf32>
      %convert_element_type3A_188 = arith.extui %ge3A_187 : vector<2048x256xi1> to vector<2048x256xi32>
      %reduce_sum3A_189 = arith.constant dense<0> : vector<256xi32>
      %reduce_sum3A_190 = vector.multi_reduction <add>, %convert_element_type3A_188, %reduce_sum3A_189 [0] : vector<2048x256xi32> to vector<256xi32>
      %broadcast_in_dim3A_191 = vector.shape_cast %reduce_sum3A_190 : vector<256xi32> to vector<1x256xi32>
      %gt3A_192 = vector.broadcast %get3A_5 : i32 to vector<1x256xi32>
      %gt3A_193 = arith.cmpi sgt, %broadcast_in_dim3A_191, %gt3A_192 : vector<1x256xi32>
      %not3A_194 = arith.constant dense<true> : vector<1x256xi1>
      %not3A_195 = arith.xori %gt3A_193, %not3A_194 : vector<1x256xi1>
      %or3A_196 = arith.ori %or3A_126, %not3A_195 : vector<1x256xi1>
      %select_n3A_197 = arith.select %or3A_196, %get3A_111, %select_n3A_177 : vector<1x256xi1>, vector<1x256xi32>
      %not3A_198 = arith.constant dense<true> : vector<1x256xi1>
      %not3A_199 = arith.xori %gt3A_193, %not3A_198 : vector<1x256xi1>
      %or3A_200 = arith.ori %or3A_126, %not3A_199 : vector<1x256xi1>
      %select_n3A_201 = arith.select %or3A_200, %get3A_117, %broadcast_in_dim3A_191 : vector<1x256xi1>, vector<1x256xi32>
      %or3A_202 = arith.ori %or3A_126, %gt3A_193 : vector<1x256xi1>
      %sub3A_203 = arith.constant 1 : i32
      %sub3A_204 = vector.broadcast %sub3A_203 : i32 to vector<1x256xi32>
      %sub3A_205 = arith.subi %select_n3A_177, %sub3A_204 : vector<1x256xi32>
      %select_n3A_206 = arith.select %or3A_202, %get3A_114, %sub3A_205 : vector<1x256xi1>, vector<1x256xi32>
      %or3A_207 = arith.ori %or3A_126, %gt3A_193 : vector<1x256xi1>
      %select_n3A_208 = arith.select %or3A_207, %get3A_120, %broadcast_in_dim3A_191 : vector<1x256xi1>, vector<1x256xi32>
      %scan3A_209 = arith.constant 1 : i32
      %mul3A_210 = arith.constant 4 : i32
      %mul3A_211 = arith.muli %while3A_108, %mul3A_210 : i32
      %add3A_212 = arith.addi %mul3A_211, %scan3A_209 : i32
      %eq3A_213 = vector.broadcast %get3A_5 : i32 to vector<1x256xi32>
      %eq3A_214 = arith.cmpi eq, %select_n3A_208, %eq3A_213 : vector<1x256xi32>
      %ge3A_215 = arith.cmpi sge, %select_n3A_197, %select_n3A_206 : vector<1x256xi32>
      %or3A_216 = arith.ori %eq3A_214, %ge3A_215 : vector<1x256xi1>
      %convert_element_type3A_217 = arith.sitofp %select_n3A_197 : vector<1x256xi32> to vector<1x256xf32>
      %convert_element_type3A_218 = arith.sitofp %select_n3A_206 : vector<1x256xi32> to vector<1x256xf32>
      %sub3A_219 = vector.broadcast %get3A_5 : i32 to vector<1x256xi32>
      %sub3A_220 = arith.subi %select_n3A_201, %sub3A_219 : vector<1x256xi32>
      %convert_element_type3A_221 = arith.sitofp %sub3A_220 : vector<1x256xi32> to vector<1x256xf32>
      %sub3A_222 = arith.subi %select_n3A_201, %select_n3A_208 : vector<1x256xi32>
      %convert_element_type3A_223 = arith.sitofp %sub3A_222 : vector<1x256xi32> to vector<1x256xf32>
      %max3A_224 = arith.constant 1.000000e+00 : f32
      %max3A_225 = vector.broadcast %max3A_224 : f32 to vector<1x256xf32>
      %max3A_226 = arith.maximumf %convert_element_type3A_223, %max3A_225 : vector<1x256xf32>
      %div3A_227 = arith.divf %convert_element_type3A_221, %max3A_226 : vector<1x256xf32>
      %sub3A_228 = arith.subf %convert_element_type3A_218, %convert_element_type3A_217 : vector<1x256xf32>
      %mul3A_229 = arith.mulf %sub3A_228, %div3A_227 : vector<1x256xf32>
      %add3A_230 = arith.addf %convert_element_type3A_217, %mul3A_229 : vector<1x256xf32>
      %convert_element_type3A_231 = arith.fptosi %add3A_230 : vector<1x256xf32> to vector<1x256xi32>
      %add3A_232 = arith.constant 1 : i32
      %add3A_233 = vector.broadcast %add3A_232 : i32 to vector<1x256xi32>
      %add3A_234 = arith.addi %select_n3A_197, %add3A_233 : vector<1x256xi32>
      %max3A_235 = arith.maxsi %add3A_234, %convert_element_type3A_231 : vector<1x256xi32>
      %min3A_236 = arith.minsi %select_n3A_206, %max3A_235 : vector<1x256xi32>
      %shift_right_arithmetic3A_237 = arith.constant 1 : i32
      %shift_right_arithmetic3A_238 = vector.broadcast %shift_right_arithmetic3A_237 : i32 to vector<1x256xi32>
      %shift_right_arithmetic3A_239 = arith.shrsi %select_n3A_197, %shift_right_arithmetic3A_238 : vector<1x256xi32>
      %shift_right_arithmetic3A_240 = arith.constant 1 : i32
      %shift_right_arithmetic3A_241 = vector.broadcast %shift_right_arithmetic3A_240 : i32 to vector<1x256xi32>
      %shift_right_arithmetic3A_242 = arith.shrsi %select_n3A_206, %shift_right_arithmetic3A_241 : vector<1x256xi32>
      %add3A_243 = arith.addi %shift_right_arithmetic3A_239, %shift_right_arithmetic3A_242 : vector<1x256xi32>
      %and3A_244 = arith.andi %select_n3A_197, %select_n3A_206 : vector<1x256xi32>
      %and3A_245 = arith.constant 1 : i32
      %and3A_246 = vector.broadcast %and3A_245 : i32 to vector<1x256xi32>
      %and3A_247 = arith.andi %and3A_244, %and3A_246 : vector<1x256xi32>
      %add3A_248 = arith.addi %add3A_243, %and3A_247 : vector<1x256xi32>
      %xor3A_249 = arith.xori %select_n3A_197, %select_n3A_206 : vector<1x256xi32>
      %and3A_250 = arith.constant 1 : i32
      %and3A_251 = vector.broadcast %and3A_250 : i32 to vector<1x256xi32>
      %and3A_252 = arith.andi %xor3A_249, %and3A_251 : vector<1x256xi32>
      %add3A_253 = arith.addi %add3A_248, %and3A_252 : vector<1x256xi32>
      %jit3A_254 = arith.constant 2 : i32
      %eq3A_255 = arith.constant 0 : i32
      %eq3A_256 = arith.cmpi eq, %jit3A_254, %eq3A_255 : i32
      %jit3A_257 = arith.constant 1 : i32
      %select_n3A_258 = arith.select %eq3A_256, %jit3A_257, %jit3A_254 : i32
      %rem3A_259 = arith.remsi %add3A_212, %select_n3A_258 : i32
      %ne3A_260 = arith.constant 0 : i32
      %ne3A_261 = arith.cmpi ne, %rem3A_259, %ne3A_260 : i32
      %lt3A_262 = arith.constant 0 : i32
      %lt3A_263 = arith.cmpi slt, %rem3A_259, %lt3A_262 : i32
      %lt3A_264 = arith.constant 0 : i32
      %lt3A_265 = arith.cmpi slt, %select_n3A_258, %lt3A_264 : i32
      %ne3A_266 = arith.xori %lt3A_263, %lt3A_265 : i1
      %and3A_267 = arith.andi %ne3A_266, %ne3A_261 : i1
      %add3A_268 = arith.addi %rem3A_259, %select_n3A_258 : i32
      %select_n3A_269 = arith.select %and3A_267, %add3A_268, %rem3A_259 : i32
      %eq3A_270 = arith.constant 0 : i32
      %eq3A_271 = arith.cmpi eq, %select_n3A_269, %eq3A_270 : i32
      %select_n3A_272 = arith.select %eq3A_271, %min3A_236, %add3A_253 : vector<1x256xi32>
      %select_n3A_273 = arith.select %or3A_216, %select_n3A_197, %select_n3A_272 : vector<1x256xi1>, vector<1x256xi32>
      %ge3A_274 = arith.constant 0 : i32
      %ge3A_275 = vector.broadcast %ge3A_274 : i32 to vector<1x256xi32>
      %ge3A_276 = arith.cmpi sge, %select_n3A_273, %ge3A_275 : vector<1x256xi32>
      %xor3A_277 = arith.constant 2147483647 : i32
      %xor3A_278 = vector.broadcast %xor3A_277 : i32 to vector<1x256xi32>
      %xor3A_279 = arith.xori %select_n3A_273, %xor3A_278 : vector<1x256xi32>
      %select_n3A_280 = arith.select %ge3A_276, %select_n3A_273, %xor3A_279 : vector<1x256xi1>, vector<1x256xi32>
      %bitcast_convert_type3A_281 = tpu.bitcast %select_n3A_280 : vector<1x256xi32> -> vector<1x256xf32>
      %ge3A_282 = vector.broadcast %bitcast_convert_type3A_281 : vector<1x256xf32> to vector<2048x256xf32>
      %ge3A_283 = arith.cmpf oge, %get3A_10, %ge3A_282 : vector<2048x256xf32>
      %convert_element_type3A_284 = arith.extui %ge3A_283 : vector<2048x256xi1> to vector<2048x256xi32>
      %reduce_sum3A_285 = arith.constant dense<0> : vector<256xi32>
      %reduce_sum3A_286 = vector.multi_reduction <add>, %convert_element_type3A_284, %reduce_sum3A_285 [0] : vector<2048x256xi32> to vector<256xi32>
      %broadcast_in_dim3A_287 = vector.shape_cast %reduce_sum3A_286 : vector<256xi32> to vector<1x256xi32>
      %gt3A_288 = vector.broadcast %get3A_5 : i32 to vector<1x256xi32>
      %gt3A_289 = arith.cmpi sgt, %broadcast_in_dim3A_287, %gt3A_288 : vector<1x256xi32>
      %not3A_290 = arith.constant dense<true> : vector<1x256xi1>
      %not3A_291 = arith.xori %gt3A_289, %not3A_290 : vector<1x256xi1>
      %or3A_292 = arith.ori %or3A_216, %not3A_291 : vector<1x256xi1>
      %select_n3A_293 = arith.select %or3A_292, %select_n3A_197, %select_n3A_273 : vector<1x256xi1>, vector<1x256xi32>
      %not3A_294 = arith.constant dense<true> : vector<1x256xi1>
      %not3A_295 = arith.xori %gt3A_289, %not3A_294 : vector<1x256xi1>
      %or3A_296 = arith.ori %or3A_216, %not3A_295 : vector<1x256xi1>
      %select_n3A_297 = arith.select %or3A_296, %select_n3A_201, %broadcast_in_dim3A_287 : vector<1x256xi1>, vector<1x256xi32>
      %or3A_298 = arith.ori %or3A_216, %gt3A_289 : vector<1x256xi1>
      %sub3A_299 = arith.constant 1 : i32
      %sub3A_300 = vector.broadcast %sub3A_299 : i32 to vector<1x256xi32>
      %sub3A_301 = arith.subi %select_n3A_273, %sub3A_300 : vector<1x256xi32>
      %select_n3A_302 = arith.select %or3A_298, %select_n3A_206, %sub3A_301 : vector<1x256xi1>, vector<1x256xi32>
      %or3A_303 = arith.ori %or3A_216, %gt3A_289 : vector<1x256xi1>
      %select_n3A_304 = arith.select %or3A_303, %select_n3A_208, %broadcast_in_dim3A_287 : vector<1x256xi1>, vector<1x256xi32>
      %scan3A_305 = arith.constant 2 : i32
      %mul3A_306 = arith.constant 4 : i32
      %mul3A_307 = arith.muli %while3A_108, %mul3A_306 : i32
      %add3A_308 = arith.addi %mul3A_307, %scan3A_305 : i32
      %eq3A_309 = vector.broadcast %get3A_5 : i32 to vector<1x256xi32>
      %eq3A_310 = arith.cmpi eq, %select_n3A_304, %eq3A_309 : vector<1x256xi32>
      %ge3A_311 = arith.cmpi sge, %select_n3A_293, %select_n3A_302 : vector<1x256xi32>
      %or3A_312 = arith.ori %eq3A_310, %ge3A_311 : vector<1x256xi1>
      %convert_element_type3A_313 = arith.sitofp %select_n3A_293 : vector<1x256xi32> to vector<1x256xf32>
      %convert_element_type3A_314 = arith.sitofp %select_n3A_302 : vector<1x256xi32> to vector<1x256xf32>
      %sub3A_315 = vector.broadcast %get3A_5 : i32 to vector<1x256xi32>
      %sub3A_316 = arith.subi %select_n3A_297, %sub3A_315 : vector<1x256xi32>
      %convert_element_type3A_317 = arith.sitofp %sub3A_316 : vector<1x256xi32> to vector<1x256xf32>
      %sub3A_318 = arith.subi %select_n3A_297, %select_n3A_304 : vector<1x256xi32>
      %convert_element_type3A_319 = arith.sitofp %sub3A_318 : vector<1x256xi32> to vector<1x256xf32>
      %max3A_320 = arith.constant 1.000000e+00 : f32
      %max3A_321 = vector.broadcast %max3A_320 : f32 to vector<1x256xf32>
      %max3A_322 = arith.maximumf %convert_element_type3A_319, %max3A_321 : vector<1x256xf32>
      %div3A_323 = arith.divf %convert_element_type3A_317, %max3A_322 : vector<1x256xf32>
      %sub3A_324 = arith.subf %convert_element_type3A_314, %convert_element_type3A_313 : vector<1x256xf32>
      %mul3A_325 = arith.mulf %sub3A_324, %div3A_323 : vector<1x256xf32>
      %add3A_326 = arith.addf %convert_element_type3A_313, %mul3A_325 : vector<1x256xf32>
      %convert_element_type3A_327 = arith.fptosi %add3A_326 : vector<1x256xf32> to vector<1x256xi32>
      %add3A_328 = arith.constant 1 : i32
      %add3A_329 = vector.broadcast %add3A_328 : i32 to vector<1x256xi32>
      %add3A_330 = arith.addi %select_n3A_293, %add3A_329 : vector<1x256xi32>
      %max3A_331 = arith.maxsi %add3A_330, %convert_element_type3A_327 : vector<1x256xi32>
      %min3A_332 = arith.minsi %select_n3A_302, %max3A_331 : vector<1x256xi32>
      %shift_right_arithmetic3A_333 = arith.constant 1 : i32
      %shift_right_arithmetic3A_334 = vector.broadcast %shift_right_arithmetic3A_333 : i32 to vector<1x256xi32>
      %shift_right_arithmetic3A_335 = arith.shrsi %select_n3A_293, %shift_right_arithmetic3A_334 : vector<1x256xi32>
      %shift_right_arithmetic3A_336 = arith.constant 1 : i32
      %shift_right_arithmetic3A_337 = vector.broadcast %shift_right_arithmetic3A_336 : i32 to vector<1x256xi32>
      %shift_right_arithmetic3A_338 = arith.shrsi %select_n3A_302, %shift_right_arithmetic3A_337 : vector<1x256xi32>
      %add3A_339 = arith.addi %shift_right_arithmetic3A_335, %shift_right_arithmetic3A_338 : vector<1x256xi32>
      %and3A_340 = arith.andi %select_n3A_293, %select_n3A_302 : vector<1x256xi32>
      %and3A_341 = arith.constant 1 : i32
      %and3A_342 = vector.broadcast %and3A_341 : i32 to vector<1x256xi32>
      %and3A_343 = arith.andi %and3A_340, %and3A_342 : vector<1x256xi32>
      %add3A_344 = arith.addi %add3A_339, %and3A_343 : vector<1x256xi32>
      %xor3A_345 = arith.xori %select_n3A_293, %select_n3A_302 : vector<1x256xi32>
      %and3A_346 = arith.constant 1 : i32
      %and3A_347 = vector.broadcast %and3A_346 : i32 to vector<1x256xi32>
      %and3A_348 = arith.andi %xor3A_345, %and3A_347 : vector<1x256xi32>
      %add3A_349 = arith.addi %add3A_344, %and3A_348 : vector<1x256xi32>
      %jit3A_350 = arith.constant 2 : i32
      %eq3A_351 = arith.constant 0 : i32
      %eq3A_352 = arith.cmpi eq, %jit3A_350, %eq3A_351 : i32
      %jit3A_353 = arith.constant 1 : i32
      %select_n3A_354 = arith.select %eq3A_352, %jit3A_353, %jit3A_350 : i32
      %rem3A_355 = arith.remsi %add3A_308, %select_n3A_354 : i32
      %ne3A_356 = arith.constant 0 : i32
      %ne3A_357 = arith.cmpi ne, %rem3A_355, %ne3A_356 : i32
      %lt3A_358 = arith.constant 0 : i32
      %lt3A_359 = arith.cmpi slt, %rem3A_355, %lt3A_358 : i32
      %lt3A_360 = arith.constant 0 : i32
      %lt3A_361 = arith.cmpi slt, %select_n3A_354, %lt3A_360 : i32
      %ne3A_362 = arith.xori %lt3A_359, %lt3A_361 : i1
      %and3A_363 = arith.andi %ne3A_362, %ne3A_357 : i1
      %add3A_364 = arith.addi %rem3A_355, %select_n3A_354 : i32
      %select_n3A_365 = arith.select %and3A_363, %add3A_364, %rem3A_355 : i32
      %eq3A_366 = arith.constant 0 : i32
      %eq3A_367 = arith.cmpi eq, %select_n3A_365, %eq3A_366 : i32
      %select_n3A_368 = arith.select %eq3A_367, %min3A_332, %add3A_349 : vector<1x256xi32>
      %select_n3A_369 = arith.select %or3A_312, %select_n3A_293, %select_n3A_368 : vector<1x256xi1>, vector<1x256xi32>
      %ge3A_370 = arith.constant 0 : i32
      %ge3A_371 = vector.broadcast %ge3A_370 : i32 to vector<1x256xi32>
      %ge3A_372 = arith.cmpi sge, %select_n3A_369, %ge3A_371 : vector<1x256xi32>
      %xor3A_373 = arith.constant 2147483647 : i32
      %xor3A_374 = vector.broadcast %xor3A_373 : i32 to vector<1x256xi32>
      %xor3A_375 = arith.xori %select_n3A_369, %xor3A_374 : vector<1x256xi32>
      %select_n3A_376 = arith.select %ge3A_372, %select_n3A_369, %xor3A_375 : vector<1x256xi1>, vector<1x256xi32>
      %bitcast_convert_type3A_377 = tpu.bitcast %select_n3A_376 : vector<1x256xi32> -> vector<1x256xf32>
      %ge3A_378 = vector.broadcast %bitcast_convert_type3A_377 : vector<1x256xf32> to vector<2048x256xf32>
      %ge3A_379 = arith.cmpf oge, %get3A_10, %ge3A_378 : vector<2048x256xf32>
      %convert_element_type3A_380 = arith.extui %ge3A_379 : vector<2048x256xi1> to vector<2048x256xi32>
      %reduce_sum3A_381 = arith.constant dense<0> : vector<256xi32>
      %reduce_sum3A_382 = vector.multi_reduction <add>, %convert_element_type3A_380, %reduce_sum3A_381 [0] : vector<2048x256xi32> to vector<256xi32>
      %broadcast_in_dim3A_383 = vector.shape_cast %reduce_sum3A_382 : vector<256xi32> to vector<1x256xi32>
      %gt3A_384 = vector.broadcast %get3A_5 : i32 to vector<1x256xi32>
      %gt3A_385 = arith.cmpi sgt, %broadcast_in_dim3A_383, %gt3A_384 : vector<1x256xi32>
      %not3A_386 = arith.constant dense<true> : vector<1x256xi1>
      %not3A_387 = arith.xori %gt3A_385, %not3A_386 : vector<1x256xi1>
      %or3A_388 = arith.ori %or3A_312, %not3A_387 : vector<1x256xi1>
      %select_n3A_389 = arith.select %or3A_388, %select_n3A_293, %select_n3A_369 : vector<1x256xi1>, vector<1x256xi32>
      %not3A_390 = arith.constant dense<true> : vector<1x256xi1>
      %not3A_391 = arith.xori %gt3A_385, %not3A_390 : vector<1x256xi1>
      %or3A_392 = arith.ori %or3A_312, %not3A_391 : vector<1x256xi1>
      %select_n3A_393 = arith.select %or3A_392, %select_n3A_297, %broadcast_in_dim3A_383 : vector<1x256xi1>, vector<1x256xi32>
      %or3A_394 = arith.ori %or3A_312, %gt3A_385 : vector<1x256xi1>
      %sub3A_395 = arith.constant 1 : i32
      %sub3A_396 = vector.broadcast %sub3A_395 : i32 to vector<1x256xi32>
      %sub3A_397 = arith.subi %select_n3A_369, %sub3A_396 : vector<1x256xi32>
      %select_n3A_398 = arith.select %or3A_394, %select_n3A_302, %sub3A_397 : vector<1x256xi1>, vector<1x256xi32>
      %or3A_399 = arith.ori %or3A_312, %gt3A_385 : vector<1x256xi1>
      %select_n3A_400 = arith.select %or3A_399, %select_n3A_304, %broadcast_in_dim3A_383 : vector<1x256xi1>, vector<1x256xi32>
      %scan3A_401 = arith.constant 3 : i32
      %mul3A_402 = arith.constant 4 : i32
      %mul3A_403 = arith.muli %while3A_108, %mul3A_402 : i32
      %add3A_404 = arith.addi %mul3A_403, %scan3A_401 : i32
      %eq3A_405 = vector.broadcast %get3A_5 : i32 to vector<1x256xi32>
      %eq3A_406 = arith.cmpi eq, %select_n3A_400, %eq3A_405 : vector<1x256xi32>
      %ge3A_407 = arith.cmpi sge, %select_n3A_389, %select_n3A_398 : vector<1x256xi32>
      %or3A_408 = arith.ori %eq3A_406, %ge3A_407 : vector<1x256xi1>
      %convert_element_type3A_409 = arith.sitofp %select_n3A_389 : vector<1x256xi32> to vector<1x256xf32>
      %convert_element_type3A_410 = arith.sitofp %select_n3A_398 : vector<1x256xi32> to vector<1x256xf32>
      %sub3A_411 = vector.broadcast %get3A_5 : i32 to vector<1x256xi32>
      %sub3A_412 = arith.subi %select_n3A_393, %sub3A_411 : vector<1x256xi32>
      %convert_element_type3A_413 = arith.sitofp %sub3A_412 : vector<1x256xi32> to vector<1x256xf32>
      %sub3A_414 = arith.subi %select_n3A_393, %select_n3A_400 : vector<1x256xi32>
      %convert_element_type3A_415 = arith.sitofp %sub3A_414 : vector<1x256xi32> to vector<1x256xf32>
      %max3A_416 = arith.constant 1.000000e+00 : f32
      %max3A_417 = vector.broadcast %max3A_416 : f32 to vector<1x256xf32>
      %max3A_418 = arith.maximumf %convert_element_type3A_415, %max3A_417 : vector<1x256xf32>
      %div3A_419 = arith.divf %convert_element_type3A_413, %max3A_418 : vector<1x256xf32>
      %sub3A_420 = arith.subf %convert_element_type3A_410, %convert_element_type3A_409 : vector<1x256xf32>
      %mul3A_421 = arith.mulf %sub3A_420, %div3A_419 : vector<1x256xf32>
      %add3A_422 = arith.addf %convert_element_type3A_409, %mul3A_421 : vector<1x256xf32>
      %convert_element_type3A_423 = arith.fptosi %add3A_422 : vector<1x256xf32> to vector<1x256xi32>
      %add3A_424 = arith.constant 1 : i32
      %add3A_425 = vector.broadcast %add3A_424 : i32 to vector<1x256xi32>
      %add3A_426 = arith.addi %select_n3A_389, %add3A_425 : vector<1x256xi32>
      %max3A_427 = arith.maxsi %add3A_426, %convert_element_type3A_423 : vector<1x256xi32>
      %min3A_428 = arith.minsi %select_n3A_398, %max3A_427 : vector<1x256xi32>
      %shift_right_arithmetic3A_429 = arith.constant 1 : i32
      %shift_right_arithmetic3A_430 = vector.broadcast %shift_right_arithmetic3A_429 : i32 to vector<1x256xi32>
      %shift_right_arithmetic3A_431 = arith.shrsi %select_n3A_389, %shift_right_arithmetic3A_430 : vector<1x256xi32>
      %shift_right_arithmetic3A_432 = arith.constant 1 : i32
      %shift_right_arithmetic3A_433 = vector.broadcast %shift_right_arithmetic3A_432 : i32 to vector<1x256xi32>
      %shift_right_arithmetic3A_434 = arith.shrsi %select_n3A_398, %shift_right_arithmetic3A_433 : vector<1x256xi32>
      %add3A_435 = arith.addi %shift_right_arithmetic3A_431, %shift_right_arithmetic3A_434 : vector<1x256xi32>
      %and3A_436 = arith.andi %select_n3A_389, %select_n3A_398 : vector<1x256xi32>
      %and3A_437 = arith.constant 1 : i32
      %and3A_438 = vector.broadcast %and3A_437 : i32 to vector<1x256xi32>
      %and3A_439 = arith.andi %and3A_436, %and3A_438 : vector<1x256xi32>
      %add3A_440 = arith.addi %add3A_435, %and3A_439 : vector<1x256xi32>
      %xor3A_441 = arith.xori %select_n3A_389, %select_n3A_398 : vector<1x256xi32>
      %and3A_442 = arith.constant 1 : i32
      %and3A_443 = vector.broadcast %and3A_442 : i32 to vector<1x256xi32>
      %and3A_444 = arith.andi %xor3A_441, %and3A_443 : vector<1x256xi32>
      %add3A_445 = arith.addi %add3A_440, %and3A_444 : vector<1x256xi32>
      %jit3A_446 = arith.constant 2 : i32
      %eq3A_447 = arith.constant 0 : i32
      %eq3A_448 = arith.cmpi eq, %jit3A_446, %eq3A_447 : i32
      %jit3A_449 = arith.constant 1 : i32
      %select_n3A_450 = arith.select %eq3A_448, %jit3A_449, %jit3A_446 : i32
      %rem3A_451 = arith.remsi %add3A_404, %select_n3A_450 : i32
      %ne3A_452 = arith.constant 0 : i32
      %ne3A_453 = arith.cmpi ne, %rem3A_451, %ne3A_452 : i32
      %lt3A_454 = arith.constant 0 : i32
      %lt3A_455 = arith.cmpi slt, %rem3A_451, %lt3A_454 : i32
      %lt3A_456 = arith.constant 0 : i32
      %lt3A_457 = arith.cmpi slt, %select_n3A_450, %lt3A_456 : i32
      %ne3A_458 = arith.xori %lt3A_455, %lt3A_457 : i1
      %and3A_459 = arith.andi %ne3A_458, %ne3A_453 : i1
      %add3A_460 = arith.addi %rem3A_451, %select_n3A_450 : i32
      %select_n3A_461 = arith.select %and3A_459, %add3A_460, %rem3A_451 : i32
      %eq3A_462 = arith.constant 0 : i32
      %eq3A_463 = arith.cmpi eq, %select_n3A_461, %eq3A_462 : i32
      %select_n3A_464 = arith.select %eq3A_463, %min3A_428, %add3A_445 : vector<1x256xi32>
      %select_n3A_465 = arith.select %or3A_408, %select_n3A_389, %select_n3A_464 : vector<1x256xi1>, vector<1x256xi32>
      %ge3A_466 = arith.constant 0 : i32
      %ge3A_467 = vector.broadcast %ge3A_466 : i32 to vector<1x256xi32>
      %ge3A_468 = arith.cmpi sge, %select_n3A_465, %ge3A_467 : vector<1x256xi32>
      %xor3A_469 = arith.constant 2147483647 : i32
      %xor3A_470 = vector.broadcast %xor3A_469 : i32 to vector<1x256xi32>
      %xor3A_471 = arith.xori %select_n3A_465, %xor3A_470 : vector<1x256xi32>
      %select_n3A_472 = arith.select %ge3A_468, %select_n3A_465, %xor3A_471 : vector<1x256xi1>, vector<1x256xi32>
      %bitcast_convert_type3A_473 = tpu.bitcast %select_n3A_472 : vector<1x256xi32> -> vector<1x256xf32>
      %ge3A_474 = vector.broadcast %bitcast_convert_type3A_473 : vector<1x256xf32> to vector<2048x256xf32>
      %ge3A_475 = arith.cmpf oge, %get3A_10, %ge3A_474 : vector<2048x256xf32>
      %convert_element_type3A_476 = arith.extui %ge3A_475 : vector<2048x256xi1> to vector<2048x256xi32>
      %reduce_sum3A_477 = arith.constant dense<0> : vector<256xi32>
      %reduce_sum3A_478 = vector.multi_reduction <add>, %convert_element_type3A_476, %reduce_sum3A_477 [0] : vector<2048x256xi32> to vector<256xi32>
      %broadcast_in_dim3A_479 = vector.shape_cast %reduce_sum3A_478 : vector<256xi32> to vector<1x256xi32>
      %gt3A_480 = vector.broadcast %get3A_5 : i32 to vector<1x256xi32>
      %gt3A_481 = arith.cmpi sgt, %broadcast_in_dim3A_479, %gt3A_480 : vector<1x256xi32>
      %not3A_482 = arith.constant dense<true> : vector<1x256xi1>
      %not3A_483 = arith.xori %gt3A_481, %not3A_482 : vector<1x256xi1>
      %or3A_484 = arith.ori %or3A_408, %not3A_483 : vector<1x256xi1>
      %select_n3A_485 = arith.select %or3A_484, %select_n3A_389, %select_n3A_465 : vector<1x256xi1>, vector<1x256xi32>
      %not3A_486 = arith.constant dense<true> : vector<1x256xi1>
      %not3A_487 = arith.xori %gt3A_481, %not3A_486 : vector<1x256xi1>
      %or3A_488 = arith.ori %or3A_408, %not3A_487 : vector<1x256xi1>
      %select_n3A_489 = arith.select %or3A_488, %select_n3A_393, %broadcast_in_dim3A_479 : vector<1x256xi1>, vector<1x256xi32>
      %or3A_490 = arith.ori %or3A_408, %gt3A_481 : vector<1x256xi1>
      %sub3A_491 = arith.constant 1 : i32
      %sub3A_492 = vector.broadcast %sub3A_491 : i32 to vector<1x256xi32>
      %sub3A_493 = arith.subi %select_n3A_465, %sub3A_492 : vector<1x256xi32>
      %select_n3A_494 = arith.select %or3A_490, %select_n3A_398, %sub3A_493 : vector<1x256xi1>, vector<1x256xi32>
      %or3A_495 = arith.ori %or3A_408, %gt3A_481 : vector<1x256xi1>
      %select_n3A_496 = arith.select %or3A_495, %select_n3A_400, %broadcast_in_dim3A_479 : vector<1x256xi1>, vector<1x256xi32>
      %scan3A_497 = arith.constant 4 : i32
      %swap3A_498 = arith.constant 0 : index
      %swap3A_499 = arith.constant 0 : index
      %swap3A_500 = vector.load %arg5[%swap3A_498, %swap3A_499] : memref<1x256xi32, #tpu.memory_space<vmem>>, vector<1x256xi32>
      tpu.vector_store %arg5[%swap3A_498, %swap3A_499], %select_n3A_485 {strides = array<i32>} : memref<1x256xi32, #tpu.memory_space<vmem>>, vector<1x256xi32>,
      %swap3A_501 = arith.constant 0 : index
      %swap3A_502 = arith.constant 0 : index
      %swap3A_503 = vector.load %arg6[%swap3A_501, %swap3A_502] : memref<1x256xi32, #tpu.memory_space<vmem>>, vector<1x256xi32>
      tpu.vector_store %arg6[%swap3A_501, %swap3A_502], %select_n3A_494 {strides = array<i32>} : memref<1x256xi32, #tpu.memory_space<vmem>>, vector<1x256xi32>,
      %swap3A_504 = arith.constant 0 : index
      %swap3A_505 = arith.constant 0 : index
      %swap3A_506 = vector.load %arg7[%swap3A_504, %swap3A_505] : memref<1x256xi32, #tpu.memory_space<vmem>>, vector<1x256xi32>
      tpu.vector_store %arg7[%swap3A_504, %swap3A_505], %select_n3A_489 {strides = array<i32>} : memref<1x256xi32, #tpu.memory_space<vmem>>, vector<1x256xi32>,
      %swap3A_507 = arith.constant 0 : index
      %swap3A_508 = arith.constant 0 : index
      %swap3A_509 = vector.load %arg8[%swap3A_507, %swap3A_508] : memref<1x256xi32, #tpu.memory_space<vmem>>, vector<1x256xi32>
      tpu.vector_store %arg8[%swap3A_507, %swap3A_508], %select_n3A_496 {strides = array<i32>} : memref<1x256xi32, #tpu.memory_space<vmem>>, vector<1x256xi32>,
      %eq3A_510 = vector.broadcast %get3A_5 : i32 to vector<1x256xi32>
      %eq3A_511 = arith.cmpi eq, %select_n3A_496, %eq3A_510 : vector<1x256xi32>
      %ge3A_512 = arith.cmpi sge, %select_n3A_485, %select_n3A_494 : vector<1x256xi32>
      %or3A_513 = arith.ori %eq3A_511, %ge3A_512 : vector<1x256xi1>
      %convert_element_type3A_514 = arith.extui %or3A_513 : vector<1x256xi1> to vector<1x256xi32>
      %reduce_sum3A_515 = vector.shape_cast %convert_element_type3A_514 : vector<1x256xi32> to vector<1x1x256xi32>
      %reduce_sum3A_516 = arith.constant dense<0> : vector<1xi32>
      %reduce_sum3A_517 = vector.multi_reduction <add>, %reduce_sum3A_515, %reduce_sum3A_516 [1, 2] : vector<1x1x256xi32> to vector<1xi32>
      %reduce_sum3A_518 = vector.shape_cast %reduce_sum3A_517 : vector<1xi32> to vector<1x1x1xi32>
      %reduce_sum3A_519 = vector.extract %reduce_sum3A_518[0, 0, 0] : i32 from vector<1x1x1xi32>
      %lt3A_520 = arith.constant 256 : i32
      %lt3A_521 = arith.cmpi slt, %reduce_sum3A_519, %lt3A_520 : i32
      %add3A_522 = arith.constant 1 : i32
      %add3A_523 = arith.addi %while3A_108, %add3A_522 : i32
      %jit3A_524 = arith.constant 19 : i32
      %select_n3A_525 = arith.select %lt3A_521, %add3A_523, %jit3A_524 : i32
      scf.yield %select_n3A_525 : i32
    }
    %get3A_43 = arith.constant 0 : index
    %get3A_44 = arith.constant 0 : index
    %get3A_45 = vector.load %arg5[%get3A_43, %get3A_44] : memref<1x256xi32, #tpu.memory_space<vmem>>, vector<1x256xi32>
    %get3A_46 = arith.constant 0 : index
    %get3A_47 = arith.constant 0 : index
    %get3A_48 = vector.load %arg6[%get3A_46, %get3A_47] : memref<1x256xi32, #tpu.memory_space<vmem>>, vector<1x256xi32>
    %get3A_49 = arith.constant 0 : index
    %get3A_50 = arith.constant 0 : index
    %get3A_51 = vector.load %arg7[%get3A_49, %get3A_50] : memref<1x256xi32, #tpu.memory_space<vmem>>, vector<1x256xi32>
    %get3A_52 = arith.constant 0 : index
    %get3A_53 = arith.constant 0 : index
    %get3A_54 = vector.load %arg8[%get3A_52, %get3A_53] : memref<1x256xi32, #tpu.memory_space<vmem>>, vector<1x256xi32>
    %ge3A_55 = arith.constant 0 : i32
    %ge3A_56 = vector.broadcast %ge3A_55 : i32 to vector<1x256xi32>
    %ge3A_57 = arith.cmpi sge, %get3A_45, %ge3A_56 : vector<1x256xi32>
    %xor3A_58 = arith.constant 2147483647 : i32
    %xor3A_59 = vector.broadcast %xor3A_58 : i32 to vector<1x256xi32>
    %xor3A_60 = arith.xori %get3A_45, %xor3A_59 : vector<1x256xi32>
    %select_n3A_61 = arith.select %ge3A_57, %get3A_45, %xor3A_60 : vector<1x256xi1>, vector<1x256xi32>
    %bitcast_convert_type3A_62 = tpu.bitcast %select_n3A_61 : vector<1x256xi32> -> vector<1x256xf32>
    %add3A = arith.constant 1 : i32
    %add3A_63 = vector.broadcast %add3A : i32 to vector<1x256xi32>
    %add3A_64 = arith.addi %get3A_48, %add3A_63 : vector<1x256xi32>
    %ge3A_65 = arith.constant 0 : i32
    %ge3A_66 = vector.broadcast %ge3A_65 : i32 to vector<1x256xi32>
    %ge3A_67 = arith.cmpi sge, %add3A_64, %ge3A_66 : vector<1x256xi32>
    %xor3A_68 = arith.constant 2147483647 : i32
    %xor3A_69 = vector.broadcast %xor3A_68 : i32 to vector<1x256xi32>
    %xor3A_70 = arith.xori %add3A_64, %xor3A_69 : vector<1x256xi32>
    %select_n3A_71 = arith.select %ge3A_67, %add3A_64, %xor3A_70 : vector<1x256xi1>, vector<1x256xi32>
    %bitcast_convert_type3A_72 = tpu.bitcast %select_n3A_71 : vector<1x256xi32> -> vector<1x256xf32>
    %ge3A_73 = vector.broadcast %bitcast_convert_type3A_72 : vector<1x256xf32> to vector<2048x256xf32>
    %ge3A_74 = arith.cmpf oge, %get3A_10, %ge3A_73 : vector<2048x256xf32>
    %ge3A_75 = vector.broadcast %bitcast_convert_type3A_62 : vector<1x256xf32> to vector<2048x256xf32>
    %ge3A_76 = arith.cmpf oge, %get3A_10, %ge3A_75 : vector<2048x256xf32>
    %not3A = arith.constant dense<true> : vector<2048x256xi1>
    %not3A_77 = arith.xori %ge3A_74, %not3A : vector<2048x256xi1>
    %and3A = arith.andi %ge3A_76, %not3A_77 : vector<2048x256xi1>
    %sub3A = vector.broadcast %get3A_5 : i32 to vector<1x256xi32>
    %sub3A_78 = arith.subi %sub3A, %get3A_54 : vector<1x256xi32>
    %sub3A_79 = arith.subi %get3A_51, %get3A_54 : vector<1x256xi32>
    %eq3A = arith.cmpi eq, %sub3A_79, %sub3A_78 : vector<1x256xi32>
    %and3A_80 = vector.broadcast %eq3A : vector<1x256xi1> to vector<2048x256xi1>
    %and3A_81 = arith.andi %and3A, %and3A_80 : vector<2048x256xi1>
    %or3A = arith.ori %ge3A_74, %and3A_81 : vector<2048x256xi1>
    %sub3A_82 = vector.broadcast %broadcast_in_dim3A_13 : vector<1x256xf32> to vector<2048x256xf32>
    %sub3A_83 = arith.subf %get3A_10, %sub3A_82 : vector<2048x256xf32>
    %exp3A = math.exp %sub3A_83 : vector<2048x256xf32>
    %jit3A = arith.constant 0.000000e+00 : f32
    %broadcast_in_dim3A_84 = vector.broadcast %jit3A : f32 to vector<2048x256xf32>
    %select_n3A_85 = arith.select %or3A, %exp3A, %broadcast_in_dim3A_84 : vector<2048x256xi1>, vector<2048x256xf32>
    %reduce_sum3A = arith.constant dense<0.000000e+00> : vector<256xf32>
    %reduce_sum3A_86 = vector.multi_reduction <add>, %select_n3A_85, %reduce_sum3A [0] : vector<2048x256xf32> to vector<256xf32>
    %broadcast_in_dim3A_87 = vector.shape_cast %reduce_sum3A_86 : vector<256xf32> to vector<1x256xf32>
    %div3A = vector.broadcast %broadcast_in_dim3A_87 : vector<1x256xf32> to vector<2048x256xf32>
    %div3A_88 = arith.divf %select_n3A_85, %div3A : vector<2048x256xf32>
    %transpose3A_89 = tpu.transpose %div3A_88, [1, 0] : vector<2048x256xf32> -> vector<256x2048xf32>
    %swap3A_90 = arith.constant 0 : index
    %swap3A_91 = arith.constant 0 : index
    %swap3A_92 = arith.constant 0 : index
    %swap3A_93 = vector.load %arg4[%swap3A_90, %swap3A_91, %swap3A_92] : memref<1x256x2048xf32, #tpu.memory_space<vmem>>, vector<1x256x2048xf32>
    %swap3A_94 = vector.shape_cast %swap3A_93 : vector<1x256x2048xf32> to vector<256x2048xf32>
    %swap3A_95 = vector.shape_cast %transpose3A_89 : vector<256x2048xf32> to vector<1x256x2048xf32>
    tpu.vector_store %arg4[%swap3A_90, %swap3A_91, %swap3A_92], %swap3A_95 {strides = array<i32>} : memref<1x256x2048xf32, #tpu.memory_space<vmem>>, vector<1x256x2048xf32>,
    %gt3A = arith.cmpi sgt, %sub3A_79, %sub3A_78 : vector<1x256xi32>
    %reduce_or3A = arith.constant 1.000000e+00 : f32
    %reduce_or3A_96 = arith.constant 0.000000e+00 : f32
    %reduce_or3A_97 = vector.broadcast %reduce_or3A : f32 to vector<1x256xf32>
    %reduce_or3A_98 = vector.broadcast %reduce_or3A_96 : f32 to vector<1x256xf32>
    %reduce_or3A_99 = arith.select %gt3A, %reduce_or3A_97, %reduce_or3A_98 : vector<1x256xi1>, vector<1x256xf32>
    %reduce_or3A_100 = vector.shape_cast %reduce_or3A_99 : vector<1x256xf32> to vector<1x1x256xf32>
    %reduce_or3A_101 = arith.constant dense<0xFF800000> : vector<1xf32>
    %reduce_or3A_102 = vector.multi_reduction <maximumf>, %reduce_or3A_100, %reduce_or3A_101 [1, 2] : vector<1x1x256xf32> to vector<1xf32>
    %reduce_or3A_103 = vector.shape_cast %reduce_or3A_102 : vector<1xf32> to vector<1x1x1xf32>
    %reduce_or3A_104 = vector.extract %reduce_or3A_103[0, 0, 0] : f32 from vector<1x1x1xf32>
    %reduce_or3A_105 = arith.constant 0.000000e+00 : f32
    %reduce_or3A_106 = arith.cmpf ogt, %reduce_or3A_104, %reduce_or3A_105 : f32
    %convert_element_type3A = arith.extui %reduce_or3A_106 : i1 to i32
    %cond3A = arith.constant 0 : i32
    %cond3A_107 = arith.cmpi ne, %convert_element_type3A, %cond3A : i32
    scf.if %cond3A_107 {
      %transpose3A_108 = tpu.transpose %bitcast_convert_type3A_62, [1, 0] : vector<1x256xf32> -> vector<256x1xf32>
      %ge3A_109 = vector.broadcast %transpose3A_108 : vector<256x1xf32> to vector<256x2048xf32>
      %ge3A_110 = arith.cmpf oge, %get3A_3, %ge3A_109 : vector<256x2048xf32>
      %transpose3A_111 = tpu.transpose %bitcast_convert_type3A_72, [1, 0] : vector<1x256xf32> -> vector<256x1xf32>
      %lt3A = vector.broadcast %transpose3A_111 : vector<256x1xf32> to vector<256x2048xf32>
      %lt3A_112 = arith.cmpf olt, %get3A_3, %lt3A : vector<256x2048xf32>
      %and3A_113 = arith.andi %ge3A_110, %lt3A_112 : vector<256x2048xi1>
      %convert_element_type3A_114 = arith.extui %and3A_113 : vector<256x2048xi1> to vector<256x2048xi32>
      %convert_element_type3A_115 = arith.sitofp %convert_element_type3A_114 : vector<256x2048xi32> to vector<256x2048xf32>
      %convert_element_type3A_116 = arith.truncf %convert_element_type3A_115 : vector<256x2048xf32> to vector<256x2048xbf16>
      %reshape3A = vector.shape_cast %convert_element_type3A_116 : vector<256x2048xbf16> to vector<256x16x128xbf16>
      %iota3A = tpu.iota {dimensions = array<i32: 0>} : vector<128x128xi32>
      %iota3A_117 = tpu.iota {dimensions = array<i32: 1>} : vector<128x128xi32>
      %le3A = arith.cmpi sle, %iota3A, %iota3A_117 : vector<128x128xi32>
      %convert_element_type3A_118 = arith.extui %le3A : vector<128x128xi1> to vector<128x128xi32>
      %convert_element_type3A_119 = arith.sitofp %convert_element_type3A_118 : vector<128x128xi32> to vector<128x128xf32>
      %convert_element_type3A_120 = arith.truncf %convert_element_type3A_119 : vector<128x128xf32> to vector<128x128xbf16>
      %dot_general3A = arith.constant dense<0.000000e+00> : vector<256x16x128xf32>
      %dot_general3A_121 = tpu.matmul %reshape3A, %convert_element_type3A_120, %dot_general3A {dimension_numbers = #tpu.dot_dimension_numbers<[2], [0], [0, 1], [1], [0, 0, 0, 1, 1, 1], [], []>, transpose_lhs_hint = false} : vector<256x16x128xbf16>, vector<128x128xbf16>, vector<256x16x128xf32> -> vector<256x16x128xf32>
      %slice3A = vector.extract_strided_slice %dot_general3A_121 {offsets = [0, 0, 127], sizes = [256, 16, 1], strides = [1, 1, 1]} : vector<256x16x128xf32> to vector<256x16x1xf32>
      %squeeze3A = vector.shape_cast %slice3A : vector<256x16x1xf32> to vector<256x16xf32>
      %iota3A_122 = tpu.iota {dimensions = array<i32: 0>} : vector<16x16xi32>
      %iota3A_123 = tpu.iota {dimensions = array<i32: 1>} : vector<16x16xi32>
      %lt3A_124 = arith.cmpi slt, %iota3A_122, %iota3A_123 : vector<16x16xi32>
      %convert_element_type3A_125 = arith.extui %lt3A_124 : vector<16x16xi1> to vector<16x16xi32>
      %convert_element_type3A_126 = arith.sitofp %convert_element_type3A_125 : vector<16x16xi32> to vector<16x16xf32>
      %dot_general3A_127 = arith.constant dense<0.000000e+00> : vector<256x16xf32>
      %dot_general3A_128 = tpu.matmul %squeeze3A, %convert_element_type3A_126, %dot_general3A_127 {dimension_numbers = #tpu.dot_dimension_numbers<[1], [0], [0], [1], [0, 0, 1, 1], [], []>, transpose_lhs_hint = false} : vector<256x16xf32>, vector<16x16xf32>, vector<256x16xf32> -> vector<256x16xf32>
      %broadcast_in_dim3A_129 = vector.shape_cast %dot_general3A_128 : vector<256x16xf32> to vector<256x16x1xf32>
      %add3A_130 = vector.broadcast %broadcast_in_dim3A_129 : vector<256x16x1xf32> to vector<256x16x128xf32>
      %add3A_131 = arith.addf %dot_general3A_121, %add3A_130 : vector<256x16x128xf32>
      %reshape3A_132 = vector.shape_cast %add3A_131 : vector<256x16x128xf32> to vector<256x2048xf32>
      %transpose3A_133 = tpu.transpose %bitcast_convert_type3A_72, [1, 0] : vector<1x256xf32> -> vector<256x1xf32>
      %ge3A_134 = vector.broadcast %transpose3A_133 : vector<256x1xf32> to vector<256x2048xf32>
      %ge3A_135 = arith.cmpf oge, %get3A_3, %ge3A_134 : vector<256x2048xf32>
      %transpose3A_136 = tpu.transpose %get3A_54, [1, 0] : vector<1x256xi32> -> vector<256x1xi32>
      %sub3A_137 = vector.broadcast %get3A_5 : i32 to vector<256x1xi32>
      %sub3A_138 = arith.subi %sub3A_137, %transpose3A_136 : vector<256x1xi32>
      %convert_element_type3A_139 = arith.sitofp %sub3A_138 : vector<256x1xi32> to vector<256x1xf32>
      %le3A_140 = vector.broadcast %convert_element_type3A_139 : vector<256x1xf32> to vector<256x2048xf32>
      %le3A_141 = arith.cmpf ole, %reshape3A_132, %le3A_140 : vector<256x2048xf32>
      %and3A_142 = arith.andi %and3A_113, %le3A_141 : vector<256x2048xi1>
      %or3A_143 = arith.ori %ge3A_135, %and3A_142 : vector<256x2048xi1>
      %transpose3A_144 = tpu.transpose %broadcast_in_dim3A_13, [1, 0] : vector<1x256xf32> -> vector<256x1xf32>
      %sub3A_145 = vector.broadcast %transpose3A_144 : vector<256x1xf32> to vector<256x2048xf32>
      %sub3A_146 = arith.subf %get3A_3, %sub3A_145 : vector<256x2048xf32>
      %exp3A_147 = math.exp %sub3A_146 : vector<256x2048xf32>
      %jit3A_148 = arith.constant 0.000000e+00 : f32
      %broadcast_in_dim3A_149 = vector.broadcast %jit3A_148 : f32 to vector<256x2048xf32>
      %select_n3A_150 = arith.select %or3A_143, %exp3A_147, %broadcast_in_dim3A_149 : vector<256x2048xi1>, vector<256x2048xf32>
      %reduce_sum3A_151 = arith.constant dense<0.000000e+00> : vector<256xf32>
      %reduce_sum3A_152 = vector.multi_reduction <add>, %select_n3A_150, %reduce_sum3A_151 [1] : vector<256x2048xf32> to vector<256xf32>
      %broadcast_in_dim3A_153 = vector.shape_cast %reduce_sum3A_152 : vector<256xf32> to vector<256x1xf32>
      %div3A_154 = vector.broadcast %broadcast_in_dim3A_153 : vector<256x1xf32> to vector<256x2048xf32>
      %div3A_155 = arith.divf %select_n3A_150, %div3A_154 : vector<256x2048xf32>
      %swap3A_156 = arith.constant 0 : index
      %swap3A_157 = arith.constant 0 : index
      %swap3A_158 = arith.constant 0 : index
      %swap3A_159 = vector.load %arg4[%swap3A_156, %swap3A_157, %swap3A_158] : memref<1x256x2048xf32, #tpu.memory_space<vmem>>, vector<1x256x2048xf32>
      %swap3A_160 = vector.shape_cast %swap3A_159 : vector<1x256x2048xf32> to vector<256x2048xf32>
      %swap3A_161 = vector.shape_cast %div3A_155 : vector<256x2048xf32> to vector<1x256x2048xf32>
      tpu.vector_store %arg4[%swap3A_156, %swap3A_157, %swap3A_158], %swap3A_161 {strides = array<i32>} : memref<1x256x2048xf32, #tpu.memory_space<vmem>>, vector<1x256x2048xf32>,
    } else {
    }
    return
  }
  func.func @transform_0(%arg0: i32, %arg1: i32, %arg2: memref<14xi32, #tpu.memory_space<smem>>) -> (i32, i32, i32) {
    %c0_i32 = arith.constant 0 : i32
    %c0_i32_0 = arith.constant 0 : i32
    return %arg0, %arg1, %c0_i32 : i32, i32, i32
  }
  func.func @transform_1(%arg0: i32, %arg1: i32, %arg2: memref<14xi32, #tpu.memory_space<smem>>) -> (i32, i32, i32) {
    %c0_i32 = arith.constant 0 : i32
    %c0_i32_0 = arith.constant 0 : i32
    return %arg0, %arg1, %c0_i32 : i32, i32, i32
  }
}

</mosaic_0001>

<sc_bundles>
// kernel: kernel.4.cloned.1.call-start
scs
__scs_entry_jumppad:
0x0: {  	(pc) =	sbr.rel $0x88, $3  }
0x1: {  	(tag) =	ssettag $0x0;
	lr =	simm.s32 $0x1  }
0x2: {  	[smem:$0x3FA0] =	sst lr;
	_ =	strace $0xD0000000  }
0x3: {  	_ = 	snop  }
0x4: {  	_ = 	snop  }
0x5: {  	_ = 	snop  }
0x6: {  	_ = 	snop  }
0x7: {  	_ = 	snop  }
__scs_overlays_trampoline_lowered:
0x8: {  	[smem:$0x3FAF] =	sst s0  }
0x9: {  	[smem:$0x3FB0] =	sst s1  }
0xa: {  	[smem:$0x3FB1] =	sst s2  }
0xb: {  	[smem:$0x3FB2] =	sst s3  }
0xc: {  	[smem:$0x3FB3] =	sst s4  }
0xd: {  	[smem:$0x3FB4] =	sst s5  }
0xe: {  	[smem:$0x3FB5] =	sst s6  }
0xf: {  	[smem:$0x3FB6] =	sst s7  }
0x10: {  	[smem:$0x3FB7] =	sst s8  }
0x11: {  	[smem:$0x3FB8] =	sst s9;
	s0 =	simm.s32 @!p0 $0x0  }
0x12: {  	s1 =	sld [smem:$0x3F9E];
	s0 =	simm.s32 @p0 $0x1  }
0x13: {  	[smem:$0x3FB9] =	sst s0;
	s0 =	simm.s32 @!p1 $0x0  }
0x14: {  	s2 =	sld [smem:$0x3F9D];
	s0 =	simm.s32 @p1 $0x1  }
0x15: {  	[smem:$0x3FBA] =	sst s0;
	s0 =	simm.s32 @!p2 $0x0  }
0x16: {  	s3 =	sld [smem:$0x3FDB];
	s0 =	simm.s32 @p2 $0x1  }
0x17: {  	s4 =	simm.s32 $0x1BF5;
	[smem:$0x3FBC] =	sst s0  }
0x18: {  	s0 =	sld [smem:$0x3F9F];
	_ =	swait.ge [sflag:s4], $0x0  }
0x19: {  	s7 =	sld [smem:$0x3FA0]  }
0x1a: {  	s8 =	sadd.s32 $0xFFFFE003, lr  }
0x1b: {  	s9 =	sadd.s32 $0xFFFFFEF7, lr;
	s5 =	simm.s32 $0xFFFFFFFF;
	p2 =	slt.u32 s8, $0xFFFFF086  }
0x1c: {  	p1 =	slt.u32 s9, $0xF7A;
	s5 =	simm.s32 @!p2 $0x0  }
0x1d: {  	s5 =	simm.s32 @p1 $0x1;
	p0 =	seq.s32 s7, s2  }
0x1e: {  	s7 =	smul.u32 @!p0 $0xF7A, s2;
	p2 =	seq.s32 @!p0 s5, $0x0  }
0x1f: {  	s9 =	smul.u32 $0xF7A, s1;
	s8 =	simm.s32 @!p0 $0x1BF5;
	p2 =	por !p2, p0  }
0x20: {  	[sflag:s8] =	ssyncset.s32 @!p0 $0xFFFFF086;
	s6 =	sadd.s32 @!p0 s3, s7;
	s7 =	simm.s32 @!p0 $0x108  }
0x21: {  	s3 =	sadd.s32 s3, s9;
	s6 =	sadd.s32 @!p0 $0x88, s6;
	s7 =	simm.s32 @p2 $0x1082  }
0x22: {  	[simem:s7], [sflag:s8] =	dma.local @!p0 [hbm:s6], $0xF7A  }
0x23: {  	s9 =	sor.u32 $0xD0000000, s2;
	s6 =	simm.s32 $0x108;
	_ =	swait.ge @!p0 [sflag:s8], $0x0  }
0x24: {  	s3 =	sadd.s32 $0x88, s3;
	s6 =	simm.s32 @!p1 $0x1082;
	[sflag:s4] =	ssyncset.s32 $0xFFFFF086  }
0x25: {  	[simem:s6], [sflag:s4] =	dma.local [hbm:s3], $0xF7A  }
0x26: {  	[smem:$0x3FA0] =	sst s1;
	(tag) =	ssettag s2;
	_ =	strace s9  }
0x27: {  	s1 =	sld [smem:$0x3FB0]  }
0x28: {  	s2 =	sld [smem:$0x3FB1]  }
0x29: {  	s4 =	sld [smem:$0x3FB3]  }
0x2a: {  	p0 =	seq.s32 s5, $0x0;
	s5 =	sld [smem:$0x3FB4]  }
0x2b: {  	s6 =	sld [smem:$0x3FB5]  }
0x2c: {  	s7 =	sld [smem:$0x3FB6]  }
0x2d: {  	s3 =	simm.s32 $0x108;
	s8 =	sld [smem:$0x3FB7]  }
0x2e: {  	s3 =	simm.s32 @!p0 $0x1082;
	s9 =	sld [smem:$0x3FB8]  }
0x2f: {  	lr =	sadd.s32 s0, s3;
	s0 =	sld [smem:$0x3FAF]  }
0x30: {  	s3 =	sld [smem:$0x3FB2]  }
0x31: {  	[smem:$0x3FBB] =	sst s10  }
0x32: {  	s10 =	sld [smem:$0x3FB9];
	_ =	sdelay $0x3  }
0x33: {  	p0 =	seq.s32 s10, $0x1;
	s10 =	sld [smem:$0x3FBB];
	_ =	sdelay $0x3  }
0x34: {  	[smem:$0x3FBB] =	sst s10  }
0x35: {  	s10 =	sld [smem:$0x3FBA];
	_ =	sdelay $0x3  }
0x36: {  	p1 =	seq.s32 s10, $0x1;
	s10 =	sld [smem:$0x3FBB];
	_ =	sdelay $0x3  }
0x37: {  	[smem:$0x3FBB] =	sst s10  }
0x38: {  	s10 =	sld [smem:$0x3FBC]  }
0x39: {  	_ = 	snop;
	(pc) =	sbr.ind lr, $3  }
0x3a: {  	_ = 	snop  }
0x3b: {  	_ = 	snop  }
0x3c: {  	p2 =	seq.s32 s10, $0x1;
	s10 =	sld [smem:$0x3FBB]  }
0x3d: {  	_ =	shalt  }
0x3e: {  	_ =	shalt  }
0x3f: {  	_ =	shalt  }
0x40: {  	_ =	shalt  }
0x41: {  	_ =	shalt  }
0x42: {  	_ =	shalt  }
0x43: {  	_ =	shalt  }
0x44: {  	_ =	shalt  }
0x45: {  	_ =	shalt  }
0x46: {  	_ =	shalt  }
0x47: {  	_ =	shalt  }
0x48: {  	_ =	shalt  }
0x49: {  	_ =	shalt  }
0x4a: {  	_ =	shalt  }
0x4b: {  	_ =	shalt  }
0x4c: {  	_ =	shalt  }
0x4d: {  	_ =	shalt  }
0x4e: {  	_ =	shalt  }
0x4f: {  	_ =	shalt  }
0x50: {  	_ =	shalt  }
0x51: {  	_ =	shalt  }
0x52: {  	_ =	shalt  }
0x53: {  	_ =	shalt  }
0x54: {  	_ =	shalt  }
0x55: {  	_ =	shalt  }
0x56: {  	_ =	shalt  }
0x57: {  	_ =	shalt  }
0x58: {  	_ =	shalt  }
0x59: {  	_ =	shalt  }
0x5a: {  	_ =	shalt  }
0x5b: {  	_ =	shalt  }
0x5c: {  	_ =	shalt  }
0x5d: {  	_ =	shalt  }
0x5e: {  	_ =	shalt  }
0x5f: {  	_ =	shalt  }
0x60: {  	_ =	shalt  }
0x61: {  	_ =	shalt  }
0x62: {  	_ =	shalt  }
0x63: {  	_ =	shalt  }
0x64: {  	_ =	shalt  }
0x65: {  	_ =	shalt  }
0x66: {  	_ =	shalt  }
0x67: {  	_ =	shalt  }
0x68: {  	_ =	shalt  }
0x69: {  	_ =	shalt  }
0x6a: {  	_ =	shalt  }
0x6b: {  	_ =	shalt  }
0x6c: {  	_ =	shalt  }
0x6d: {  	_ =	shalt  }
0x6e: {  	_ =	shalt  }
0x6f: {  	_ =	shalt  }
0x70: {  	_ =	shalt  }
0x71: {  	_ =	shalt  }
0x72: {  	_ =	shalt  }
0x73: {  	_ =	shalt  }
0x74: {  	_ =	shalt  }
0x75: {  	_ =	shalt  }
0x76: {  	_ =	shalt  }
0x77: {  	_ =	shalt  }
0x78: {  	_ =	shalt  }
0x79: {  	_ =	shalt  }
0x7a: {  	_ =	shalt  }
0x7b: {  	_ =	shalt  }
0x7c: {  	_ =	shalt  }
0x7d: {  	_ =	shalt  }
0x7e: {  	_ =	shalt  }
0x7f: {  	_ =	shalt  }
0x80: {  	_ =	shalt  }
0x81: {  	_ =	shalt  }
0x82: {  	_ =	shalt  }
0x83: {  	_ =	shalt  }
0x84: {  	_ =	shalt  }
0x85: {  	_ =	shalt  }
0x86: {  	_ =	shalt  }
0x87: {  	_ =	shalt  }
.Lfunc_end0:
.L_simem_size_0:
called_computation.3_lowered:
.L_overlay_start_0:
0x88: {  	s2 =	sld [smem:$0x3FD9]  }
0x89: {  	s3 =	sld [smem:$0x3FFE];
	_ =	sdelay $0x1  }
0x8a: {  	s1 =	srdreg.scid  }
0x8b: {  	s0 =	sand.u32 $0x1, s1  }
0x8c: {  	s17 =	sshll.u32 s0, $0xA;
	s2 =	sadd.s32 s3, s2  }
0x8d: {  	s2 =	sadd.s32 s2, s17  }
0x8e: {  	[smem:$0x3FC7] =	sst s2  }
0x8f: {  	_ = 	snop  }
0x90: {  	s2 =	sld [smem:$0x3FD0];
	(tm) =	ssettm $0x1  }
0x91: {  	s18 =	sld [smem:$0x3FFB];
	_ =	sdelay $0x3  }
0x92: {  	_ =	strace s18  }
0x93: {  	s3 =	sld [smem:$0x3FFC];
	_ =	sdelay $0x3  }
0x94: {  	_ =	strace s3  }
0x95: {  	s3 =	sld [smem:$0x3FFD];
	_ =	sdelay $0x3  }
0x96: {  	_ =	strace s3  }
0x97: {  	_ =	strace $0x8FFFFFFF  }
0x98: {  	s19 =	sld [smem:$0x3FDB];
	_ =	sdelay $0x1  }
0x99: {  	s4 =	simm.s32 $_scs_section_size  }
0x9a: {  	s5 =	simm.s32 $_size__tile_overlayer_lowered;
	s6 =	simm.s32 $_tile_overlayer_lowered  }
0x9b: {  	s22 =	simm.s32 $0x1BFF;
	s21 =	sshll.u32 s6, $0x1;
	s3 =	sadd.s32 s4, s19  }
0x9c: {  	s7 =	simm.s32 $0x0;
	s20 =	sshll.u32 s5, $0x1;
	s5 =	sadd.s32 s21, s3  }
0x9d: {  	[timem:s7], [sflag:s22] =	dma.local [hbm:s5], s20  }
0x9e: {  	_ =	swait.ge [sflag:s22], s20  }
0x9f: {  	s4 =	ssub.s32 $0x0, s20;
	[sflag:s22] =	ssyncset.done $0x0  }
0xa0: {  	[sflag:s22] =	ssyncadd.s32 s4;
	_ =	sdelay $0x1  }
0xa1: {  	s23 =	simm.s32 $0x1B8B  }
0xa2: {  	_ =	swait.ge [sflag:s23], $0x1  }
0xa3: {  	[sflag:s23] =	ssyncset.done $0x0  }
0xa4: {  	s25 =	simm.s32 $0x1B8E;
	s24 =	sld [smem:$0x3FFE];
	[sflag:s23] =	ssyncadd.s32 $0xFFFFFFFF  }
0xa5: {  	s26 =	simm.s32 $execute0_lowered;
	[smem:$0x3FD2] =	sst s25  }
0xa6: {  	s5 =	sshll.u32 s26, $0x1;
	_ =	strace $0x8000004C;
	[dreg:$0x1] =	wrdreg $0xFFFFFFFF  }
0xa7: {  	s28 =	simm.s32 $_size_execute0_lowered;
	s3 =	sadd.s32 s3, s5;
	[dreg:$0x0] =	wrdreg $0x0  }
0xa8: {  	s5 =	sshll.u32 s28, $0x1;
	[dreg:$0x2] =	wrdreg s3  }
0xa9: {  	[dreg:$0x3] =	wrdreg s5  }
0xaa: {  	[dreg:$0x4] =	wrdreg $0xC0  }
0xab: {  	_ =	task [dreg:s7], $0x5FFFF  }
0xac: {  	[dreg:$0x1] =	wrdreg $0xFFFFFFFF  }
0xad: {  	[dreg:$0x0] =	wrdreg $0x60  }
0xae: {  	[dreg:$0x2] =	wrdreg s24  }
0xaf: {  	[dreg:$0x3] =	wrdreg s2  }
0xb0: {  	[dreg:$0x4] =	wrdreg $0x9  }
0xb1: {  	_ =	task.clear_ibuf [dreg:s7], $0x5FFFF;
	_ =	strace $0x9000004C  }
0xb2: {  	s29 =	simm.s32 $0x9;
	_ =	strace $0x8000004E  }
0xb3: {  	_ =	swait.ge [sflag:s29], $0x1  }
0xb4: {  	[sflag:s29] =	ssyncadd.s32 $0xFFFFFFFF  }
0xb5: {  	_ =	strace $0x9000004E  }
0xb6: {  	_ =	sfence  }
0xb7: {  	s30 =	sld [smem:$0x0];
	_ =	sdelay $0x2  }
0xb8: {  	s31 =	sshll.u32 s1, $0xD;
	s1 =	sshrl.u32 s1, $0x2  }
0xb9: {  	s3 =	sand.u32 $0x4000, s31;
	s1 =	sadd.s32 s1, s30  }
0xba: {  	s0 =	sor.u32 s3, s0;
	s1 =	sshll.u32 s1, $0x11  }
0xbb: {  	s0 =	sor.u32 s1, s0  }
0xbc: {  	s0 =	sadd.s32 $0x8F2B, s0  }
0xbd: {  	[sflag:s0] =	ssyncadd.remote.s32 $0x1  }
0xbe: {  	_ =	sfence.sel $0xFFFF  }
0xbf: {  	[dreg:$0x0] =	wrdreg $0xFFFFFFFF;
	(pc) =	sbr.abs _section_cstart, $3  }
0xc0: {  	[dreg:$0x1] =	wrdreg $0xFFFFFFFF  }
0xc1: {  	_ =	task.clear_ibuf [dreg:s7], $0x2FFFF;
	_ =	strace $0x9FFFFFFF  }
0xc2: {  	(tm) =	ssettm $0x7FFFFFFF  }
0xc3: {  	_ =	shalt  }
tec
execute0_lowered:
.L_overlay_start_1:
0x0: {  	(tag) =	ssettag $0x1  }
0x1: {  	s3 =	rddreg [dreg:$0x0]  }
0x2: {  	s1 =	rddreg [dreg:$0x1]  }
0x3: {  	s0 =	rddreg [dreg:$0x2];
	s2 =	simm.s32 $0x0  }
0x4: {  	s4 =	srdreg.scid;
	s8 =	simm.s32 $0x28;
	s9 =	simm.s32 $0x1  }
0x5: {  	s10 =	simm.s32 $0x8000;
	s16 =	simm.s32 $0x0;
	[smem:$0x7FF] =	sst s2  }
0x6: {  	s5 =	sand.u32 $0x1, s4;
	s4 =	sadd.s32 $0x101200, s3;
	s3 =	stileid.u32  }
0x7: {  	_ =	strace $0x8000004D;
	s6 =	ssub.s32 $0x2, s5;
	p0 =	slt.u32 s3, $0x8  }
0x8: {  	s31 =	sshll.u32 s3, $0x4;
	s5 =	sshll.u32 s5, $0x3;
	s7 =	sshrl.u32 s6, $0x1  }
0x9: {  	s8 =	simm.s32 @!p0 $0x1F4;
	s5 =	sor.u32 s5, s31;
	s6 =	ssub.s32 s6, s7  }
0xa: {  	v1 =	vimm.s32 $0x0;
	s7 =	simm.s32 $0x10;
	v0 =	vmov s8;
	s8 =	simm.s32 $0x1000;
	s6 =	smax.u32 s6, $0x1  }
.LBB2_1:
0xb: {  	s11 =	simm.s32 $0x0  }
.LBB2_2:
0xc: {  	s12 =	sadd.s32 s5, s11  }
0xd: {  	s12 =	sshll.u32 s12, $0x1  }
0xe: {  	s13 =	simm.s32 $0x0;
	s14 =	sadd.s32 s4, s12  }
0xf: {  	[tilespmem:s13], [sflag:$0x1] =	stream.strided.gather [hbm4b:s14+s7], $0x8000, s8, s7, $0x38;
	[tilespmem:$0x10000] =	vst v63  }
0x10: {  	_ =	swait.ge [sflag:s9], $0x8000  }
0x11: {  	[sflag:s9] =	ssyncset.done $0x0  }
0x12: {  	v2 =	vimm.s32 $0x807FFFFF;
	v3 =	vimm.s32 $0x7F800000;
	[sflag:s9] =	ssyncadd.s32 $0xFFFF8000  }
.LBB2_3:
0x13: {  	v4 =	vxor.u32 v2, v3  }
0x14: {  	v5 =	vand.u32 v3, v2;
	v7 =	vld [tilespmem:s16+$0x0];
	v6 =	vshra.s32 v4, $0x1  }
0x15: {  	v4 =	vand.u32 $0x1, v4;
	v5 =	vadd.s32 v6, v5;
	v6 =	vld [tilespmem:s16+$0x10]  }
0x16: {  	v8 =	vld [tilespmem:s16+$0x20];
	v4 =	vadd.s32 v4, v5  }
0x17: {  	v9 =	vld [tilespmem:s16+$0x30];
	v5 =	vxor.u32 $0x7FFFFFFF, v4;
	vm0 =	vlt.s32 v4, $0x0  }
0x18: {  	v10 =	vld [tilespmem:s16+$0x40];
	v5 =	vsel vm0, v5, v4  }
0x19: {  	vm0 =	vge.f32 v7, v5;
	v7 =	vld [tilespmem:s16+$0x50]  }
0x1a: {  	v11 =	vimm.s32 $0x0;
	v12 =	vsel vm0, $0x1, v1;
	vm0 =	vge.f32 v6, v5;
	v6 =	vld [tilespmem:s16+$0x60]  }
0x1b: {  	v11 =	vadd.s32 v12, v11;
	v12 =	vsel vm0, $0x1, v1;
	vm0 =	vge.f32 v8, v5;
	v8 =	vld [tilespmem:s16+$0x70]  }
0x1c: {  	v11 =	vadd.s32 v12, v11;
	v12 =	vsel vm0, $0x1, v1;
	vm0 =	vge.f32 v9, v5;
	v9 =	vld [tilespmem:s16+$0x80]  }
0x1d: {  	v11 =	vadd.s32 v12, v11;
	v12 =	vsel vm0, $0x1, v1;
	vm0 =	vge.f32 v10, v5;
	v10 =	vld [tilespmem:s16+$0x90]  }
0x1e: {  	v13 =	vld [tilespmem:s16+$0xA0];
	v11 =	vadd.s32 v12, v11;
	v12 =	vsel vm0, $0x1, v1;
	vm0 =	vge.f32 v7, v5  }
0x1f: {  	v7 =	vadd.s32 v12, v11;
	v11 =	vsel vm0, $0x1, v1;
	vm0 =	vge.f32 v6, v5;
	v6 =	vld [tilespmem:s16+$0xB0]  }
0x20: {  	v11 =	vadd.s32 v11, v7;
	v12 =	vsel vm0, $0x1, v1;
	vm0 =	vge.f32 v8, v5;
	v7 =	vld [tilespmem:s16+$0xC0]  }
0x21: {  	v8 =	vld [tilespmem:s16+$0xD0];
	v11 =	vadd.s32 v12, v11;
	v12 =	vsel vm0, $0x1, v1;
	vm0 =	vge.f32 v9, v5  }
0x22: {  	v9 =	vld [tilespmem:s16+$0xE0];
	v11 =	vadd.s32 v12, v11;
	v12 =	vsel vm0, $0x1, v1;
	vm0 =	vge.f32 v10, v5  }
0x23: {  	s14 =	simm.s32 $0x100;
	s15 =	simm.s32 $0x800;
	v10 =	vld [tilespmem:s16+$0xF0];
	v11 =	vadd.s32 v12, v11;
	v12 =	vsel vm0, $0x1, v1;
	vm0 =	vge.f32 v13, v5  }
.LBB2_4:
0x24: {  	p0 =	sne.s32 s15, $0x1FC00;
	v13 =	vld [tilespmem:s14+$0x0];
	v11 =	vadd.s32 v12, v11;
	v12 =	vsel vm0, $0x1, v1;
	vm0 =	vge.f32 v6, v5  }
0x25: {  	v6 =	vld [tilespmem:s14+$0x10];
	v11 =	vadd.s32 v12, v11;
	v12 =	vsel vm0, $0x1, v1;
	vm0 =	vge.f32 v7, v5  }
0x26: {  	v7 =	vld [tilespmem:s14+$0x20];
	v11 =	vadd.s32 v12, v11;
	v12 =	vsel vm0, $0x1, v1;
	vm0 =	vge.f32 v8, v5  }
0x27: {  	v8 =	vld [tilespmem:s14+$0x30];
	v11 =	vadd.s32 v12, v11;
	v12 =	vsel vm0, $0x1, v1;
	vm0 =	vge.f32 v9, v5  }
0x28: {  	v9 =	vld [tilespmem:s14+$0x40];
	v11 =	vadd.s32 v12, v11;
	v12 =	vsel vm0, $0x1, v1;
	vm0 =	vge.f32 v10, v5  }
0x29: {  	vm1 =	vge.f32 v13, v5;
	v10 =	vld [tilespmem:s14+$0x50];
	v11 =	vadd.s32 v12, v11;
	v12 =	vsel vm0, $0x1, v1  }
0x2a: {  	v13 =	vsel vm1, $0x1, v1;
	vm0 =	vge.f32 v6, v5;
	v6 =	vld [tilespmem:s14+$0x60];
	v11 =	vadd.s32 v12, v11  }
0x2b: {  	v11 =	vadd.s32 v13, v11;
	v12 =	vsel vm0, $0x1, v1;
	vm0 =	vge.f32 v7, v5;
	v7 =	vld [tilespmem:s14+$0x70]  }
0x2c: {  	v11 =	vadd.s32 v12, v11;
	v12 =	vsel vm0, $0x1, v1;
	vm0 =	vge.f32 v8, v5;
	v8 =	vld [tilespmem:s14+$0x80]  }
0x2d: {  	v11 =	vadd.s32 v12, v11;
	v12 =	vsel vm0, $0x1, v1;
	vm0 =	vge.f32 v9, v5;
	v9 =	vld [tilespmem:s14+$0x90]  }
0x2e: {  	v11 =	vadd.s32 v12, v11;
	v12 =	vsel vm0, $0x1, v1;
	vm0 =	vge.f32 v10, v5;
	v10 =	vld [tilespmem:s14+$0xA0]  }
.Ltmp0:
0x2f: {  	v11 =	vadd.s32 v12, v11;
	v12 =	vsel vm0, $0x1, v1;
	vm0 =	vge.f32 v6, v5;
	v6 =	vld [tilespmem:s14+$0xB0];
	(pc) =	sbr.rel @p0 .LBB2_4-.Ltmp0, $4  }
0x30: {  	v11 =	vadd.s32 v12, v11;
	v12 =	vsel vm0, $0x1, v1;
	vm0 =	vge.f32 v7, v5;
	v7 =	vld [tilespmem:s14+$0xC0]  }
0x31: {  	v11 =	vadd.s32 v12, v11;
	v12 =	vsel vm0, $0x1, v1;
	vm0 =	vge.f32 v8, v5;
	v8 =	vld [tilespmem:s14+$0xD0]  }
0x32: {  	v11 =	vadd.s32 v12, v11;
	v12 =	vsel vm0, $0x1, v1;
	vm0 =	vge.f32 v9, v5;
	v9 =	vld [tilespmem:s14+$0xE0]  }
0x33: {  	v11 =	vadd.s32 v12, v11;
	v12 =	vsel vm0, $0x1, v1;
	vm0 =	vge.f32 v10, v5;
	v10 =	vld [tilespmem:s14+$0xF0];
	s14 =	sshra.s32 s15, $0x2;
	s15 =	sadd.s32 $0x400, s15  }
0x34: {  	v13 =	vld [tilespmem:s14+$0x0];
	v11 =	vadd.s32 v12, v11;
	v28 =	vsel vm0, $0x1, v1;
	vm7 =	vge.f32 v6, v5  }
0x35: {  	v29 =	vld [tilespmem:s14+$0x10];
	v11 =	vadd.s32 v28, v11;
	v30 =	vsel vm7, $0x1, v1;
	vm8 =	vge.f32 v7, v5  }
0x36: {  	v31 =	vld [tilespmem:s14+$0x20];
	v11 =	vadd.s32 v30, v11;
	v32 =	vsel vm8, $0x1, v1;
	vm9 =	vge.f32 v8, v5  }
0x37: {  	v33 =	vld [tilespmem:s14+$0x30];
	v11 =	vadd.s32 v32, v11;
	v34 =	vsel vm9, $0x1, v1;
	vm10 =	vge.f32 v9, v5  }
0x38: {  	v35 =	vld [tilespmem:s14+$0x40];
	v11 =	vadd.s32 v34, v11;
	v36 =	vsel vm10, $0x1, v1;
	vm11 =	vge.f32 v10, v5  }
0x39: {  	v37 =	vld [tilespmem:s14+$0x50];
	vm1 =	vge.f32 v13, v5;
	v11 =	vadd.s32 v36, v11;
	v38 =	vsel vm11, $0x1, v1  }
0x3a: {  	v39 =	vld [tilespmem:s14+$0x60];
	vm12 =	vge.f32 v29, v5;
	v13 =	vsel vm1, $0x1, v1;
	v11 =	vadd.s32 v38, v11  }
0x3b: {  	v41 =	vld [tilespmem:s14+$0x70];
	vm13 =	vge.f32 v31, v5;
	v40 =	vsel vm12, $0x1, v1;
	v11 =	vadd.s32 v13, v11  }
0x3c: {  	v43 =	vld [tilespmem:s14+$0x80];
	vm14 =	vge.f32 v33, v5;
	v42 =	vsel vm13, $0x1, v1;
	v11 =	vadd.s32 v40, v11  }
0x3d: {  	v45 =	vld [tilespmem:s14+$0x90];
	vm15 =	vge.f32 v35, v5;
	v44 =	vsel vm14, $0x1, v1;
	v11 =	vadd.s32 v42, v11  }
0x3e: {  	v47 =	vld [tilespmem:s14+$0xA0];
	vm4 =	vge.f32 v37, v5;
	v46 =	vsel vm15, $0x1, v1;
	v11 =	vadd.s32 v44, v11  }
0x3f: {  	v49 =	vld [tilespmem:s14+$0xB0];
	vm5 =	vge.f32 v39, v5;
	v48 =	vsel vm4, $0x1, v1;
	v11 =	vadd.s32 v46, v11  }
0x40: {  	v51 =	vld [tilespmem:s14+$0xC0];
	vm6 =	vge.f32 v41, v5;
	v50 =	vsel vm5, $0x1, v1;
	v11 =	vadd.s32 v48, v11  }
0x41: {  	v53 =	vld [tilespmem:s14+$0xD0];
	vm7 =	vge.f32 v43, v5;
	v52 =	vsel vm6, $0x1, v1;
	v11 =	vadd.s32 v50, v11  }
0x42: {  	v55 =	vld [tilespmem:s14+$0xE0];
	vm8 =	vge.f32 v45, v5;
	v54 =	vsel vm7, $0x1, v1;
	v11 =	vadd.s32 v52, v11  }
0x43: {  	v57 =	vld [tilespmem:s14+$0xF0];
	vm9 =	vge.f32 v47, v5;
	v56 =	vsel vm8, $0x1, v1;
	v11 =	vadd.s32 v54, v11  }
0x44: {  	vm10 =	vge.f32 v49, v5;
	v58 =	vsel vm9, $0x1, v1;
	v11 =	vadd.s32 v56, v11  }
0x45: {  	vm11 =	vge.f32 v51, v5;
	v60 =	vsel vm10, $0x1, v1;
	v59 =	vadd.s32 v58, v11  }
0x46: {  	s13 =	sadd.s32 $0x1, s13;
	v7 =	vsel vm11, $0x1, v1;
	vm12 =	vge.f32 v53, v5;
	v6 =	vadd.s32 v60, v59  }
0x47: {  	p0 =	sne.s32 s13, $0x20;
	vm13 =	vge.f32 v55, v5;
	v61 =	vsel vm12, $0x1, v1;
	v6 =	vadd.s32 v7, v6  }
.Ltmp1:
0x48: {  	vm14 =	vge.f32 v57, v5;
	v62 =	vsel vm13, $0x1, v1;
	v6 =	vadd.s32 v61, v6;
	(pc) =	sbr.rel @p0 .LBB2_3-.Ltmp1, $4  }
0x49: {  	v63 =	vsel vm14, $0x1, v1;
	v5 =	vadd.s32 v62, v6  }
0x4a: {  	v5 =	vadd.s32 v63, v5  }
0x4b: {  	vm15 =	vlt.s32 v5, v0;
	v5 =	vadd.s32 $0xFFFFFFFF, v4  }
0x4c: {  	v2 =	vsel vm15, v2, v4;
	v3 =	vsel vm15, v5, v3  }
0x4d: {  	s13 =	simm.s32 $0x0  }
0x4e: {  	v3 =	vld [tilespmem:s13+$0x0];
	_ =	sdelay $0x1  }
0x4f: {  	v4 =	vld [tilespmem:s13+$0x10];
	_ =	sdelay $0x1  }
0x50: {  	v5 =	vld [tilespmem:s13+$0x20]  }
0x51: {  	v6 =	vmul.f32 $1.442695020e+00, v3  }
0x52: {  	v7 =	vld [tilespmem:s13+$0x30]  }
0x53: {  	v9 =	vld [tilespmem:s13+$0x40];
	v8 =	vmul.f32 $1.442695020e+00, v4;
	(erf) = vpow2.f32 v6;
	_ =	sdelay $0x1  }
0x54: {  	v6 =	vmul.f32 $1.442695020e+00, v5;
	(erf) = vpow2.f32 v8  }
0x55: {  	v11 =	vld [tilespmem:s13+$0x50]  }
0x56: {  	v8 =	vmul.f32 $1.442695020e+00, v7;
	(erf) = vpow2.f32 v6  }
0x57: {  	v12 =	vld [tilespmem:s13+$0x60];
	v6 =	vmul.f32 $1.442695020e+00, v9  }
0x58: {  	(erf) = vpow2.f32 v8;
	v8 =	vxor.u32 $0x7FFFFFFF, v2  }
0x59: {  	vm0 =	vlt.s32 v2, $0x0;
	v13 =	vld [tilespmem:s13+$0x70];
	(erf) = vpow2.f32 v6  }
0x5a: {  	v2 =	vsel vm0, v8, v2;
	v6 =	vmul.f32 $1.442695020e+00, v11  }
0x5b: {  	v10 =	vimm.f32 $0.0e+00;
	vm0 =	vge.f32 v3, v2;
	v3 =	vld [tilespmem:s13+$0x80];
	v8 =	vpop (erf)  }
0x5c: {  	v14 =	vmul.f32 $1.442695020e+00, v12;
	(erf) = vpow2.f32 v6;
	v8 =	vnsel vm0, $0x0, v8  }
0x5d: {  	vm9 =	vge.f32 v4, v2;
	v4 =	vpop (erf);
	[tilespmem:s13+$0x8000] =	vst v8;
	v6 =	vadd.f32 v8, v10;
	v8 =	vld [tilespmem:s13+$0x90]  }
0x5e: {  	v15 =	vmul.f32 $1.442695020e+00, v13;
	(erf) = vpow2.f32 v14;
	v4 =	vnsel vm9, $0x0, v4  }
0x5f: {  	vm10 =	vge.f32 v5, v2;
	vm12 =	vge.f32 v9, v2;
	v5 =	vpop (erf);
	v10 =	vld [tilespmem:s13+$0xA0];
	[tilespmem:s13+$0x8010] =	vst v4;
	v4 =	vadd.f32 v4, v6  }
0x60: {  	v9 =	vmul.f32 $1.442695020e+00, v3;
	(erf) = vpow2.f32 v15;
	v5 =	vnsel vm10, $0x0, v5  }
0x61: {  	vm11 =	vge.f32 v7, v2;
	v7 =	vpop (erf);
	v6 =	vld [tilespmem:s13+$0xB0];
	v4 =	vadd.f32 v5, v4  }
0x62: {  	[tilespmem:s13+$0x8020] =	vst v5;
	v5 =	vnsel vm11, $0x0, v7;
	v7 =	vpop (erf);
	(erf) = vpow2.f32 v9;
	v14 =	vmul.f32 $1.442695020e+00, v8  }
0x63: {  	vm13 =	vge.f32 v11, v2;
	[tilespmem:s13+$0x8030] =	vst v5;
	v4 =	vadd.f32 v5, v4;
	v5 =	vld [tilespmem:s13+$0xC0]  }
0x64: {  	v7 =	vnsel vm12, $0x0, v7;
	v11 =	vmul.f32 $1.442695020e+00, v10;
	(erf) = vpow2.f32 v14  }
0x65: {  	[tilespmem:s13+$0x8040] =	vst v7;
	v9 =	vpop (erf);
	v7 =	vadd.f32 v7, v4;
	v4 =	vld [tilespmem:s13+$0xD0]  }
0x66: {  	v14 =	vmul.f32 $1.442695020e+00, v6;
	v9 =	vnsel vm13, $0x0, v9;
	(erf) = vpow2.f32 v11  }
0x67: {  	vm14 =	vge.f32 v12, v2;
	v12 =	vpop (erf);
	[tilespmem:s13+$0x8050] =	vst v9;
	v9 =	vadd.f32 v9, v7;
	v7 =	vld [tilespmem:s13+$0xE0]  }
0x68: {  	v11 =	vnsel vm14, $0x0, v12;
	(erf) = vpow2.f32 v14;
	v15 =	vmul.f32 $1.442695020e+00, v5  }
0x69: {  	vm15 =	vge.f32 v13, v2;
	v12 =	vpop (erf);
	[tilespmem:s13+$0x8060] =	vst v11;
	v11 =	vadd.f32 v11, v9;
	v9 =	vld [tilespmem:s13+$0xF0]  }
0x6a: {  	s14 =	simm.s32 $0x100;
	s15 =	simm.s32 $0x800;
	v13 =	vnsel vm15, $0x0, v12;
	v12 =	vmul.f32 $1.442695020e+00, v4;
	(erf) = vpow2.f32 v15  }
.LBB2_7:
0x6b: {  	p0 =	sne.s32 s15, $0x1FC00;
	v14 =	vld [tilespmem:s14+$0x0];
	[tilespmem:s13+$0x8070] =	vst v13;
	v11 =	vadd.f32 v13, v11;
	vm0 =	vge.f32 v3, v2;
	v3 =	vpop (erf)  }
0x6c: {  	v3 =	vnsel vm0, $0x0, v3;
	v13 =	vmul.f32 $1.442695020e+00, v7;
	(erf) = vpow2.f32 v12  }
0x6d: {  	vm0 =	vge.f32 v8, v2;
	v12 =	vld [tilespmem:s14+$0x10];
	[tilespmem:s13+$0x8080] =	vst v3;
	v3 =	vadd.f32 v3, v11;
	v8 =	vpop (erf)  }
0x6e: {  	v15 =	vnsel vm0, $0x0, v8;
	v11 =	vmul.f32 $1.442695020e+00, v9;
	(erf) = vpow2.f32 v13  }
0x6f: {  	vm0 =	vge.f32 v10, v2;
	v13 =	vld [tilespmem:s14+$0x20];
	[tilespmem:s13+$0x8090] =	vst v15;
	v3 =	vadd.f32 v15, v3;
	v8 =	vpop (erf)  }
0x70: {  	v10 =	vmul.f32 $1.442695020e+00, v14;
	v8 =	vnsel vm0, $0x0, v8;
	(erf) = vpow2.f32 v11  }
0x71: {  	vm0 =	vge.f32 v6, v2;
	v11 =	vld [tilespmem:s14+$0x30];
	[tilespmem:s13+$0x80A0] =	vst v8;
	v3 =	vadd.f32 v8, v3;
	v6 =	vpop (erf)  }
0x72: {  	v8 =	vmul.f32 $1.442695020e+00, v12;
	(erf) = vpow2.f32 v10;
	v6 =	vnsel vm0, $0x0, v6  }
0x73: {  	vm0 =	vge.f32 v5, v2;
	v15 =	vld [tilespmem:s14+$0x40];
	[tilespmem:s13+$0x80B0] =	vst v6;
	v3 =	vadd.f32 v6, v3;
	v5 =	vpop (erf)  }
0x74: {  	v6 =	vmul.f32 $1.442695020e+00, v13;
	(erf) = vpow2.f32 v8;
	v5 =	vnsel vm0, $0x0, v5  }
0x75: {  	vm0 =	vge.f32 v4, v2;
	v16 =	vld [tilespmem:s14+$0x50];
	[tilespmem:s13+$0x80C0] =	vst v5;
	v3 =	vadd.f32 v5, v3;
	v4 =	vpop (erf)  }
0x76: {  	v5 =	vmul.f32 $1.442695020e+00, v11;
	(erf) = vpow2.f32 v6;
	v6 =	vnsel vm0, $0x0, v4  }
0x77: {  	vm0 =	vge.f32 v7, v2;
	v17 =	vld [tilespmem:s14+$0x60];
	[tilespmem:s13+$0x80D0] =	vst v6;
	v8 =	vadd.f32 v6, v3;
	v4 =	vpop (erf)  }
0x78: {  	v6 =	vmul.f32 $1.442695020e+00, v15;
	(erf) = vpow2.f32 v5;
	v4 =	vnsel vm0, $0x0, v4  }
0x79: {  	vm0 =	vge.f32 v9, v2;
	v18 =	vld [tilespmem:s14+$0x70];
	[tilespmem:s13+$0x80E0] =	vst v4;
	v4 =	vadd.f32 v4, v8;
	v3 =	vpop (erf)  }
0x7a: {  	v9 =	vmul.f32 $1.442695020e+00, v16;
	(erf) = vpow2.f32 v6;
	v6 =	vnsel vm0, $0x0, v3  }
0x7b: {  	vm0 =	vge.f32 v14, v2;
	v3 =	vld [tilespmem:s14+$0x80];
	v7 =	vpop (erf);
	[tilespmem:s13+$0x80F0] =	vst v6;
	v4 =	vadd.f32 v6, v4;
	s13 =	smov.u32 s14  }
0x7c: {  	v6 =	vnsel vm0, $0x0, v7;
	v7 =	vmul.f32 $1.442695020e+00, v17;
	(erf) = vpow2.f32 v9  }
0x7d: {  	vm0 =	vge.f32 v12, v2;
	[tilespmem:s13+$0x8000] =	vst v6;
	v4 =	vadd.f32 v6, v4;
	v8 =	vld [tilespmem:s13+$0x90];
	v5 =	vpop (erf)  }
0x7e: {  	v9 =	vnsel vm0, $0x0, v5;
	v6 =	vmul.f32 $1.442695020e+00, v18;
	(erf) = vpow2.f32 v7  }
0x7f: {  	vm0 =	vge.f32 v13, v2;
	[tilespmem:s13+$0x8010] =	vst v9;
	v4 =	vadd.f32 v9, v4;
	v10 =	vld [tilespmem:s13+$0xA0];
	v5 =	vpop (erf)  }
0x80: {  	v9 =	vnsel vm0, $0x0, v5;
	v12 =	vmul.f32 $1.442695020e+00, v3;
	(erf) = vpow2.f32 v6  }
0x81: {  	vm0 =	vge.f32 v11, v2;
	[tilespmem:s13+$0x8020] =	vst v9;
	v4 =	vadd.f32 v9, v4;
	v6 =	vld [tilespmem:s13+$0xB0];
	v5 =	vpop (erf)  }
0x82: {  	v5 =	vnsel vm0, $0x0, v5;
	v13 =	vmul.f32 $1.442695020e+00, v8;
	(erf) = vpow2.f32 v12  }
0x83: {  	vm0 =	vge.f32 v15, v2;
	[tilespmem:s13+$0x8030] =	vst v5;
	v4 =	vadd.f32 v5, v4;
	v5 =	vld [tilespmem:s13+$0xC0];
	v7 =	vpop (erf)  }
0x84: {  	v7 =	vnsel vm0, $0x0, v7;
	v14 =	vmul.f32 $1.442695020e+00, v10;
	(erf) = vpow2.f32 v13  }
0x85: {  	vm0 =	vge.f32 v16, v2;
	[tilespmem:s13+$0x8040] =	vst v7;
	v7 =	vadd.f32 v7, v4;
	v4 =	vld [tilespmem:s13+$0xD0];
	v9 =	vpop (erf)  }
.Ltmp2:
0x86: {  	v9 =	vnsel vm0, $0x0, v9;
	v13 =	vmul.f32 $1.442695020e+00, v6;
	(erf) = vpow2.f32 v14;
	(pc) =	sbr.rel @p0 .LBB2_7-.Ltmp2, $4  }
0x87: {  	vm0 =	vge.f32 v17, v2;
	[tilespmem:s13+$0x8050] =	vst v9;
	v9 =	vadd.f32 v9, v7;
	v7 =	vld [tilespmem:s13+$0xE0];
	v11 =	vpop (erf)  }
0x88: {  	v11 =	vnsel vm0, $0x0, v11;
	v14 =	vmul.f32 $1.442695020e+00, v5;
	(erf) = vpow2.f32 v13  }
0x89: {  	vm0 =	vge.f32 v18, v2;
	[tilespmem:s13+$0x8060] =	vst v11;
	v11 =	vadd.f32 v11, v9;
	v9 =	vld [tilespmem:s13+$0xF0];
	v12 =	vpop (erf)  }
0x8a: {  	s14 =	sshra.s32 s15, $0x2;
	s15 =	sadd.s32 $0x400, s15;
	v13 =	vnsel vm0, $0x0, v12;
	v12 =	vmul.f32 $1.442695020e+00, v4;
	(erf) = vpow2.f32 v14  }
0x8b: {  	v14 =	vld [tilespmem:s14+$0x0];
	v11 =	vadd.f32 v13, v11;
	vm0 =	vge.f32 v3, v2;
	v3 =	vpop (erf)  }
0x8c: {  	[tilespmem:s13+$0x8070] =	vst v13;
	v3 =	vnsel vm0, $0x0, v3;
	v47 =	vmul.f32 $1.442695020e+00, v7;
	(erf) = vpow2.f32 v12  }
0x8d: {  	vm5 =	vge.f32 v8, v2;
	v48 =	vld [tilespmem:s14+$0x10];
	v11 =	vadd.f32 v3, v11;
	v8 =	vpop (erf)  }
0x8e: {  	[tilespmem:s13+$0x8080] =	vst v3;
	v3 =	vnsel vm5, $0x0, v8;
	v8 =	vmul.f32 $1.442695020e+00, v9;
	(erf) = vpow2.f32 v47  }
0x8f: {  	vm6 =	vge.f32 v10, v2;
	v49 =	vld [tilespmem:s14+$0x20];
	v11 =	vadd.f32 v3, v11;
	v10 =	vpop (erf)  }
0x90: {  	[tilespmem:s13+$0x8090] =	vst v3;
	v3 =	vmul.f32 $1.442695020e+00, v14;
	v10 =	vnsel vm6, $0x0, v10;
	(erf) = vpow2.f32 v8  }
0x91: {  	vm7 =	vge.f32 v6, v2;
	v8 =	vld [tilespmem:s14+$0x30];
	v11 =	vadd.f32 v10, v11;
	v6 =	vpop (erf)  }
0x92: {  	[tilespmem:s13+$0x80A0] =	vst v10;
	v10 =	vmul.f32 $1.442695020e+00, v48;
	(erf) = vpow2.f32 v3;
	v3 =	vnsel vm7, $0x0, v6  }
0x93: {  	vm8 =	vge.f32 v5, v2;
	v6 =	vld [tilespmem:s14+$0x40];
	v11 =	vadd.f32 v3, v11;
	v5 =	vpop (erf);
	[tilespmem:s13+$0x80B0] =	vst v3  }
0x94: {  	v3 =	vmul.f32 $1.442695020e+00, v49;
	(erf) = vpow2.f32 v10;
	v5 =	vnsel vm8, $0x0, v5;
	v10 =	vld [tilespmem:s14+$0x50]  }
0x95: {  	vm9 =	vge.f32 v4, v2;
	v11 =	vadd.f32 v5, v11;
	v4 =	vpop (erf)  }
0x96: {  	[tilespmem:s13+$0x80C0] =	vst v5;
	v5 =	vmul.f32 $1.442695020e+00, v8;
	(erf) = vpow2.f32 v3;
	v3 =	vnsel vm9, $0x0, v4  }
0x97: {  	vm10 =	vge.f32 v7, v2;
	v4 =	vld [tilespmem:s14+$0x60];
	v11 =	vadd.f32 v3, v11;
	v7 =	vpop (erf)  }
0x98: {  	[tilespmem:s13+$0x80D0] =	vst v3;
	v3 =	vmul.f32 $1.442695020e+00, v6;
	(erf) = vpow2.f32 v5;
	v5 =	vnsel vm10, $0x0, v7  }
0x99: {  	vm11 =	vge.f32 v9, v2;
	v7 =	vld [tilespmem:s14+$0x70];
	v11 =	vadd.f32 v5, v11;
	v9 =	vpop (erf);
	[tilespmem:s13+$0x80E0] =	vst v5;
	v5 =	vmul.f32 $1.442695020e+00, v10  }
0x9a: {  	(erf) = vpow2.f32 v3;
	v3 =	vnsel vm11, $0x0, v9  }
0x9b: {  	vm12 =	vge.f32 v14, v2;
	v9 =	vld [tilespmem:s14+$0x80];
	v50 =	vpop (erf);
	v11 =	vadd.f32 v3, v11  }
0x9c: {  	[tilespmem:s13+$0x80F0] =	vst v3;
	v51 =	vmul.f32 $1.442695020e+00, v4;
	(erf) = vpow2.f32 v5;
	v3 =	vnsel vm12, $0x0, v50  }
0x9d: {  	vm13 =	vge.f32 v48, v2;
	[tilespmem:s14+$0x8000] =	vst v3;
	v5 =	vpop (erf);
	v3 =	vadd.f32 v3, v11;
	v11 =	vld [tilespmem:s14+$0x90]  }
0x9e: {  	(erf) = vpow2.f32 v51;
	v52 =	vmul.f32 $1.442695020e+00, v7;
	v5 =	vnsel vm13, $0x0, v5  }
0x9f: {  	vm14 =	vge.f32 v49, v2;
	v53 =	vpop (erf);
	[tilespmem:s14+$0x8010] =	vst v5;
	v3 =	vadd.f32 v5, v3;
	v5 =	vld [tilespmem:s14+$0xA0]  }
0xa0: {  	v13 =	vnsel vm14, $0x0, v53;
	v54 =	vmul.f32 $1.442695020e+00, v9;
	(erf) = vpow2.f32 v52  }
0xa1: {  	vm15 =	vge.f32 v8, v2;
	v55 =	vld [tilespmem:s14+$0xB0];
	v8 =	vpop (erf);
	v3 =	vadd.f32 v13, v3  }
0xa2: {  	v8 =	vnsel vm15, $0x0, v8;
	(erf) = vpow2.f32 v54;
	v56 =	vmul.f32 $1.442695020e+00, v11  }
0xa3: {  	vm4 =	vge.f32 v6, v2;
	[tilespmem:s14+$0x8030] =	vst v8;
	v6 =	vpop (erf);
	v3 =	vadd.f32 v8, v3;
	v8 =	vld [tilespmem:s14+$0xC0]  }
0xa4: {  	v6 =	vnsel vm4, $0x0, v6;
	v57 =	vmul.f32 $1.442695020e+00, v5;
	(erf) = vpow2.f32 v56  }
0xa5: {  	vm5 =	vge.f32 v10, v2;
	[tilespmem:s14+$0x8040] =	vst v6;
	v10 =	vpop (erf);
	v3 =	vadd.f32 v6, v3;
	v6 =	vld [tilespmem:s14+$0xD0]  }
0xa6: {  	v58 =	vmul.f32 $1.442695020e+00, v55;
	v10 =	vnsel vm5, $0x0, v10;
	(erf) = vpow2.f32 v57  }
0xa7: {  	vm6 =	vge.f32 v4, v2;
	[tilespmem:s14+$0x8050] =	vst v10;
	v4 =	vpop (erf);
	v3 =	vadd.f32 v10, v3;
	v10 =	vld [tilespmem:s14+$0xE0]  }
0xa8: {  	v4 =	vnsel vm6, $0x0, v4;
	(erf) = vpow2.f32 v58;
	v59 =	vmul.f32 $1.442695020e+00, v8  }
0xa9: {  	vm7 =	vge.f32 v7, v2;
	[tilespmem:s14+$0x8060] =	vst v4;
	v7 =	vpop (erf);
	v3 =	vadd.f32 v4, v3;
	v4 =	vld [tilespmem:s14+$0xF0]  }
0xaa: {  	v7 =	vnsel vm7, $0x0, v7;
	v60 =	vmul.f32 $1.442695020e+00, v6;
	(erf) = vpow2.f32 v59  }
0xab: {  	vm8 =	vge.f32 v9, v2;
	v9 =	vpop (erf);
	v3 =	vadd.f32 v7, v3  }
0xac: {  	v9 =	vnsel vm8, $0x0, v9;
	v61 =	vmul.f32 $1.442695020e+00, v10;
	(erf) = vpow2.f32 v60  }
0xad: {  	vm9 =	vge.f32 v11, v2;
	v3 =	vadd.f32 v9, v3;
	v11 =	vpop (erf)  }
0xae: {  	v11 =	vnsel vm9, $0x0, v11;
	v62 =	vmul.f32 $1.442695020e+00, v4;
	(erf) = vpow2.f32 v61  }
0xaf: {  	vm10 =	vge.f32 v5, v2;
	v3 =	vadd.f32 v11, v3;
	v5 =	vpop (erf)  }
0xb0: {  	v5 =	vnsel vm10, $0x0, v5;
	(erf) = vpow2.f32 v62  }
0xb1: {  	vm11 =	vge.f32 v55, v2;
	v63 =	vpop (erf);
	v3 =	vadd.f32 v5, v3  }
0xb2: {  	v12 =	vnsel vm11, $0x0, v63  }
0xb3: {  	vm12 =	vge.f32 v8, v2;
	v3 =	vadd.f32 v12, v3;
	v8 =	vpop (erf)  }
0xb4: {  	v8 =	vnsel vm12, $0x0, v8  }
0xb5: {  	vm13 =	vge.f32 v6, v2;
	v3 =	vadd.f32 v8, v3;
	v6 =	vpop (erf)  }
0xb6: {  	v6 =	vnsel vm13, $0x0, v6  }
0xb7: {  	vm14 =	vge.f32 v10, v2;
	v3 =	vadd.f32 v6, v3;
	v10 =	vpop (erf)  }
0xb8: {  	[tilespmem:s14+$0x8020] =	vst v13;
	v10 =	vnsel vm14, $0x0, v10  }
0xb9: {  	[tilespmem:s14+$0x8070] =	vst v7;
	vm15 =	vge.f32 v4, v2;
	v3 =	vadd.f32 v10, v3;
	v2 =	vpop (erf)  }
0xba: {  	[tilespmem:s14+$0x8080] =	vst v9;
	v2 =	vnsel vm15, $0x0, v2  }
0xbb: {  	[tilespmem:s14+$0x8090] =	vst v11;
	v3 =	vadd.f32 v2, v3  }
0xbc: {  	[tilespmem:s14+$0x80A0] =	vst v5  }
0xbd: {  	[tilespmem:s14+$0x80B0] =	vst v12;
	(erf) = vrcp.f32 v3  }
0xbe: {  	[tilespmem:s14+$0x80C0] =	vst v8  }
0xbf: {  	[tilespmem:s14+$0x80D0] =	vst v6  }
0xc0: {  	[tilespmem:s14+$0x80E0] =	vst v10  }
0xc1: {  	s13 =	simm.s32 $0x0;
	[tilespmem:s14+$0x80F0] =	vst v2  }
0xc2: {  	v3 =	vld [tilespmem:s13+$0x8000]  }
0xc3: {  	v4 =	vld [tilespmem:s13+$0x8010]  }
0xc4: {  	v5 =	vld [tilespmem:s13+$0x8020]  }
0xc5: {  	v6 =	vld [tilespmem:s13+$0x8030]  }
0xc6: {  	v7 =	vld [tilespmem:s13+$0x8040];
	v2 =	vpop (erf)  }
0xc7: {  	v8 =	vld [tilespmem:s13+$0x8050];
	v3 =	vmul.f32 v3, v2  }
0xc8: {  	v9 =	vld [tilespmem:s13+$0x8060];
	v4 =	vmul.f32 v4, v2  }
0xc9: {  	v10 =	vld [tilespmem:s13+$0x8070];
	[tilespmem:s13+$0x8000] =	vst v3;
	v3 =	vmul.f32 v5, v2  }
0xca: {  	v11 =	vld [tilespmem:s13+$0x8080];
	[tilespmem:s13+$0x8010] =	vst v4;
	v4 =	vmul.f32 v6, v2  }
0xcb: {  	v12 =	vld [tilespmem:s13+$0x8090];
	[tilespmem:s13+$0x8020] =	vst v3;
	v3 =	vmul.f32 v7, v2  }
0xcc: {  	v5 =	vmul.f32 v8, v2;
	[tilespmem:s13+$0x8030] =	vst v4;
	v4 =	vld [tilespmem:s13+$0x80A0]  }
0xcd: {  	v6 =	vmul.f32 v9, v2;
	[tilespmem:s13+$0x8040] =	vst v3;
	v3 =	vld [tilespmem:s13+$0x80B0]  }
0xce: {  	[tilespmem:s13+$0x8050] =	vst v5;
	v5 =	vld [tilespmem:s13+$0x80C0];
	v7 =	vmul.f32 v10, v2  }
0xcf: {  	v9 =	vmul.f32 v11, v2;
	[tilespmem:s13+$0x8060] =	vst v6;
	v6 =	vld [tilespmem:s13+$0x80D0]  }
0xd0: {  	s14 =	simm.s32 $0x400;
	v8 =	vmul.f32 v12, v2;
	[tilespmem:s13+$0x8070] =	vst v7;
	v7 =	vld [tilespmem:s13+$0x80E0]  }
.LBB2_9:
0xd1: {  	s15 =	sshra.s32 s14, $0x2;
	p0 =	sne.s32 s14, $0x1FC00;
	[tilespmem:s13+$0x8080] =	vst v9;
	v4 =	vmul.f32 v4, v2;
	v9 =	vld [tilespmem:s13+$0x80F0]  }
0xd2: {  	v10 =	vld [tilespmem:s15+$0x8000];
	[tilespmem:s13+$0x8090] =	vst v8;
	v3 =	vmul.f32 v3, v2  }
0xd3: {  	v8 =	vld [tilespmem:s15+$0x8010];
	[tilespmem:s13+$0x80A0] =	vst v4;
	v4 =	vmul.f32 v5, v2  }
0xd4: {  	v5 =	vld [tilespmem:s15+$0x8020];
	[tilespmem:s13+$0x80B0] =	vst v3;
	v3 =	vmul.f32 v6, v2  }
0xd5: {  	v6 =	vld [tilespmem:s15+$0x8030];
	[tilespmem:s13+$0x80C0] =	vst v4;
	v4 =	vmul.f32 v7, v2  }
0xd6: {  	v7 =	vld [tilespmem:s15+$0x8040];
	[tilespmem:s13+$0x80D0] =	vst v3;
	v3 =	vmul.f32 v9, v2  }
0xd7: {  	v9 =	vmul.f32 v10, v2;
	v10 =	vld [tilespmem:s15+$0x8050];
	[tilespmem:s13+$0x80E0] =	vst v4  }
0xd8: {  	v4 =	vmul.f32 v8, v2;
	v8 =	vld [tilespmem:s15+$0x8060];
	[tilespmem:s13+$0x80F0] =	vst v3;
	s13 =	smov.u32 s15  }
0xd9: {  	[tilespmem:s13+$0x8000] =	vst v9;
	v3 =	vmul.f32 v5, v2;
	v5 =	vld [tilespmem:s13+$0x8070]  }
0xda: {  	[tilespmem:s13+$0x8010] =	vst v4;
	v4 =	vmul.f32 v6, v2;
	v6 =	vld [tilespmem:s13+$0x8080]  }
0xdb: {  	[tilespmem:s13+$0x8020] =	vst v3;
	v3 =	vmul.f32 v7, v2;
	v7 =	vld [tilespmem:s13+$0x8090]  }
.Ltmp3:
0xdc: {  	[tilespmem:s13+$0x8030] =	vst v4;
	v9 =	vmul.f32 v10, v2;
	v4 =	vld [tilespmem:s13+$0x80A0];
	(pc) =	sbr.rel @p0 .LBB2_9-.Ltmp3, $4  }
0xdd: {  	[tilespmem:s13+$0x8040] =	vst v3;
	v8 =	vmul.f32 v8, v2;
	v3 =	vld [tilespmem:s13+$0x80B0]  }
0xde: {  	[tilespmem:s13+$0x8050] =	vst v9;
	v10 =	vmul.f32 v5, v2;
	v5 =	vld [tilespmem:s13+$0x80C0]  }
0xdf: {  	[tilespmem:s13+$0x8060] =	vst v8;
	v9 =	vmul.f32 v6, v2;
	v6 =	vld [tilespmem:s13+$0x80D0]  }
0xe0: {  	s14 =	sadd.s32 $0x400, s14;
	[tilespmem:s13+$0x8070] =	vst v10;
	v8 =	vmul.f32 v7, v2;
	v7 =	vld [tilespmem:s13+$0x80E0]  }
0xe1: {  	[tilespmem:s13+$0x8080] =	vst v9;
	v4 =	vmul.f32 v4, v2;
	v61 =	vld [tilespmem:s13+$0x80F0]  }
0xe2: {  	[tilespmem:s13+$0x8090] =	vst v8;
	v3 =	vmul.f32 v3, v2  }
0xe3: {  	[tilespmem:s13+$0x80A0] =	vst v4;
	v62 =	vmul.f32 v5, v2  }
0xe4: {  	[tilespmem:s13+$0x80B0] =	vst v3;
	v3 =	vmul.f32 v6, v2  }
0xe5: {  	[tilespmem:s13+$0x80C0] =	vst v62;
	v63 =	vmul.f32 v7, v2  }
0xe6: {  	s11 =	sadd.s32 $0x1, s11;
	[tilespmem:s13+$0x80D0] =	vst v3;
	v2 =	vmul.f32 v61, v2  }
0xe7: {  	p0 =	sne.s32 s11, $0x8;
	[tilespmem:s13+$0x80E0] =	vst v63  }
.Ltmp4:
0xe8: {  	s12 =	sadd.s32 s1, s12;
	[tilespmem:s13+$0x80F0] =	vst v2;
	(pc) =	sbr.rel @p0 .LBB2_2-.Ltmp4, $4  }
0xe9: {  	[hbm4b:s12+s7] =	stream.strided.scatter [tilespmem:s10], [sflag:$0x1], $0x8000, s8, s7, $0x38;
	[tilespmem:$0x10000] =	vst v63  }
0xea: {  	_ =	swait.ge [sflag:s9], $0x8000  }
0xeb: {  	[sflag:s9] =	ssyncset.done $0x0  }
0xec: {  	[sflag:s9] =	ssyncadd.s32 $0xFFFF8000  }
0xed: {  	s2 =	sadd.s32 $0x1, s2  }
0xee: {  	p0 =	sne.s32 s2, s6  }
.Ltmp5:
0xef: {  	_ = 	snop;
	(pc) =	sbr.rel @p0 .LBB2_1-.Ltmp5, $1  }
0xf0: {  	_ =	sdelay $0x3  }
0xf1: {  	_ =	sfence.sel $0x180000  }
0xf2: {  	[bflag:$0x0] =	sbarrier.arrive $0xFFFF  }
0xf3: {  	p0 =	sne.s32 s3, $0x0;
	_ =	strace $0x9000004D  }
0xf4: {  	s0 =	sadd.s32 @!p0 $0x100000, s0;
	[bflag:$0x2] =	sbarrier.arrive $0xFFFF  }
0xf5: {  	[sflag:s0] =	ssyncadd.tile.s32 @!p0 $0x1;
	_ =	shalt  }
.Lfunc_end2:
_tile_overlayer_lowered:
.L_overlay_start_2:
0xf6: {  	(tag) =	ssettag $0x2  }
0xf7: {  	s0 =	rddreg [dreg:$0x0];
	s2 =	stileid.u32  }
0xf8: {  	s1 =	rddreg [dreg:$0x1];
	p0 =	sne.s32 s2, $0x0  }
0xf9: {  	s3 =	rddreg [dreg:$0x2];
	[bflag:$0x3] =	sbarrier.arrive $0xFFFF;
	s2 =	simm.s32 @!p0 $0x1C01  }
0xfa: {  	[timem:s3], [sflag:s2] =	dma.local @!p0 [hbm:s0], s1  }
0xfb: {  	s0 =	simm.s32 @!p0 $0x1  }
0xfc: {  	_ =	swait.ge @!p0 [sflag:s0], s1  }
0xfd: {  	s1 =	ssub.s32 @!p0 $0x0, s1;
	[sflag:s0] =	ssyncset.done @!p0 $0x0  }
0xfe: {  	[sflag:s0] =	ssyncadd.s32 @!p0 s1  }
0xff: {  	[bflag:$0x3] =	sbarrier.arrive $0xFFFF  }
0x100: {  	_ =	shalt  }

// kernel: sparse-core-data-format-call.1.cloned.1.call-start
scs
called_computation.1_lowered:
.L_overlay_start_0:
0x0: {  	s1 =	sld [smem:$0x3FD9]  }
0x1: {  	s2 =	sld [smem:$0x3FFE];
	_ =	sdelay $0x1  }
0x2: {  	s3 =	srdreg.scid  }
0x3: {  	s0 =	sand.u32 $0x1, s3  }
0x4: {  	s17 =	sshll.u32 s0, $0xA;
	s1 =	sadd.s32 s2, s1  }
0x5: {  	s1 =	sadd.s32 s1, s17  }
0x6: {  	[smem:$0x3FC7] =	sst s1  }
0x7: {  	_ = 	snop  }
0x8: {  	(tm) =	ssettm $0x1  }
0x9: {  	s18 =	sld [smem:$0x3FFB];
	_ =	sdelay $0x3  }
0xa: {  	_ =	strace s18  }
0xb: {  	s1 =	sld [smem:$0x3FFC];
	_ =	sdelay $0x3  }
0xc: {  	_ =	strace s1  }
0xd: {  	s1 =	sld [smem:$0x3FFD];
	_ =	sdelay $0x3  }
0xe: {  	_ =	strace s1  }
0xf: {  	_ =	strace $0x8FFFFFFF  }
0x10: {  	s19 =	sld [smem:$0x3FDB];
	_ =	sdelay $0x1  }
0x11: {  	s20 =	simm.s32 $_scs_section_size  }
0x12: {  	s4 =	simm.s32 $_size__tile_overlayer_lowered;
	s5 =	simm.s32 $_tile_overlayer_lowered  }
0x13: {  	s23 =	simm.s32 $0x1BFF;
	s22 =	sshll.u32 s5, $0x1;
	s1 =	sadd.s32 s20, s19  }
0x14: {  	s6 =	simm.s32 $0x0;
	s21 =	sshll.u32 s4, $0x1;
	s4 =	sadd.s32 s22, s1  }
0x15: {  	[timem:s6], [sflag:s23] =	dma.local [hbm:s4], s21  }
0x16: {  	_ =	swait.ge [sflag:s23], s21  }
0x17: {  	s2 =	ssub.s32 $0x0, s21;
	[sflag:s23] =	ssyncset.done $0x0  }
0x18: {  	[sflag:s23] =	ssyncadd.s32 s2;
	_ =	sdelay $0x1  }
0x19: {  	s24 =	simm.s32 $0x1B8B  }
0x1a: {  	_ =	swait.ge [sflag:s24], $0x1  }
0x1b: {  	[sflag:s24] =	ssyncset.done $0x0  }
0x1c: {  	s26 =	simm.s32 $0x1B8E;
	s25 =	sld [smem:$0x3FFE];
	[sflag:s24] =	ssyncadd.s32 $0xFFFFFFFF  }
0x1d: {  	s27 =	simm.s32 $execute0_lowered;
	[smem:$0x3FD2] =	sst s26  }
0x1e: {  	s4 =	sshll.u32 s27, $0x1;
	_ =	strace $0x80000049;
	[dreg:$0x1] =	wrdreg $0xFFFFFFFF  }
0x1f: {  	s28 =	simm.s32 $_size_execute0_lowered;
	s1 =	sadd.s32 s1, s4;
	[dreg:$0x0] =	wrdreg $0x0  }
0x20: {  	s4 =	sshll.u32 s28, $0x1;
	[dreg:$0x2] =	wrdreg s1  }
0x21: {  	[dreg:$0x3] =	wrdreg s4  }
0x22: {  	[dreg:$0x4] =	wrdreg $0xC0  }
0x23: {  	_ =	task [dreg:s6], $0x5FFFF  }
0x24: {  	[dreg:$0x1] =	wrdreg $0xFFFFFFFF  }
0x25: {  	[dreg:$0x0] =	wrdreg $0x60  }
0x26: {  	[dreg:$0x2] =	wrdreg s25  }
0x27: {  	[dreg:$0x3] =	wrdreg $0x9  }
0x28: {  	_ =	task.clear_ibuf [dreg:s6], $0x4FFFF;
	_ =	strace $0x90000049  }
0x29: {  	s29 =	simm.s32 $0x9;
	_ =	strace $0x8000004B  }
0x2a: {  	_ =	swait.ge [sflag:s29], $0x1  }
0x2b: {  	[sflag:s29] =	ssyncadd.s32 $0xFFFFFFFF  }
0x2c: {  	_ =	strace $0x9000004B  }
0x2d: {  	_ =	sfence  }
0x2e: {  	s30 =	sld [smem:$0x0];
	_ =	sdelay $0x2  }
0x2f: {  	s31 =	sshll.u32 s3, $0xD;
	s3 =	sshrl.u32 s3, $0x2  }
0x30: {  	s2 =	sand.u32 $0x4000, s31;
	s1 =	sadd.s32 s3, s30  }
0x31: {  	s0 =	sor.u32 s2, s0;
	s1 =	sshll.u32 s1, $0x11  }
0x32: {  	s0 =	sor.u32 s1, s0  }
0x33: {  	s0 =	sadd.s32 $0x8F2B, s0  }
0x34: {  	[sflag:s0] =	ssyncadd.remote.s32 $0x1  }
0x35: {  	_ =	sfence.sel $0xFFFF  }
0x36: {  	[dreg:$0x0] =	wrdreg $0xFFFFFFFF;
	(pc) =	sbr.abs _section_cstart, $3  }
0x37: {  	[dreg:$0x1] =	wrdreg $0xFFFFFFFF  }
0x38: {  	_ =	task.clear_ibuf [dreg:s6], $0x2FFFF;
	_ =	strace $0x9FFFFFFF  }
0x39: {  	(tm) =	ssettm $0x7FFFFFFF  }
tec
execute0_lowered:
.L_overlay_start_1:
0x0: {  	(tag) =	ssettag $0x1  }
0x1: {  	s1 =	rddreg [dreg:$0x0]  }
0x2: {  	s0 =	rddreg [dreg:$0x1]  }
0x3: {  	_ =	strace $0x8000004A;
	s4 =	srdreg.scid;
	s6 =	simm.s32 $0x2  }
0x4: {  	s11 =	simm.s32 $0x0;
	p0 =	por $0x0, $0x0;
	s7 =	simm.s32 $0x1000  }
.Ltmp0:
0x5: {  	s12 =	simm.s32 $0x0;
	s9 =	simm.s32 $0x0;
	(pc) =	sbr.rel .LBB1_1-.Ltmp0, $4  }
0x6: {  	s2 =	sadd.s32 $0x1200, s1;
	s3 =	sadd.s32 $0x101200, s1;
	s5 =	sshll.u32 s4, $0x4  }
0x7: {  	s1 =	stileid.u32;
	s4 =	simm.s32 $0x1;
	s5 =	sand.u32 $0x10, s5  }
0x8: {  	s8 =	simm.s32 $0x0;
	[sflag:s4] =	ssyncpa.u1 $0x0;
	s5 =	sor.u32 s1, s5  }
0x9: {  	[sflag:s6] =	ssyncpa.u1 $0x0;
	s6 =	simm.s32 $0x800;
	s10 =	smov.u32 s5  }
.LBB1_7:
0xa: {  	s13 =	sadd.s32 $0x10, s9  }
0xb: {  	s11 =	sadd.s32 $0x20, s10;
	s15 =	smov.u32 s10;
	p2 =	sgt.s32 s13, $0x1F  }
0xc: {  	p1 =	slt.u32 s8, $0x2;
	s15 =	smov.u32 @p2 s11  }
0xd: {  	s8 =	sadd.s32 $0x1, s8;
	s13 =	simm.s32 @p2 $0x0;
	p2 =	sgt.s32 s15, $0xFF  }
0xe: {  	s15 =	smov.u32 @p2 s5;
	p2 =	sne.s32 s8, $0x12  }
.Ltmp1:
0xf: {  	_ = 	snop;
	(pc) =	sbr.rel @!p2 .LBB1_8-.Ltmp1, $4  }
0x10: {  	s14 =	simm.s32 @!p1 $0x2  }
0x11: {  	s12 =	smov.u32 s10;
	_ =	swait.ge @!p1 [sflag:s14], $0x4000  }
0x12: {  	p0 =	por !p0, !p0;
	s11 =	smov.u32 s9;
	[sflag:s14] =	ssyncset.done @!p1 $0x0  }
0x13: {  	s9 =	smov.u32 s13;
	[sflag:s14] =	ssyncadd.s32 @!p1 $0xFFFFC000;
	s10 =	smov.u32 s15  }
.LBB1_1:
0x14: {  	p1 =	sgt.u32 s8, $0xF  }
0x15: {  	s13 =	sxor.u32 @!p1 $0xFFFFFFFF, s8;
	s14 =	sshll.u32 @!p1 s10, $0xC  }
0x16: {  	s15 =	sshll.u32 @!p1 s9, $0x7;
	s13 =	sshll.u32 @!p1 s13, $0xE;
	s14 =	sadd.s32 @!p1 s2, s14  }
0x17: {  	s13 =	sand.u32 @!p1 $0x4000, s13;
	s14 =	sadd.s32 @!p1 s15, s14;
	s15 =	simm.s32 @!p1 $0x0  }
0x18: {  	[tilespmem:s13], [sflag:$0x1] =	stream.linear.gather @!p1 [hbm4b:s14+s15], $0x4000, $0x38;
	[tilespmem:$0x10000] =	vst v63  }
0x19: {  	p1 =	seq.s32 s8, $0x0  }
0x1a: {  	p2 =	seq.s32 @!p1 s8, $0x11  }
0x1b: {  	p1 =	por p1, p2  }
.Ltmp2:
0x1c: {  	_ = 	snop;
	(pc) =	sbr.rel @p1 .LBB1_7-.Ltmp2, $1  }
0x1d: {  	_ =	sdelay $0x3  }
0x1e: {  	s13 =	simm.s32 $0x1;
	_ =	swait.ge [sflag:s4], $0x4000;
	s16 =	sshll.u32 s8, $0xE  }
0x1f: {  	s13 =	simm.s32 @!p0 $0x0;
	[sflag:s4] =	ssyncset.done $0x0;
	s31 =	sand.u32 $0x4000, s16  }
0x20: {  	s16 =	simm.s32 $0x0;
	s14 =	sshll.u32 s13, $0xE;
	[sflag:s4] =	ssyncadd.s32 $0xFFFFC000  }
0x21: {  	s13 =	sor.u32 $0x8040, s14;
	s15 =	sor.u32 $0x40, s14;
	s14 =	sor.u32 $0x8000, s31  }
.LBB1_3:
0x22: {  	v0 =	vmov s15;
	_ =	sdelay $0x3  }
0x23: {  	s18 =	simm.s32 $0x0  }
0x24: {  	v6 =	vld.idx.msk [tilespmem:v0+s18+$0x30 ss:$0x1], $0xffff  }
0x25: {  	v7 =	vld.idx.msk [tilespmem:v0+s18+$0xFFFFFFC0 ss:$0x1], $0xffff  }
0x26: {  	v5 =	vld.idx.msk [tilespmem:v0+s18+$0xFFFFFFD0 ss:$0x1], $0xffff  }
0x27: {  	v4 =	vld.idx.msk [tilespmem:v0+s18+$0xFFFFFFE0 ss:$0x1], $0xffff  }
0x28: {  	v3 =	vld.idx.msk [tilespmem:v0+s18+$0xFFFFFFF0 ss:$0x1], $0xffff  }
0x29: {  	v1 =	vld.idx.msk [tilespmem:v0+s18+$0x0 ss:$0x1], $0xffff  }
0x2a: {  	v2 =	vld.idx.msk [tilespmem:v0+s18+$0x10 ss:$0x1], $0xffff;
	[tilespmem:s13+$0x30] =	vst v6  }
0x2b: {  	s17 =	simm.s32 $0x80;
	s19 =	simm.s32 $0x400;
	[tilespmem:s13+$0xFFFFFFC0] =	vst v7;
	v6 =	vld.idx.msk [tilespmem:v0+s18+$0x20 ss:$0x1], $0xffff;
	s18 =	smov.u32 s13  }
.LBB1_4:
0x2c: {  	p1 =	sne.s32 s19, $0xE00;
	v7 =	vld.idx.msk [tilespmem:v0+s17+$0x30 ss:$0x1], $0xffff;
	[tilespmem:s18+$0xFFFFFFD0] =	vst v5  }
0x2d: {  	v8 =	vld.idx.msk [tilespmem:v0+s17+$0xFFFFFFC0 ss:$0x1], $0xffff;
	[tilespmem:s18+$0xFFFFFFE0] =	vst v4  }
0x2e: {  	v5 =	vld.idx.msk [tilespmem:v0+s17+$0xFFFFFFD0 ss:$0x1], $0xffff;
	[tilespmem:s18+$0xFFFFFFF0] =	vst v3  }
.Ltmp3:
0x2f: {  	v4 =	vld.idx.msk [tilespmem:v0+s17+$0xFFFFFFE0 ss:$0x1], $0xffff;
	[tilespmem:s18+$0x0] =	vst v1;
	(pc) =	sbr.rel @p1 .LBB1_4-.Ltmp3, $4  }
0x30: {  	v3 =	vld.idx.msk [tilespmem:v0+s17+$0xFFFFFFF0 ss:$0x1], $0xffff;
	[tilespmem:s18+$0x10] =	vst v2  }
0x31: {  	v1 =	vld.idx.msk [tilespmem:v0+s17+$0x0 ss:$0x1], $0xffff;
	[tilespmem:s18+$0x20] =	vst v6;
	s18 =	sadd.s32 $0x800, s18  }
0x32: {  	v2 =	vld.idx.msk [tilespmem:v0+s17+$0x10 ss:$0x1], $0xffff;
	[tilespmem:s18+$0x30] =	vst v7  }
0x33: {  	[tilespmem:s18+$0xFFFFFFC0] =	vst v8;
	v6 =	vld.idx.msk [tilespmem:v0+s17+$0x20 ss:$0x1], $0xffff;
	s17 =	sshra.s32 s19, $0x2;
	s19 =	sadd.s32 $0x200, s19  }
0x34: {  	_ =	sdelay $0x2  }
0x35: {  	[tilespmem:s18+$0xFFFFFFD0] =	vst v5  }
0x36: {  	v56 =	vld.idx.msk [tilespmem:v0+s17+$0x30 ss:$0x1], $0xffff;
	[tilespmem:s18+$0xFFFFFFE0] =	vst v4  }
0x37: {  	v57 =	vld.idx.msk [tilespmem:v0+s17+$0xFFFFFFC0 ss:$0x1], $0xffff;
	[tilespmem:s18+$0xFFFFFFF0] =	vst v3  }
0x38: {  	v58 =	vld.idx.msk [tilespmem:v0+s17+$0xFFFFFFD0 ss:$0x1], $0xffff;
	[tilespmem:s18+$0x0] =	vst v1  }
0x39: {  	v59 =	vld.idx.msk [tilespmem:v0+s17+$0xFFFFFFE0 ss:$0x1], $0xffff;
	[tilespmem:s18+$0x10] =	vst v2  }
0x3a: {  	v60 =	vld.idx.msk [tilespmem:v0+s17+$0xFFFFFFF0 ss:$0x1], $0xffff;
	s31 =	sadd.s32 $0x800, s18;
	[tilespmem:s18+$0x20] =	vst v6  }
0x3b: {  	v61 =	vld.idx.msk [tilespmem:v0+s17+$0x0 ss:$0x1], $0xffff;
	[tilespmem:s31+$0x30] =	vst v56  }
0x3c: {  	v62 =	vld.idx.msk [tilespmem:v0+s17+$0x10 ss:$0x1], $0xffff;
	s16 =	sadd.s32 $0x1, s16;
	[tilespmem:s31+$0xFFFFFFC0] =	vst v57  }
0x3d: {  	v63 =	vld.idx.msk [tilespmem:v0+s17+$0x20 ss:$0x1], $0xffff;
	p1 =	sne.s32 s16, $0x10;
	[tilespmem:s31+$0xFFFFFFD0] =	vst v58  }
.Ltmp4:
0x3e: {  	[tilespmem:s31+$0xFFFFFFE0] =	vst v59;
	(pc) =	sbr.rel @p1 .LBB1_3-.Ltmp4, $4  }
0x3f: {  	[tilespmem:s31+$0xFFFFFFF0] =	vst v60  }
0x40: {  	[tilespmem:s31+$0x0] =	vst v61  }
0x41: {  	[tilespmem:s31+$0x10] =	vst v62  }
0x42: {  	s13 =	sadd.s32 $0x80, s13;
	s15 =	sadd.s32 $0x400, s15;
	[tilespmem:s31+$0x20] =	vst v63  }
.Ltmp5:
0x43: {  	(pc) =	sbr.rel .LBB1_7-.Ltmp5, $4  }
0x44: {  	s12 =	sshll.u32 s12, $0xC;
	s11 =	sshll.u32 s11, $0x4  }
0x45: {  	s11 =	sand.u32 $0x1F0, s11;
	s12 =	sadd.s32 s3, s12  }
0x46: {  	s11 =	sadd.s32 s11, s12  }
0x47: {  	[hbm4b:s11+s6] =	stream.strided.scatter [tilespmem:s14], [sflag:$0x2], $0x4000, s7, s6, $0x38;
	[tilespmem:$0x10000] =	vst v63  }
.LBB1_8:
0x48: {  	_ =	sfence.sel $0x180000  }
0x49: {  	s2 =	simm.s32 $0x1;
	[bflag:$0x0] =	sbarrier.arrive $0xFFFF  }
0x4a: {  	s31 =	simm.s32 $0x2;
	[sflag:s2] =	ssyncpa.u1 $0x1  }
0x4b: {  	[sflag:s31] =	ssyncpa.u1 $0x1  }
0x4c: {  	p0 =	sne.s32 s1, $0x0;
	_ =	strace $0x9000004A  }
0x4d: {  	s0 =	sadd.s32 @!p0 $0x100000, s0;
	[bflag:$0x2] =	sbarrier.arrive $0xFFFF  }
0x4e: {  	[sflag:s0] =	ssyncadd.tile.s32 @!p0 $0x1;
	_ =	shalt  }
.Lfunc_end1:
_tile_overlayer_lowered:
.L_overlay_start_2:
0x4f: {  	(tag) =	ssettag $0x2  }
0x50: {  	s0 =	rddreg [dreg:$0x0];
	s2 =	stileid.u32  }
0x51: {  	s1 =	rddreg [dreg:$0x1];
	p0 =	sne.s32 s2, $0x0  }
0x52: {  	s3 =	rddreg [dreg:$0x2];
	[bflag:$0x3] =	sbarrier.arrive $0xFFFF;
	s2 =	simm.s32 @!p0 $0x1C01  }
0x53: {  	[timem:s3], [sflag:s2] =	dma.local @!p0 [hbm:s0], s1  }
0x54: {  	s0 =	simm.s32 @!p0 $0x1  }
0x55: {  	_ =	swait.ge @!p0 [sflag:s0], s1  }
0x56: {  	s1 =	ssub.s32 @!p0 $0x0, s1;
	[sflag:s0] =	ssyncset.done @!p0 $0x0  }
0x57: {  	[sflag:s0] =	ssyncadd.s32 @!p0 s1  }
0x58: {  	[bflag:$0x3] =	sbarrier.arrive $0xFFFF  }
0x59: {  	_ =	shalt  }

// kernel: sparse-core-data-format-call.2.cloned.1.call-start
scs
called_computation.2_lowered:
.L_overlay_start_0:
0x0: {  	s2 =	sld [smem:$0x3FD9]  }
0x1: {  	s3 =	sld [smem:$0x3FFE];
	_ =	sdelay $0x1  }
0x2: {  	s1 =	srdreg.scid  }
0x3: {  	s0 =	sand.u32 $0x1, s1  }
0x4: {  	s18 =	sshll.u32 s0, $0xA;
	s2 =	sadd.s32 s3, s2  }
0x5: {  	s2 =	sadd.s32 s2, s18  }
0x6: {  	[smem:$0x3FC7] =	sst s2  }
0x7: {  	_ = 	snop  }
0x8: {  	s2 =	sld [smem:$0x3FD0];
	(tm) =	ssettm $0x1  }
0x9: {  	s19 =	sld [smem:$0x3FFB];
	_ =	sdelay $0x3  }
0xa: {  	_ =	strace s19  }
0xb: {  	s3 =	sld [smem:$0x3FFC];
	_ =	sdelay $0x3  }
0xc: {  	_ =	strace s3  }
0xd: {  	s3 =	sld [smem:$0x3FFD];
	_ =	sdelay $0x3  }
0xe: {  	_ =	strace s3  }
0xf: {  	_ =	strace $0x8FFFFFFF  }
0x10: {  	s20 =	sld [smem:$0x3FDB];
	_ =	sdelay $0x1  }
0x11: {  	s4 =	simm.s32 $_scs_section_size  }
0x12: {  	s5 =	simm.s32 $_size__tile_overlayer_lowered;
	s6 =	simm.s32 $_tile_overlayer_lowered  }
0x13: {  	s23 =	simm.s32 $0x1BFF;
	s22 =	sshll.u32 s6, $0x1;
	s3 =	sadd.s32 s4, s20  }
0x14: {  	s7 =	simm.s32 $0x0;
	s21 =	sshll.u32 s5, $0x1;
	s5 =	sadd.s32 s22, s3  }
0x15: {  	[timem:s7], [sflag:s23] =	dma.local [hbm:s5], s21  }
0x16: {  	_ =	swait.ge [sflag:s23], s21  }
0x17: {  	s4 =	ssub.s32 $0x0, s21;
	[sflag:s23] =	ssyncset.done $0x0  }
0x18: {  	[sflag:s23] =	ssyncadd.s32 s4;
	_ =	sdelay $0x1  }
0x19: {  	s24 =	simm.s32 $0x1B8B  }
0x1a: {  	_ =	swait.ge [sflag:s24], $0x1  }
0x1b: {  	[sflag:s24] =	ssyncset.done $0x0  }
0x1c: {  	s26 =	simm.s32 $0x1B8E;
	s25 =	sld [smem:$0x3FFE];
	[sflag:s24] =	ssyncadd.s32 $0xFFFFFFFF  }
0x1d: {  	s27 =	simm.s32 $execute0_lowered;
	[smem:$0x3FD2] =	sst s26  }
0x1e: {  	s5 =	sshll.u32 s27, $0x1;
	_ =	strace $0x80000046;
	[dreg:$0x1] =	wrdreg $0xFFFFFFFF  }
0x1f: {  	s28 =	simm.s32 $_size_execute0_lowered;
	s3 =	sadd.s32 s3, s5;
	[dreg:$0x0] =	wrdreg $0x0  }
0x20: {  	s5 =	sshll.u32 s28, $0x1;
	[dreg:$0x2] =	wrdreg s3  }
0x21: {  	[dreg:$0x3] =	wrdreg s5  }
0x22: {  	[dreg:$0x4] =	wrdreg $0xC0  }
0x23: {  	_ =	task [dreg:s7], $0x5FFFF  }
0x24: {  	[dreg:$0x1] =	wrdreg $0xFFFFFFFF  }
0x25: {  	[dreg:$0x0] =	wrdreg $0x60  }
0x26: {  	[dreg:$0x2] =	wrdreg s2  }
0x27: {  	[dreg:$0x3] =	wrdreg s25  }
0x28: {  	[dreg:$0x4] =	wrdreg $0x9  }
0x29: {  	_ =	task.clear_ibuf [dreg:s7], $0x5FFFF;
	_ =	strace $0x90000046  }
0x2a: {  	s29 =	simm.s32 $0x9;
	_ =	strace $0x80000048  }
0x2b: {  	_ =	swait.ge [sflag:s29], $0x1  }
0x2c: {  	[sflag:s29] =	ssyncadd.s32 $0xFFFFFFFF  }
0x2d: {  	_ =	strace $0x90000048  }
0x2e: {  	_ =	sfence  }
0x2f: {  	s30 =	sld [smem:$0x0];
	_ =	sdelay $0x2  }
0x30: {  	s31 =	sshll.u32 s1, $0xD;
	s1 =	sshrl.u32 s1, $0x2  }
0x31: {  	s3 =	sand.u32 $0x4000, s31;
	s1 =	sadd.s32 s1, s30  }
0x32: {  	s0 =	sor.u32 s3, s0;
	s1 =	sshll.u32 s1, $0x11  }
0x33: {  	s0 =	sor.u32 s1, s0  }
0x34: {  	s0 =	sadd.s32 $0x8F2B, s0  }
0x35: {  	[sflag:s0] =	ssyncadd.remote.s32 $0x1  }
0x36: {  	_ =	sfence.sel $0xFFFF  }
0x37: {  	[dreg:$0x0] =	wrdreg $0xFFFFFFFF;
	(pc) =	sbr.abs _section_cstart, $3  }
0x38: {  	[dreg:$0x1] =	wrdreg $0xFFFFFFFF  }
0x39: {  	_ =	task.clear_ibuf [dreg:s7], $0x2FFFF;
	_ =	strace $0x9FFFFFFF  }
0x3a: {  	(tm) =	ssettm $0x7FFFFFFF  }
0x3b: {  	_ =	shalt  }
tec
execute0_lowered:
.L_overlay_start_1:
0x0: {  	(tag) =	ssettag $0x1  }
0x1: {  	s0 =	srdreg.scid  }
0x2: {  	s1 =	sshll.u32 s0, $0x4  }
0x3: {  	s3 =	rddreg [dreg:$0x0];
	s0 =	stileid.u32;
	s1 =	sand.u32 $0x10, s1  }
0x4: {  	s6 =	rddreg [dreg:$0x1];
	s5 =	simm.s32 $0x1;
	s1 =	sor.u32 s0, s1  }
0x5: {  	s31 =	simm.s32 $0x2;
	s13 =	simm.s32 $0x0;
	s2 =	sshll.u32 s1, $0x7  }
0x6: {  	s8 =	simm.s32 $0x8000;
	s12 =	simm.s32 $0x0;
	s4 =	ssub.s32 $0x1000, s2  }
0x7: {  	s9 =	simm.s32 $0x0;
	s11 =	simm.s32 $0x0;
	s30 =	sand.u32 $0xF80, s4  }
.Ltmp0:
0x8: {  	s6 =	sadd.s32 $0x1200, s6;
	p0 =	sne.s32 s30, $0x0;
	(pc) =	sbr.rel .LBB1_1-.Ltmp0, $4  }
0x9: {  	s1 =	rddreg [dreg:$0x2];
	s7 =	sshrl.u32 s4, $0xC;
	s5 =	simm.s32 @!p0 $0x0  }
0xa: {  	_ =	strace $0x80000047;
	s4 =	simm.s32 $0x1;
	s5 =	sadd.s32 s5, s7  }
0xb: {  	s10 =	smov.u32 s2;
	[sflag:s4] =	ssyncpa.u1 $0x0;
	s5 =	sshll.u32 s5, $0x4  }
0xc: {  	[sflag:s31] =	ssyncpa.u1 $0x0;
	p0 =	por $0x0, $0x0;
	s7 =	sor.u32 $0x1, s5  }
.LBB1_4:
0xd: {  	v5 =	vld [tilespmem:s16+$0xFFFFFFD0]  }
0xe: {  	[tilespmem:s17+$0x2040 ss:$0x81] =	vst.msk $0xffff, v1;
	v58 =	vld [tilespmem:s16+$0xFFFFFFE0]  }
0xf: {  	[tilespmem:s17+$0x2850 ss:$0x81] =	vst.msk $0xffff, v2;
	v59 =	vld [tilespmem:s16+$0xFFFFFFF0]  }
0x10: {  	s18 =	sshra.s32 s18, $0x2;
	[tilespmem:s17+$0x3060 ss:$0x81] =	vst.msk $0xffff, v3;
	v60 =	vld [tilespmem:s16+$0x0]  }
0x11: {  	[tilespmem:s17+$0x0 ss:$0x81] =	vst.msk $0xffff, v0;
	v61 =	vld [tilespmem:s16+$0x10];
	s15 =	sadd.s32 s18, s15  }
0x12: {  	s26 =	sshll.u32 s13, $0xC;
	v62 =	vld [tilespmem:s16+$0x20];
	[tilespmem:s15+$0x3870 ss:$0x81] =	vst.msk $0xffff, v4  }
0x13: {  	s27 =	sand.u32 $0x78, s12;
	s19 =	sshll.u32 s12, $0x3;
	v63 =	vld [tilespmem:s16+$0xFFFFFFC0];
	s29 =	sshll.u32 s13, $0x7;
	[tilespmem:s15+$0x810 ss:$0x81] =	vst.msk $0xffff, v5  }
0x14: {  	s17 =	sand.u32 $0x7F8000, s26;
	s28 =	sand.u32 $0x7FFC00, s19;
	s19 =	sand.u32 $0xC00, s19;
	[tilespmem:s15+$0x1020 ss:$0x81] =	vst.msk $0xffff, v58  }
0x15: {  	s13 =	sand.u32 $0x380, s29;
	s16 =	sadd.s32 s28, s17;
	s30 =	sor.u32 s27, s19;
	[tilespmem:s15+$0x1830 ss:$0x81] =	vst.msk $0xffff, v59  }
0x16: {  	s16 =	sand.u32 $0x7FF000, s16;
	s13 =	sor.u32 s13, s30;
	[tilespmem:s15+$0x2040 ss:$0x81] =	vst.msk $0xffff, v60  }
0x17: {  	s31 =	sand.u32 $0x7, s12;
	s13 =	sor.u32 s16, s13;
	[tilespmem:s15+$0x2850 ss:$0x81] =	vst.msk $0xffff, v61  }
0x18: {  	s12 =	sshll.u32 s31, $0x12;
	[tilespmem:s15+$0x3060 ss:$0x81] =	vst.msk $0xffff, v62;
	s13 =	sshrl.u32 s13, $0x3  }
0x19: {  	s12 =	sor.u32 $0x400, s12;
	[tilespmem:s15+$0x0 ss:$0x81] =	vst.msk $0xffff, v63;
	s13 =	sadd.s32 s6, s13  }
0x1a: {  	[hbm4b:s13+s12] =	stream.strided.scatter [tilespmem:s14], [sflag:$0x2], $0x4000, s8, s12, $0x20;
	[tilespmem:$0x10100] =	vst v63  }
.LBB1_5:
0x1b: {  	s14 =	sadd.s32 $0x80, s9  }
0x1c: {  	s12 =	sadd.s32 $0x1000, s10;
	s16 =	smov.u32 s10;
	p2 =	sgt.s32 s14, $0x7FF  }
0x1d: {  	s16 =	smov.u32 @p2 s12  }
0x1e: {  	s14 =	simm.s32 @p2 $0x0;
	p2 =	sgt.s32 s16, $0xFFF  }
0x1f: {  	s16 =	smov.u32 @p2 s2;
	p2 =	sne.s32 s11, s7  }
.Ltmp1:
0x20: {  	p1 =	slt.u32 s11, $0x2;
	(pc) =	sbr.rel @!p2 .LBB1_6-.Ltmp1, $4  }
0x21: {  	s15 =	simm.s32 @!p1 $0x2  }
0x22: {  	s13 =	smov.u32 s9;
	p0 =	por !p0, !p0;
	_ =	swait.ge @!p1 [sflag:s15], $0x4000  }
0x23: {  	s12 =	smov.u32 s10;
	[sflag:s15] =	ssyncset.done @!p1 $0x0;
	s9 =	smov.u32 s14  }
0x24: {  	s11 =	sadd.s32 $0x1, s11;
	[sflag:s15] =	ssyncadd.s32 @!p1 $0xFFFFC000;
	s10 =	smov.u32 s16  }
.LBB1_1:
0x25: {  	p1 =	sge.u32 s11, s5;
	s31 =	sadd.s32 $0xFFFFFFFF, s11  }
0x26: {  	s14 =	sand.u32 @!p1 $0x78, s9;
	s15 =	sshll.u32 @!p1 s10, $0xB;
	s16 =	sshll.u32 @!p1 s10, $0x7  }
0x27: {  	s17 =	sshll.u32 @!p1 s9, $0x3;
	s15 =	sand.u32 @!p1 $0x7FC000, s15;
	s16 =	sand.u32 @!p1 $0x380, s16  }
0x28: {  	s15 =	sadd.s32 @!p1 s15, s17;
	s17 =	sand.u32 @!p1 $0x400, s17;
	s14 =	sor.u32 @!p1 s16, s14  }
0x29: {  	s16 =	sxor.u32 @!p1 $0xFFFFFFFF, s11;
	s15 =	sand.u32 @!p1 $0x7FF800, s15;
	s14 =	sor.u32 @!p1 s17, s14  }
0x2a: {  	s16 =	sshll.u32 @!p1 s16, $0xE;
	s14 =	sor.u32 @!p1 s15, s14;
	s15 =	sand.u32 @!p1 $0x7, s9  }
0x2b: {  	s17 =	simm.s32 @!p1 $0x4000;
	s14 =	sshrl.u32 @!p1 s14, $0x3;
	s15 =	sshll.u32 @!p1 s15, $0x12  }
0x2c: {  	s16 =	sand.u32 @!p1 $0x4000, s16;
	s14 =	sadd.s32 @!p1 s3, s14;
	s15 =	sor.u32 @!p1 $0x400, s15  }
0x2d: {  	[tilespmem:s16], [sflag:$0x1] =	stream.strided.gather @!p1 [hbm4b:s14+s15], $0x4000, s17, s15, $0x38;
	[tilespmem:$0x10100] =	vst v63  }
0x2e: {  	p1 =	sge.u32 s31, s5  }
.Ltmp2:
0x2f: {  	_ = 	snop;
	(pc) =	sbr.rel @p1 .LBB1_5-.Ltmp2, $1  }
0x30: {  	_ =	sdelay $0x3  }
0x31: {  	s14 =	simm.s32 $0x1  }
0x32: {  	_ =	swait.ge [sflag:s4], $0x4000;
	s14 =	simm.s32 @!p0 $0x0  }
0x33: {  	[sflag:s4] =	ssyncset.done $0x0;
	s15 =	sshll.u32 s14, $0xE  }
0x34: {  	[sflag:s4] =	ssyncadd.s32 $0xFFFFC000;
	s16 =	sor.u32 $0x40, s15  }
0x35: {  	s14 =	smul.u32 $0x10200, s14;
	v0 =	vld [tilespmem:s16+$0x30]  }
0x36: {  	v3 =	vld [tilespmem:s16+$0xFFFFFFD0]  }
0x37: {  	s14 =	sshrl.u32 s14, $0x2;
	v4 =	vld [tilespmem:s16+$0xFFFFFFE0]  }
0x38: {  	v5 =	vld [tilespmem:s16+$0xFFFFFFF0];
	s15 =	sor.u32 $0x8000, s14  }
0x39: {  	s31 =	sand.u32 $0x1, s11;
	v1 =	vld [tilespmem:s16+$0x0];
	s17 =	sadd.s32 $0x0, s15  }
0x3a: {  	v2 =	vld [tilespmem:s16+$0x10];
	s14 =	smul.u32 $0x10200, s31;
	[tilespmem:s17+$0x3870 ss:$0x81] =	vst.msk $0xffff, v0  }
0x3b: {  	[tilespmem:s17+$0x810 ss:$0x81] =	vst.msk $0xffff, v3;
	v3 =	vld [tilespmem:s16+$0x20]  }
0x3c: {  	s14 =	sshrl.u32 s14, $0x2;
	v0 =	vld [tilespmem:s16+$0xFFFFFFC0];
	[tilespmem:s17+$0x1020 ss:$0x81] =	vst.msk $0xffff, v4;
	s16 =	sadd.s32 $0x80, s16  }
0x3d: {  	s18 =	simm.s32 $0x4;
	s19 =	simm.s32 $0x8;
	s14 =	sor.u32 $0x8000, s14;
	[tilespmem:s17+$0x1830 ss:$0x81] =	vst.msk $0xffff, v5;
	v4 =	vld [tilespmem:s16+$0x30]  }
.LBB1_3:
0x3e: {  	p1 =	sne.s32 s19, $0x1FC;
	v5 =	vld [tilespmem:s16+$0xFFFFFFD0];
	[tilespmem:s17+$0x2040 ss:$0x81] =	vst.msk $0xffff, v1  }
0x3f: {  	v6 =	vld [tilespmem:s16+$0xFFFFFFE0];
	[tilespmem:s17+$0x2850 ss:$0x81] =	vst.msk $0xffff, v2  }
0x40: {  	s20 =	sshra.s32 s18, $0x2;
	s18 =	smov.u32 s19;
	v7 =	vld [tilespmem:s16+$0xFFFFFFF0];
	[tilespmem:s17+$0x3060 ss:$0x81] =	vst.msk $0xffff, v3  }
.Ltmp3:
0x41: {  	v1 =	vld [tilespmem:s16+$0x0];
	[tilespmem:s17+$0x0 ss:$0x81] =	vst.msk $0xffff, v0;
	s17 =	sadd.s32 s20, s15;
	(pc) =	sbr.rel @p1 .LBB1_3-.Ltmp3, $4  }
0x42: {  	v2 =	vld [tilespmem:s16+$0x10];
	[tilespmem:s17+$0x3870 ss:$0x81] =	vst.msk $0xffff, v4  }
0x43: {  	[tilespmem:s17+$0x810 ss:$0x81] =	vst.msk $0xffff, v5;
	v3 =	vld [tilespmem:s16+$0x20]  }
0x44: {  	v0 =	vld [tilespmem:s16+$0xFFFFFFC0];
	[tilespmem:s17+$0x1020 ss:$0x81] =	vst.msk $0xffff, v6;
	s16 =	sadd.s32 $0x80, s16  }
0x45: {  	s19 =	sadd.s32 $0x4, s19;
	v4 =	vld [tilespmem:s16+$0x30];
	[tilespmem:s17+$0x1830 ss:$0x81] =	vst.msk $0xffff, v7  }
.Ltmp4:
0x46: {  	_ = 	snop;
	(pc) =	sbr.rel .LBB1_4-.Ltmp4, $1  }
0x47: {  	_ =	sdelay $0x3  }
.LBB1_6:
0x48: {  	_ =	sfence.sel $0x180000  }
0x49: {  	s2 =	simm.s32 $0x1;
	[bflag:$0x0] =	sbarrier.arrive $0xFFFF  }
0x4a: {  	s31 =	simm.s32 $0x2;
	[sflag:s2] =	ssyncpa.u1 $0x1  }
0x4b: {  	[sflag:s31] =	ssyncpa.u1 $0x1  }
0x4c: {  	p0 =	sne.s32 s0, $0x0;
	_ =	strace $0x90000047  }
0x4d: {  	s0 =	sadd.s32 @!p0 $0x100000, s1;
	[bflag:$0x2] =	sbarrier.arrive $0xFFFF  }
0x4e: {  	[sflag:s0] =	ssyncadd.tile.s32 @!p0 $0x1;
	_ =	shalt  }
.Lfunc_end1:
_tile_overlayer_lowered:
.L_overlay_start_2:
0x4f: {  	(tag) =	ssettag $0x2  }
0x50: {  	s0 =	rddreg [dreg:$0x0];
	s2 =	stileid.u32  }
0x51: {  	s1 =	rddreg [dreg:$0x1];
	p0 =	sne.s32 s2, $0x0  }
0x52: {  	s3 =	rddreg [dreg:$0x2];
	[bflag:$0x3] =	sbarrier.arrive $0xFFFF;
	s2 =	simm.s32 @!p0 $0x1C01  }
0x53: {  	[timem:s3], [sflag:s2] =	dma.local @!p0 [hbm:s0], s1  }
0x54: {  	s0 =	simm.s32 @!p0 $0x1  }
0x55: {  	_ =	swait.ge @!p0 [sflag:s0], s1  }
0x56: {  	s1 =	ssub.s32 @!p0 $0x0, s1;
	[sflag:s0] =	ssyncset.done @!p0 $0x0  }
0x57: {  	[sflag:s0] =	ssyncadd.s32 @!p0 s1  }
0x58: {  	[bflag:$0x3] =	sbarrier.arrive $0xFFFF  }
0x59: {  	_ =	shalt  }

// kernel: sparse-core-data-format-call.cloned.1.call-start
scs
called_computation_lowered:
.L_overlay_start_0:
0x0: {  	s1 =	sld [smem:$0x3FD9]  }
0x1: {  	s2 =	sld [smem:$0x3FFE];
	_ =	sdelay $0x1  }
0x2: {  	s3 =	srdreg.scid  }
0x3: {  	s0 =	sand.u32 $0x1, s3  }
0x4: {  	s17 =	sshll.u32 s0, $0xA;
	s1 =	sadd.s32 s2, s1  }
0x5: {  	s1 =	sadd.s32 s1, s17  }
0x6: {  	[smem:$0x3FC7] =	sst s1  }
0x7: {  	_ = 	snop  }
0x8: {  	(tm) =	ssettm $0x1  }
0x9: {  	s18 =	sld [smem:$0x3FFB];
	_ =	sdelay $0x3  }
0xa: {  	_ =	strace s18  }
0xb: {  	s1 =	sld [smem:$0x3FFC];
	_ =	sdelay $0x3  }
0xc: {  	_ =	strace s1  }
0xd: {  	s1 =	sld [smem:$0x3FFD];
	_ =	sdelay $0x3  }
0xe: {  	_ =	strace s1  }
0xf: {  	_ =	strace $0x8FFFFFFF  }
0x10: {  	s19 =	sld [smem:$0x3FDB];
	_ =	sdelay $0x1  }
0x11: {  	s20 =	simm.s32 $_scs_section_size  }
0x12: {  	s4 =	simm.s32 $_size__tile_overlayer_lowered;
	s5 =	simm.s32 $_tile_overlayer_lowered  }
0x13: {  	s23 =	simm.s32 $0x1BFF;
	s22 =	sshll.u32 s5, $0x1;
	s1 =	sadd.s32 s20, s19  }
0x14: {  	s6 =	simm.s32 $0x0;
	s21 =	sshll.u32 s4, $0x1;
	s4 =	sadd.s32 s22, s1  }
0x15: {  	[timem:s6], [sflag:s23] =	dma.local [hbm:s4], s21  }
0x16: {  	_ =	swait.ge [sflag:s23], s21  }
0x17: {  	s2 =	ssub.s32 $0x0, s21;
	[sflag:s23] =	ssyncset.done $0x0  }
0x18: {  	[sflag:s23] =	ssyncadd.s32 s2;
	_ =	sdelay $0x1  }
0x19: {  	s24 =	simm.s32 $0x1B8B  }
0x1a: {  	_ =	swait.ge [sflag:s24], $0x1  }
0x1b: {  	[sflag:s24] =	ssyncset.done $0x0  }
0x1c: {  	s26 =	simm.s32 $0x1B8E;
	s25 =	sld [smem:$0x3FFE];
	[sflag:s24] =	ssyncadd.s32 $0xFFFFFFFF  }
0x1d: {  	s27 =	simm.s32 $execute0_lowered;
	[smem:$0x3FD2] =	sst s26  }
0x1e: {  	s4 =	sshll.u32 s27, $0x1;
	_ =	strace $0x8000004F;
	[dreg:$0x1] =	wrdreg $0xFFFFFFFF  }
0x1f: {  	s28 =	simm.s32 $_size_execute0_lowered;
	s1 =	sadd.s32 s1, s4;
	[dreg:$0x0] =	wrdreg $0x0  }
0x20: {  	s4 =	sshll.u32 s28, $0x1;
	[dreg:$0x2] =	wrdreg s1  }
0x21: {  	[dreg:$0x3] =	wrdreg s4  }
0x22: {  	[dreg:$0x4] =	wrdreg $0xC0  }
0x23: {  	_ =	task [dreg:s6], $0x5FFFF  }
0x24: {  	[dreg:$0x1] =	wrdreg $0xFFFFFFFF  }
0x25: {  	[dreg:$0x0] =	wrdreg $0x60  }
0x26: {  	[dreg:$0x2] =	wrdreg s25  }
0x27: {  	[dreg:$0x3] =	wrdreg $0x9  }
0x28: {  	_ =	task.clear_ibuf [dreg:s6], $0x4FFFF;
	_ =	strace $0x9000004F  }
0x29: {  	s29 =	simm.s32 $0x9;
	_ =	strace $0x80000051  }
0x2a: {  	_ =	swait.ge [sflag:s29], $0x1  }
0x2b: {  	[sflag:s29] =	ssyncadd.s32 $0xFFFFFFFF  }
0x2c: {  	_ =	strace $0x90000051  }
0x2d: {  	_ =	sfence  }
0x2e: {  	s30 =	sld [smem:$0x0];
	_ =	sdelay $0x2  }
0x2f: {  	s31 =	sshll.u32 s3, $0xD;
	s3 =	sshrl.u32 s3, $0x2  }
0x30: {  	s2 =	sand.u32 $0x4000, s31;
	s1 =	sadd.s32 s3, s30  }
0x31: {  	s0 =	sor.u32 s2, s0;
	s1 =	sshll.u32 s1, $0x11  }
0x32: {  	s0 =	sor.u32 s1, s0  }
0x33: {  	s0 =	sadd.s32 $0x8F2B, s0  }
0x34: {  	[sflag:s0] =	ssyncadd.remote.s32 $0x1  }
0x35: {  	_ =	sfence.sel $0xFFFF  }
0x36: {  	[dreg:$0x0] =	wrdreg $0xFFFFFFFF;
	(pc) =	sbr.abs _section_cstart, $3  }
0x37: {  	[dreg:$0x1] =	wrdreg $0xFFFFFFFF  }
0x38: {  	_ =	task.clear_ibuf [dreg:s6], $0x2FFFF;
	_ =	strace $0x9FFFFFFF  }
0x39: {  	(tm) =	ssettm $0x7FFFFFFF  }
tec
execute0_lowered:
.L_overlay_start_1:
0x0: {  	(tag) =	ssettag $0x1  }
0x1: {  	s7 =	rddreg [dreg:$0x0]  }
0x2: {  	s1 =	stileid.u32;
	s3 =	srdreg.scid  }
0x3: {  	s0 =	rddreg [dreg:$0x1];
	_ =	strace $0x80000050;
	s8 =	simm.s32 $0x1  }
0x4: {  	s31 =	simm.s32 $0x2;
	s14 =	simm.s32 $0x0;
	s13 =	simm.s32 $0x0  }
0x5: {  	s12 =	simm.s32 $0x0;
	s2 =	sshll.u32 s1, $0x7;
	s3 =	sshll.u32 s3, $0x7  }
0x6: {  	s3 =	sand.u32 $0x80, s3;
	s4 =	ssub.s32 $0x800, s2;
	s11 =	smov.u32 s2  }
0x7: {  	s5 =	sshrl.u32 s4, $0xB;
	s4 =	sand.u32 $0x780, s4;
	s6 =	ssub.s32 $0x1000, s3  }
0x8: {  	p0 =	sne.s32 s4, $0x0;
	s30 =	sshrl.u32 s6, $0x7;
	s6 =	sshrl.u32 s6, $0x8  }
.Ltmp0:
0x9: {  	s8 =	simm.s32 @!p0 $0x0;
	s9 =	sand.u32 $0x1, s30;
	(pc) =	sbr.rel .LBB1_1-.Ltmp0, $4  }
0xa: {  	s4 =	simm.s32 $0x1;
	s5 =	sadd.s32 s8, s5;
	s6 =	sadd.s32 s6, s9  }
0xb: {  	s10 =	smov.u32 s3;
	[sflag:s4] =	ssyncpa.u1 $0x0;
	s5 =	smul.u32 s5, s6  }
0xc: {  	p0 =	por $0x0, $0x0;
	[sflag:s31] =	ssyncpa.u1 $0x0;
	s9 =	simm.s32 $0x4000  }
0xd: {  	s6 =	sadd.s32 $0x1200, s7;
	s7 =	sadd.s32 $0x101200, s7;
	s8 =	sadd.s32 $0x1, s5  }
.LBB1_4:
0xe: {  	v5 =	vld [tilespmem:s17+$0xFFFFFFD0]  }
0xf: {  	[tilespmem:s18+$0x2040 ss:$0x81] =	vst.msk $0xffff, v1;
	v58 =	vld [tilespmem:s17+$0xFFFFFFE0]  }
0x10: {  	[tilespmem:s18+$0x2850 ss:$0x81] =	vst.msk $0xffff, v2;
	v59 =	vld [tilespmem:s17+$0xFFFFFFF0]  }
0x11: {  	s19 =	sshra.s32 s19, $0x2;
	[tilespmem:s18+$0x3060 ss:$0x81] =	vst.msk $0xffff, v3;
	v60 =	vld [tilespmem:s17+$0x0]  }
0x12: {  	[tilespmem:s18+$0x0 ss:$0x81] =	vst.msk $0xffff, v0;
	v61 =	vld [tilespmem:s17+$0x10];
	s16 =	sadd.s32 s19, s16  }
0x13: {  	s26 =	sshll.u32 s14, $0xB;
	v62 =	vld [tilespmem:s17+$0x20];
	[tilespmem:s16+$0x3870 ss:$0x81] =	vst.msk $0xffff, v4  }
0x14: {  	s27 =	sand.u32 $0x78, s13;
	s20 =	sshll.u32 s13, $0x3;
	v63 =	vld [tilespmem:s17+$0xFFFFFFC0];
	s29 =	sshll.u32 s14, $0x7;
	[tilespmem:s16+$0x810 ss:$0x81] =	vst.msk $0xffff, v5  }
0x15: {  	s18 =	sand.u32 $0x7FC000, s26;
	s28 =	sand.u32 $0x7FFC00, s20;
	s20 =	sand.u32 $0x400, s20;
	[tilespmem:s16+$0x1020 ss:$0x81] =	vst.msk $0xffff, v58  }
0x16: {  	s14 =	sand.u32 $0x380, s29;
	s17 =	sadd.s32 s28, s18;
	s30 =	sor.u32 s27, s20;
	[tilespmem:s16+$0x1830 ss:$0x81] =	vst.msk $0xffff, v59  }
0x17: {  	s17 =	sand.u32 $0x7FF800, s17;
	s14 =	sor.u32 s14, s30;
	[tilespmem:s16+$0x2040 ss:$0x81] =	vst.msk $0xffff, v60  }
0x18: {  	s31 =	sand.u32 $0x7, s13;
	s14 =	sor.u32 s17, s14;
	[tilespmem:s16+$0x2850 ss:$0x81] =	vst.msk $0xffff, v61  }
0x19: {  	s13 =	sshll.u32 s31, $0x12;
	[tilespmem:s16+$0x3060 ss:$0x81] =	vst.msk $0xffff, v62;
	s14 =	sshrl.u32 s14, $0x3  }
0x1a: {  	s13 =	sor.u32 $0x400, s13;
	[tilespmem:s16+$0x0 ss:$0x81] =	vst.msk $0xffff, v63;
	s14 =	sadd.s32 s7, s14  }
0x1b: {  	[hbm4b:s14+s13] =	stream.strided.scatter [tilespmem:s15], [sflag:$0x2], $0x4000, s9, s13, $0x20;
	[tilespmem:$0x10100] =	vst v63  }
.LBB1_5:
0x1c: {  	s15 =	sadd.s32 $0x100, s10  }
0x1d: {  	s13 =	sadd.s32 $0x800, s11;
	s17 =	smov.u32 s11;
	p2 =	sgt.s32 s15, $0xFFF  }
0x1e: {  	s17 =	smov.u32 @p2 s13  }
0x1f: {  	s15 =	smov.u32 @p2 s3;
	p2 =	sgt.s32 s17, $0x7FF  }
0x20: {  	s17 =	smov.u32 @p2 s2;
	p2 =	sne.s32 s12, s8  }
.Ltmp1:
0x21: {  	p1 =	slt.u32 s12, $0x2;
	(pc) =	sbr.rel @!p2 .LBB1_6-.Ltmp1, $4  }
0x22: {  	s16 =	simm.s32 @!p1 $0x2  }
0x23: {  	s14 =	smov.u32 s10;
	p0 =	por !p0, !p0;
	_ =	swait.ge @!p1 [sflag:s16], $0x4000  }
0x24: {  	s13 =	smov.u32 s11;
	[sflag:s16] =	ssyncset.done @!p1 $0x0;
	s10 =	smov.u32 s15  }
0x25: {  	s12 =	sadd.s32 $0x1, s12;
	[sflag:s16] =	ssyncadd.s32 @!p1 $0xFFFFC000;
	s11 =	smov.u32 s17  }
.LBB1_1:
0x26: {  	p1 =	sge.u32 s12, s5;
	s31 =	sadd.s32 $0xFFFFFFFF, s12  }
0x27: {  	s15 =	sand.u32 @!p1 $0x78, s10;
	s16 =	sshll.u32 @!p1 s11, $0xC;
	s17 =	sshll.u32 @!p1 s11, $0x7  }
0x28: {  	s18 =	sshll.u32 @!p1 s10, $0x3;
	s16 =	sand.u32 @!p1 $0x7F8000, s16;
	s17 =	sand.u32 @!p1 $0x380, s17  }
0x29: {  	s16 =	sadd.s32 @!p1 s16, s18;
	s18 =	sand.u32 @!p1 $0xC00, s18;
	s15 =	sor.u32 @!p1 s17, s15  }
0x2a: {  	s17 =	sxor.u32 @!p1 $0xFFFFFFFF, s12;
	s16 =	sand.u32 @!p1 $0x7FF000, s16;
	s15 =	sor.u32 @!p1 s18, s15  }
0x2b: {  	s17 =	sshll.u32 @!p1 s17, $0xE;
	s15 =	sor.u32 @!p1 s16, s15;
	s16 =	sand.u32 @!p1 $0x7, s10  }
0x2c: {  	s18 =	simm.s32 @!p1 $0x8000;
	s15 =	sshrl.u32 @!p1 s15, $0x3;
	s16 =	sshll.u32 @!p1 s16, $0x12  }
0x2d: {  	s17 =	sand.u32 @!p1 $0x4000, s17;
	s15 =	sadd.s32 @!p1 s6, s15;
	s16 =	sor.u32 @!p1 $0x400, s16  }
0x2e: {  	[tilespmem:s17], [sflag:$0x1] =	stream.strided.gather @!p1 [hbm4b:s15+s16], $0x4000, s18, s16, $0x38;
	[tilespmem:$0x10100] =	vst v63  }
0x2f: {  	p1 =	sge.u32 s31, s5  }
.Ltmp2:
0x30: {  	_ = 	snop;
	(pc) =	sbr.rel @p1 .LBB1_5-.Ltmp2, $1  }
0x31: {  	_ =	sdelay $0x3  }
0x32: {  	s15 =	simm.s32 $0x1  }
0x33: {  	_ =	swait.ge [sflag:s4], $0x4000;
	s15 =	simm.s32 @!p0 $0x0  }
0x34: {  	[sflag:s4] =	ssyncset.done $0x0;
	s16 =	sshll.u32 s15, $0xE  }
0x35: {  	[sflag:s4] =	ssyncadd.s32 $0xFFFFC000;
	s17 =	sor.u32 $0x40, s16  }
0x36: {  	s15 =	smul.u32 $0x10200, s15;
	v0 =	vld [tilespmem:s17+$0x30]  }
0x37: {  	v3 =	vld [tilespmem:s17+$0xFFFFFFD0]  }
0x38: {  	s15 =	sshrl.u32 s15, $0x2;
	v4 =	vld [tilespmem:s17+$0xFFFFFFE0]  }
0x39: {  	v5 =	vld [tilespmem:s17+$0xFFFFFFF0];
	s16 =	sor.u32 $0x8000, s15  }
0x3a: {  	s31 =	sand.u32 $0x1, s12;
	v1 =	vld [tilespmem:s17+$0x0];
	s18 =	sadd.s32 $0x0, s16  }
0x3b: {  	v2 =	vld [tilespmem:s17+$0x10];
	s15 =	smul.u32 $0x10200, s31;
	[tilespmem:s18+$0x3870 ss:$0x81] =	vst.msk $0xffff, v0  }
0x3c: {  	[tilespmem:s18+$0x810 ss:$0x81] =	vst.msk $0xffff, v3;
	v3 =	vld [tilespmem:s17+$0x20]  }
0x3d: {  	s15 =	sshrl.u32 s15, $0x2;
	v0 =	vld [tilespmem:s17+$0xFFFFFFC0];
	[tilespmem:s18+$0x1020 ss:$0x81] =	vst.msk $0xffff, v4;
	s17 =	sadd.s32 $0x80, s17  }
0x3e: {  	s19 =	simm.s32 $0x4;
	s20 =	simm.s32 $0x8;
	s15 =	sor.u32 $0x8000, s15;
	[tilespmem:s18+$0x1830 ss:$0x81] =	vst.msk $0xffff, v5;
	v4 =	vld [tilespmem:s17+$0x30]  }
.LBB1_3:
0x3f: {  	p1 =	sne.s32 s20, $0x1FC;
	v5 =	vld [tilespmem:s17+$0xFFFFFFD0];
	[tilespmem:s18+$0x2040 ss:$0x81] =	vst.msk $0xffff, v1  }
0x40: {  	v6 =	vld [tilespmem:s17+$0xFFFFFFE0];
	[tilespmem:s18+$0x2850 ss:$0x81] =	vst.msk $0xffff, v2  }
0x41: {  	s21 =	sshra.s32 s19, $0x2;
	s19 =	smov.u32 s20;
	v7 =	vld [tilespmem:s17+$0xFFFFFFF0];
	[tilespmem:s18+$0x3060 ss:$0x81] =	vst.msk $0xffff, v3  }
.Ltmp3:
0x42: {  	v1 =	vld [tilespmem:s17+$0x0];
	[tilespmem:s18+$0x0 ss:$0x81] =	vst.msk $0xffff, v0;
	s18 =	sadd.s32 s21, s16;
	(pc) =	sbr.rel @p1 .LBB1_3-.Ltmp3, $4  }
0x43: {  	v2 =	vld [tilespmem:s17+$0x10];
	[tilespmem:s18+$0x3870 ss:$0x81] =	vst.msk $0xffff, v4  }
0x44: {  	[tilespmem:s18+$0x810 ss:$0x81] =	vst.msk $0xffff, v5;
	v3 =	vld [tilespmem:s17+$0x20]  }
0x45: {  	v0 =	vld [tilespmem:s17+$0xFFFFFFC0];
	[tilespmem:s18+$0x1020 ss:$0x81] =	vst.msk $0xffff, v6;
	s17 =	sadd.s32 $0x80, s17  }
0x46: {  	s20 =	sadd.s32 $0x4, s20;
	v4 =	vld [tilespmem:s17+$0x30];
	[tilespmem:s18+$0x1830 ss:$0x81] =	vst.msk $0xffff, v7  }
.Ltmp4:
0x47: {  	_ = 	snop;
	(pc) =	sbr.rel .LBB1_4-.Ltmp4, $1  }
0x48: {  	_ =	sdelay $0x3  }
.LBB1_6:
0x49: {  	_ =	sfence.sel $0x180000  }
0x4a: {  	s2 =	simm.s32 $0x1;
	[bflag:$0x0] =	sbarrier.arrive $0xFFFF  }
0x4b: {  	s31 =	simm.s32 $0x2;
	[sflag:s2] =	ssyncpa.u1 $0x1  }
0x4c: {  	[sflag:s31] =	ssyncpa.u1 $0x1  }
0x4d: {  	p0 =	sne.s32 s1, $0x0;
	_ =	strace $0x90000050  }
0x4e: {  	s0 =	sadd.s32 @!p0 $0x100000, s0;
	[bflag:$0x2] =	sbarrier.arrive $0xFFFF  }
0x4f: {  	[sflag:s0] =	ssyncadd.tile.s32 @!p0 $0x1;
	_ =	shalt  }
.Lfunc_end1:
_tile_overlayer_lowered:
.L_overlay_start_2:
0x50: {  	(tag) =	ssettag $0x2  }
0x51: {  	s0 =	rddreg [dreg:$0x0];
	s2 =	stileid.u32  }
0x52: {  	s1 =	rddreg [dreg:$0x1];
	p0 =	sne.s32 s2, $0x0  }
0x53: {  	s3 =	rddreg [dreg:$0x2];
	[bflag:$0x3] =	sbarrier.arrive $0xFFFF;
	s2 =	simm.s32 @!p0 $0x1C01  }
0x54: {  	[timem:s3], [sflag:s2] =	dma.local @!p0 [hbm:s0], s1  }
0x55: {  	s0 =	simm.s32 @!p0 $0x1  }
0x56: {  	_ =	swait.ge @!p0 [sflag:s0], s1  }
0x57: {  	s1 =	ssub.s32 @!p0 $0x0, s1;
	[sflag:s0] =	ssyncset.done @!p0 $0x0  }
0x58: {  	[sflag:s0] =	ssyncadd.s32 @!p0 s1  }
0x59: {  	[bflag:$0x3] =	sbarrier.arrive $0xFFFF  }
0x5a: {  	_ =	shalt  }

</sc_bundles>
